<compile_context>
chip_gen: v7x
topology: tpu7x:2x2x1
jax: 0.10.2.dev20260603
libtpu: 0.0.44.dev20260713+nightly
codegen_flags: <defaults>
</compile_context>

<pallas_src>
import functools

import jax
import jax.numpy as jnp
import numpy as np
from jax import lax
from jax.experimental import pallas as pl
from jax.experimental.pallas import tpu as pltpu
from jax.experimental.pallas import tpu_sc as plsc

_BS, _CH = 16, 768
_HW = 1024
_NP = _BS // 2
_TPP = 4
_RPT = _HW // _TPP
_R = 16
_NBLK = _RPT // _R
_NV = _CH // 16


def _build_masks():
    rng = np.random.default_rng(0)
    r_lo, r_hi = 0.1, 0.3
    rng.random()
    sel = np.zeros((_NP, _CH), np.float32)
    for p, i in enumerate(range(0, _BS - 1, 2)):
        num_first = int(_CH * (rng.random() * (r_hi - r_lo) + r_lo))
        perm = rng.permutation(_CH)
        sel[p, perm[:num_first]] = 1.0
    rng.random()
    nf = int(_CH * (rng.random() * (r_hi - r_lo) + r_lo))
    ns = int(_CH * (rng.random() * (r_hi - r_lo) + r_lo))
    perm = rng.permutation(_CH)
    keep = np.ones(_CH, np.float32)
    keep[perm[nf:nf + ns]] = 0.0
    a = keep[None, :] * (1.0 - sel)
    b = keep[None, :] * sel
    k = np.tile(keep[None, :], (_NP, 1))
    return np.stack([a, b, k], axis=1).astype(np.float32)


_MASKS = _build_masks()


def _compute_block(ye, yo, masks_v):
    def vbody(v, carry):
        sl = pl.ds(v * 16, 16)
        va = masks_v[0, sl]
        vb = masks_v[1, sl]
        vk = masks_v[2, sl]

        def rbody(r):
            e = ye[r, sl]
            o = yo[r, sl]
            ye[r, sl] = e * va + o * vb
            yo[r, sl] = o * vk

        plsc.parallel_loop(0, _R, 1, unroll=8)(rbody)
        return carry

    lax.fori_loop(0, _NV, vbody, 0)


_NSETS = 4
_PRIME = _NSETS - 1


def _sc_body(y_hbm, masks_hbm, out_hbm, bufs, masks_v, insems, outsems):
    wid = lax.axis_index("s") * 2 + lax.axis_index("c")
    p = wid // _TPP
    st = lax.rem(wid, _TPP)
    base_e = (2 * p) * _HW + st * _RPT
    base_o = base_e + _HW

    in_h = [None] * _NSETS
    out_h = [None] * _NSETS

    def start_in(k):
        s = k % _NSETS
        ye, yo = bufs[s]
        in_h[s] = (
            pltpu.async_copy(y_hbm.at[pl.ds(base_e + k * _R, _R)], ye, insems[s]),
            pltpu.async_copy(y_hbm.at[pl.ds(base_o + k * _R, _R)], yo, insems[s]),
        )

    mask_h = pltpu.async_copy(masks_hbm.at[p], masks_v, insems[_NSETS - 1])
    for k in range(min(_PRIME, _NBLK)):
        start_in(k)
    mask_h.wait()
    for k in range(_NBLK):
        s = k % _NSETS
        ye, yo = bufs[s]
        for h in in_h[s]:
            h.wait()
        _compute_block(ye, yo, masks_v)
        out_h[s] = (
            pltpu.async_copy(ye, out_hbm.at[pl.ds(base_e + k * _R, _R)], outsems[s]),
            pltpu.async_copy(yo, out_hbm.at[pl.ds(base_o + k * _R, _R)], outsems[s]),
        )
        if k + _PRIME < _NBLK:
            nxt = (k + _PRIME) % _NSETS
            if out_h[nxt] is not None:
                for h in out_h[nxt]:
                    h.wait()
                out_h[nxt] = None
            start_in(k + _PRIME)
    for hs in out_h:
        if hs is not None:
            for h in hs:
                h.wait()


@functools.partial(
    pl.kernel,
    out_type=jax.ShapeDtypeStruct((_BS * _HW, _CH), jnp.float32),
    mesh=plsc.VectorSubcoreMesh(core_axis_name="c", subcore_axis_name="s"),
    scratch_types=(
        [pltpu.VMEM((_R, _CH), jnp.float32) for _ in range(2 * _NSETS)]
        + [pltpu.VMEM((3, _CH), jnp.float32)]
        + [pltpu.SemaphoreType.DMA for _ in range(2 * _NSETS)]
    ),
)
def _content_fa_sc(y_hbm, masks_hbm, out_hbm, *scratch):
    data = scratch[: 2 * _NSETS]
    masks_v = scratch[2 * _NSETS]
    sems = scratch[2 * _NSETS + 1:]
    bufs = tuple((data[2 * s], data[2 * s + 1]) for s in range(_NSETS))
    insems = sems[:_NSETS]
    outsems = sems[_NSETS:]
    _sc_body(y_hbm, masks_hbm, out_hbm, bufs, masks_v, insems, outsems)


def kernel(y, epoch):
    del epoch
    y_t = jnp.transpose(y, (0, 2, 3, 1))
    y2 = jnp.reshape(y_t, (_BS * _HW, _CH))
    out = _content_fa_sc(y2, jnp.asarray(_MASKS))
    out_t = jnp.reshape(out, (_BS, 32, 32, _CH))
    return jnp.transpose(out_t, (0, 3, 1, 2))

# --- scband reference (transcript-rebuilt; emitter-appended) ---
"""Pipeline reference for scband-content-fa-53051436040534 (READ-ONLY COPY).

The authoritative reference and input builder live on the scoring server;
editing this copy changes nothing except your own understanding.
"""

import jax, jax.numpy as jnp
import numpy as np


def setup_inputs(seed: int = 0) -> dict:
    key = jax.random.key(seed)
    y = jax.random.normal(key, (16, 768, 32, 32), dtype=jnp.float32)
    return {"y": y, "epoch": 1}


def reference(y, epoch):
    # Content_FA with use_masks=False, prob_FA_con=1.0, ranges=(0.1, 0.3).
    # epoch=1 so the plotting branch (epoch % 500 == 0) is skipped.
    prob = 1.0
    r_lo, r_hi = 0.1, 0.3
    bs, ch = y.shape[0], y.shape[1]
    rng = np.random.default_rng(0)
    ans = y
    # ---- mix: randomly swap channels between adjacent instances ----
    # NOTE: in the original torch code `ans` aliases `y`, so the second
    # assignment reads the already-overwritten row. Sequential functional
    # updates below reproduce that exact semantics.
    if rng.random() < prob:
        for i in range(0, bs - 1, 2):
            num_first = int(ch * (rng.random() * (r_hi - r_lo) + r_lo))
            perm = rng.permutation(ch)
            ch_first = jnp.asarray(perm[:num_first])
            ans = ans.at[i, ch_first].set(ans[i + 1, ch_first])
            ans = ans.at[i + 1, ch_first].set(ans[i, ch_first])
    # ---- drop: randomly zero out channels ----
    if rng.random() < prob:
        num_first = int(ch * (rng.random() * (r_hi - r_lo) + r_lo))
        num_second = int(ch * (rng.random() * (r_hi - r_lo) + r_lo))
        perm = rng.permutation(ch)
        ch_second = jnp.asarray(perm[num_first:num_first + num_second])
        ans = ans.at[:, ch_second].set(0.0)
    return ans

if __name__ == "__main__":
    import jax
    _d = setup_inputs()
    print(jax.jit(kernel)(*tuple(_d.values())))

</pallas_src>

<mosaic_0001>
#map = affine_map<(d0, d1) -> (0, 0)>
#map1 = affine_map<(d0, d1) -> (0, 0, 0)>
module attributes {stable_mosaic.version = 14 : i64} {
  func.func @_content_fa_sc(%arg0: i32, %arg1: i32, %arg2: memref<16384x768xf32, #tpu.memory_space<hbm>>, %arg3: memref<8x3x768xf32, #tpu.memory_space<hbm>>, %arg4: memref<16384x768xf32, #tpu.memory_space<hbm>>, %arg5: memref<16x768xf32, #tpu.memory_space<vmem>>, %arg6: memref<16x768xf32, #tpu.memory_space<vmem>>, %arg7: memref<16x768xf32, #tpu.memory_space<vmem>>, %arg8: memref<16x768xf32, #tpu.memory_space<vmem>>, %arg9: memref<16x768xf32, #tpu.memory_space<vmem>>, %arg10: memref<16x768xf32, #tpu.memory_space<vmem>>, %arg11: memref<16x768xf32, #tpu.memory_space<vmem>>, %arg12: memref<16x768xf32, #tpu.memory_space<vmem>>, %arg13: memref<3x768xf32, #tpu.memory_space<vmem>>, %arg14: memref<!tpu.dma_semaphore, #tpu.memory_space<semaphore_mem>>, %arg15: memref<!tpu.dma_semaphore, #tpu.memory_space<semaphore_mem>>, %arg16: memref<!tpu.dma_semaphore, #tpu.memory_space<semaphore_mem>>, %arg17: memref<!tpu.dma_semaphore, #tpu.memory_space<semaphore_mem>>, %arg18: memref<!tpu.dma_semaphore, #tpu.memory_space<semaphore_mem>>, %arg19: memref<!tpu.dma_semaphore, #tpu.memory_space<semaphore_mem>>, %arg20: memref<!tpu.dma_semaphore, #tpu.memory_space<semaphore_mem>>, %arg21: memref<!tpu.dma_semaphore, #tpu.memory_space<semaphore_mem>>) attributes {dimension_semantics = [#tpu.dimension_semantics<core_parallel>, #tpu.dimension_semantics<subcore_parallel>], iteration_bounds = array<i64: 2, 16>, scalar_prefetch = 0 : i64, scratch_operands = 17 : i64, tpu.core_type = #tpu.core_type<sc_vector_subcore>, window_params = [{transform_indices = #map}, {transform_indices = #map1}, {transform_indices = #map}]} {
    %mul3A = arith.constant 2 : i32
    %mul3A_0 = arith.muli %arg1, %mul3A : i32
    %add3A = arith.addi %mul3A_0, %arg0 : i32
    %jit3A = arith.constant 4 : i32
    %div3A = arith.divsi %add3A, %jit3A : i32
    %sign3A = arith.constant 0 : i32
    %sign3A_1 = arith.cmpi sgt, %add3A, %sign3A : i32
    %sign3A_2 = arith.extui %sign3A_1 : i1 to i32
    %sign3A_3 = arith.constant 0 : i32
    %sign3A_4 = arith.cmpi slt, %add3A, %sign3A_3 : i32
    %sign3A_5 = arith.extui %sign3A_4 : i1 to i32
    %sign3A_6 = arith.subi %sign3A_2, %sign3A_5 : i32
    %sign3A_7 = arith.constant 0 : i32
    %sign3A_8 = arith.cmpi sgt, %jit3A, %sign3A_7 : i32
    %sign3A_9 = arith.extui %sign3A_8 : i1 to i32
    %sign3A_10 = arith.constant 0 : i32
    %sign3A_11 = arith.cmpi slt, %jit3A, %sign3A_10 : i32
    %sign3A_12 = arith.extui %sign3A_11 : i1 to i32
    %sign3A_13 = arith.subi %sign3A_9, %sign3A_12 : i32
    %ne3A = arith.cmpi ne, %sign3A_6, %sign3A_13 : i32
    %rem3A = arith.remsi %add3A, %jit3A : i32
    %ne3A_14 = arith.constant 0 : i32
    %ne3A_15 = arith.cmpi ne, %rem3A, %ne3A_14 : i32
    %and3A = arith.andi %ne3A, %ne3A_15 : i1
    %sub3A = arith.constant 1 : i32
    %sub3A_16 = arith.subi %div3A, %sub3A : i32
    %select_n3A = arith.select %and3A, %sub3A_16, %div3A : i32
    %rem3A_17 = arith.constant 4 : i32
    %rem3A_18 = arith.remsi %add3A, %rem3A_17 : i32
    %mul3A_19 = arith.constant 2 : i32
    %mul3A_20 = arith.muli %mul3A_19, %select_n3A : i32
    %mul3A_21 = arith.constant 1024 : i32
    %mul3A_22 = arith.muli %mul3A_20, %mul3A_21 : i32
    %mul3A_23 = arith.constant 256 : i32
    %mul3A_24 = arith.muli %rem3A_18, %mul3A_23 : i32
    %add3A_25 = arith.addi %mul3A_22, %mul3A_24 : i32
    %add3A_26 = arith.constant 1024 : i32
    %add3A_27 = arith.addi %add3A_25, %add3A_26 : i32
    %dma_start3A = arith.constant 0 : i32
    %dma_start3A_28 = arith.constant 0 : i32
    %dma_start3A_29 = tpu.memref_slice %arg3[%select_n3A, %dma_start3A, %dma_start3A_28] : memref<8x3x768xf32, #tpu.memory_space<hbm>> -> memref<1x3x768xf32, #tpu.memory_space<hbm>>
    %dma_start3A_30 = tpu.memref_squeeze %dma_start3A_29 : memref<1x3x768xf32, #tpu.memory_space<hbm>> -> memref<3x768xf32, #tpu.memory_space<hbm>>
    %dma_start3A_31 = arith.constant 0 : i32
    %dma_start3A_32 = arith.constant 0 : i32
    %dma_start3A_33 = tpu.memref_slice %arg3[%select_n3A, %dma_start3A_31, %dma_start3A_32] : memref<8x3x768xf32, #tpu.memory_space<hbm>> -> memref<1x3x768xf32, #tpu.memory_space<hbm>>
    %dma_start3A_34 = tpu.memref_squeeze %dma_start3A_33 : memref<1x3x768xf32, #tpu.memory_space<hbm>> -> memref<3x768xf32, #tpu.memory_space<hbm>>
    tpu.enqueue_dma source(%dma_start3A_34 : memref<3x768xf32, #tpu.memory_space<hbm>>) target(%arg13 : memref<3x768xf32, #tpu.memory_space<vmem>>) target_semaphore(%arg17 : memref<!tpu.dma_semaphore, #tpu.memory_space<semaphore_mem>>)
    %add3A_35 = arith.constant 0 : i32
    %add3A_36 = arith.addi %add3A_25, %add3A_35 : i32
    %dma_start3A_37 = arith.constant 0 : i32
    %dma_start3A_38 = tpu.memref_slice %arg2[%add3A_36, %dma_start3A_37] : memref<16384x768xf32, #tpu.memory_space<hbm>> -> memref<16x768xf32, #tpu.memory_space<hbm>>
    %dma_start3A_39 = arith.constant 0 : i32
    %dma_start3A_40 = tpu.memref_slice %arg2[%add3A_36, %dma_start3A_39] : memref<16384x768xf32, #tpu.memory_space<hbm>> -> memref<16x768xf32, #tpu.memory_space<hbm>>
    tpu.enqueue_dma source(%dma_start3A_40 : memref<16x768xf32, #tpu.memory_space<hbm>>) target(%arg5 : memref<16x768xf32, #tpu.memory_space<vmem>>) target_semaphore(%arg14 : memref<!tpu.dma_semaphore, #tpu.memory_space<semaphore_mem>>)
    %add3A_41 = arith.constant 0 : i32
    %add3A_42 = arith.addi %add3A_27, %add3A_41 : i32
    %dma_start3A_43 = arith.constant 0 : i32
    %dma_start3A_44 = tpu.memref_slice %arg2[%add3A_42, %dma_start3A_43] : memref<16384x768xf32, #tpu.memory_space<hbm>> -> memref<16x768xf32, #tpu.memory_space<hbm>>
    %dma_start3A_45 = arith.constant 0 : i32
    %dma_start3A_46 = tpu.memref_slice %arg2[%add3A_42, %dma_start3A_45] : memref<16384x768xf32, #tpu.memory_space<hbm>> -> memref<16x768xf32, #tpu.memory_space<hbm>>
    tpu.enqueue_dma source(%dma_start3A_46 : memref<16x768xf32, #tpu.memory_space<hbm>>) target(%arg6 : memref<16x768xf32, #tpu.memory_space<vmem>>) target_semaphore(%arg14 : memref<!tpu.dma_semaphore, #tpu.memory_space<semaphore_mem>>)
    %add3A_47 = arith.constant 16 : i32
    %add3A_48 = arith.addi %add3A_25, %add3A_47 : i32
    %dma_start3A_49 = arith.constant 0 : i32
    %dma_start3A_50 = tpu.memref_slice %arg2[%add3A_48, %dma_start3A_49] : memref<16384x768xf32, #tpu.memory_space<hbm>> -> memref<16x768xf32, #tpu.memory_space<hbm>>
    %dma_start3A_51 = arith.constant 0 : i32
    %dma_start3A_52 = tpu.memref_slice %arg2[%add3A_48, %dma_start3A_51] : memref<16384x768xf32, #tpu.memory_space<hbm>> -> memref<16x768xf32, #tpu.memory_space<hbm>>
    tpu.enqueue_dma source(%dma_start3A_52 : memref<16x768xf32, #tpu.memory_space<hbm>>) target(%arg7 : memref<16x768xf32, #tpu.memory_space<vmem>>) target_semaphore(%arg15 : memref<!tpu.dma_semaphore, #tpu.memory_space<semaphore_mem>>)
    %add3A_53 = arith.constant 16 : i32
    %add3A_54 = arith.addi %add3A_27, %add3A_53 : i32
    %dma_start3A_55 = arith.constant 0 : i32
    %dma_start3A_56 = tpu.memref_slice %arg2[%add3A_54, %dma_start3A_55] : memref<16384x768xf32, #tpu.memory_space<hbm>> -> memref<16x768xf32, #tpu.memory_space<hbm>>
    %dma_start3A_57 = arith.constant 0 : i32
    %dma_start3A_58 = tpu.memref_slice %arg2[%add3A_54, %dma_start3A_57] : memref<16384x768xf32, #tpu.memory_space<hbm>> -> memref<16x768xf32, #tpu.memory_space<hbm>>
    tpu.enqueue_dma source(%dma_start3A_58 : memref<16x768xf32, #tpu.memory_space<hbm>>) target(%arg8 : memref<16x768xf32, #tpu.memory_space<vmem>>) target_semaphore(%arg15 : memref<!tpu.dma_semaphore, #tpu.memory_space<semaphore_mem>>)
    %add3A_59 = arith.constant 32 : i32
    %add3A_60 = arith.addi %add3A_25, %add3A_59 : i32
    %dma_start3A_61 = arith.constant 0 : i32
    %dma_start3A_62 = tpu.memref_slice %arg2[%add3A_60, %dma_start3A_61] : memref<16384x768xf32, #tpu.memory_space<hbm>> -> memref<16x768xf32, #tpu.memory_space<hbm>>
    %dma_start3A_63 = arith.constant 0 : i32
    %dma_start3A_64 = tpu.memref_slice %arg2[%add3A_60, %dma_start3A_63] : memref<16384x768xf32, #tpu.memory_space<hbm>> -> memref<16x768xf32, #tpu.memory_space<hbm>>
    tpu.enqueue_dma source(%dma_start3A_64 : memref<16x768xf32, #tpu.memory_space<hbm>>) target(%arg9 : memref<16x768xf32, #tpu.memory_space<vmem>>) target_semaphore(%arg16 : memref<!tpu.dma_semaphore, #tpu.memory_space<semaphore_mem>>)
    %add3A_65 = arith.constant 32 : i32
    %add3A_66 = arith.addi %add3A_27, %add3A_65 : i32
    %dma_start3A_67 = arith.constant 0 : i32
    %dma_start3A_68 = tpu.memref_slice %arg2[%add3A_66, %dma_start3A_67] : memref<16384x768xf32, #tpu.memory_space<hbm>> -> memref<16x768xf32, #tpu.memory_space<hbm>>
    %dma_start3A_69 = arith.constant 0 : i32
    %dma_start3A_70 = tpu.memref_slice %arg2[%add3A_66, %dma_start3A_69] : memref<16384x768xf32, #tpu.memory_space<hbm>> -> memref<16x768xf32, #tpu.memory_space<hbm>>
    tpu.enqueue_dma source(%dma_start3A_70 : memref<16x768xf32, #tpu.memory_space<hbm>>) target(%arg10 : memref<16x768xf32, #tpu.memory_space<vmem>>) target_semaphore(%arg16 : memref<!tpu.dma_semaphore, #tpu.memory_space<semaphore_mem>>)
    %dma_wait3A = arith.constant 0 : i32
    %dma_wait3A_71 = arith.constant 0 : i32
    %dma_wait3A_72 = tpu.memref_slice %arg3[%select_n3A, %dma_wait3A, %dma_wait3A_71] : memref<8x3x768xf32, #tpu.memory_space<hbm>> -> memref<1x3x768xf32, #tpu.memory_space<hbm>>
    %dma_wait3A_73 = tpu.memref_squeeze %dma_wait3A_72 : memref<1x3x768xf32, #tpu.memory_space<hbm>> -> memref<3x768xf32, #tpu.memory_space<hbm>>
    %dma_wait3A_74 = arith.constant 0 : i32
    %dma_wait3A_75 = arith.constant 0 : i32
    %dma_wait3A_76 = tpu.memref_slice %arg3[%select_n3A, %dma_wait3A_74, %dma_wait3A_75] : memref<8x3x768xf32, #tpu.memory_space<hbm>> -> memref<1x3x768xf32, #tpu.memory_space<hbm>>
    %dma_wait3A_77 = tpu.memref_squeeze %dma_wait3A_76 : memref<1x3x768xf32, #tpu.memory_space<hbm>> -> memref<3x768xf32, #tpu.memory_space<hbm>>
    tpu.wait_dma2 semaphore(%arg17 : memref<!tpu.dma_semaphore, #tpu.memory_space<semaphore_mem>>) src(%dma_wait3A_77 : memref<3x768xf32, #tpu.memory_space<hbm>>) dst(%arg13 : memref<3x768xf32, #tpu.memory_space<vmem>>)
    %dma_wait3A_78 = arith.constant 0 : i32
    %dma_wait3A_79 = tpu.memref_slice %arg2[%add3A_36, %dma_wait3A_78] : memref<16384x768xf32, #tpu.memory_space<hbm>> -> memref<16x768xf32, #tpu.memory_space<hbm>>
    %dma_wait3A_80 = arith.constant 0 : i32
    %dma_wait3A_81 = tpu.memref_slice %arg2[%add3A_36, %dma_wait3A_80] : memref<16384x768xf32, #tpu.memory_space<hbm>> -> memref<16x768xf32, #tpu.memory_space<hbm>>
    tpu.wait_dma2 semaphore(%arg14 : memref<!tpu.dma_semaphore, #tpu.memory_space<semaphore_mem>>) src(%dma_wait3A_81 : memref<16x768xf32, #tpu.memory_space<hbm>>) dst(%arg5 : memref<16x768xf32, #tpu.memory_space<vmem>>)
    %dma_wait3A_82 = arith.constant 0 : i32
    %dma_wait3A_83 = tpu.memref_slice %arg2[%add3A_42, %dma_wait3A_82] : memref<16384x768xf32, #tpu.memory_space<hbm>> -> memref<16x768xf32, #tpu.memory_space<hbm>>
    %dma_wait3A_84 = arith.constant 0 : i32
    %dma_wait3A_85 = tpu.memref_slice %arg2[%add3A_42, %dma_wait3A_84] : memref<16384x768xf32, #tpu.memory_space<hbm>> -> memref<16x768xf32, #tpu.memory_space<hbm>>
    tpu.wait_dma2 semaphore(%arg14 : memref<!tpu.dma_semaphore, #tpu.memory_space<semaphore_mem>>) src(%dma_wait3A_85 : memref<16x768xf32, #tpu.memory_space<hbm>>) dst(%arg6 : memref<16x768xf32, #tpu.memory_space<vmem>>)
    %scan3A = arith.constant 0 : i32
    %scan3A_86 = arith.constant 0 : i32
    %scan3A_87 = arith.constant 48 : i32
    %scan3A_88 = arith.addi %scan3A_86, %scan3A_87 : i32
    %scan3A_89 = arith.constant 1 : i32
    scf.for %scan3A_777 = %scan3A_86 to %scan3A_88 step %scan3A_89  : i32 {
      %mul3A_778 = arith.constant 16 : i32
      %mul3A_779 = arith.muli %scan3A_777, %mul3A_778 : i32
      %get3A = arith.constant 0 : i32
      %get3A_780 = arith.index_cast %get3A : i32 to index
      %get3A_781 = arith.index_cast %mul3A_779 : i32 to index
      %get3A_782 = tpu.vector_load %arg13[%get3A_780, %get3A_781] {strides = array<i32>} : memref<3x768xf32, #tpu.memory_space<vmem>>, vector<1x16xf32>,
      %get3A_783 = vector.shape_cast %get3A_782 : vector<1x16xf32> to vector<16xf32>
      %get3A_784 = arith.constant 1 : i32
      %get3A_785 = arith.index_cast %get3A_784 : i32 to index
      %get3A_786 = arith.index_cast %mul3A_779 : i32 to index
      %get3A_787 = tpu.vector_load %arg13[%get3A_785, %get3A_786] {strides = array<i32>} : memref<3x768xf32, #tpu.memory_space<vmem>>, vector<1x16xf32>,
      %get3A_788 = vector.shape_cast %get3A_787 : vector<1x16xf32> to vector<16xf32>
      %get3A_789 = arith.constant 2 : i32
      %get3A_790 = arith.index_cast %get3A_789 : i32 to index
      %get3A_791 = arith.index_cast %mul3A_779 : i32 to index
      %get3A_792 = tpu.vector_load %arg13[%get3A_790, %get3A_791] {strides = array<i32>} : memref<3x768xf32, #tpu.memory_space<vmem>>, vector<1x16xf32>,
      %get3A_793 = vector.shape_cast %get3A_792 : vector<1x16xf32> to vector<16xf32>
      %parallel_loop3A = arith.constant 0 : i32
      %parallel_loop3A_794 = arith.constant 16 : i32
      %parallel_loop3A_795 = arith.constant 1 : i32
      scf.for %parallel_loop3A_796 = %parallel_loop3A to %parallel_loop3A_794 step %parallel_loop3A_795  : i32 {
        %parallel_loop3A_797 = arith.index_cast %parallel_loop3A_796 : i32 to index
        %parallel_loop3A_798 = arith.index_cast %mul3A_779 : i32 to index
        %parallel_loop3A_799 = tpu.vector_load %arg5[%parallel_loop3A_797, %parallel_loop3A_798] {strides = array<i32>} : memref<16x768xf32, #tpu.memory_space<vmem>>, vector<1x16xf32>,
        %parallel_loop3A_800 = vector.shape_cast %parallel_loop3A_799 : vector<1x16xf32> to vector<16xf32>
        %parallel_loop3A_801 = arith.index_cast %parallel_loop3A_796 : i32 to index
        %parallel_loop3A_802 = arith.index_cast %mul3A_779 : i32 to index
        %parallel_loop3A_803 = tpu.vector_load %arg6[%parallel_loop3A_801, %parallel_loop3A_802] {strides = array<i32>} : memref<16x768xf32, #tpu.memory_space<vmem>>, vector<1x16xf32>,
        %parallel_loop3A_804 = vector.shape_cast %parallel_loop3A_803 : vector<1x16xf32> to vector<16xf32>
        %parallel_loop3A_805 = arith.mulf %parallel_loop3A_800, %get3A_783 : vector<16xf32>
        %parallel_loop3A_806 = arith.mulf %parallel_loop3A_804, %get3A_788 : vector<16xf32>
        %parallel_loop3A_807 = arith.addf %parallel_loop3A_805, %parallel_loop3A_806 : vector<16xf32>
        %parallel_loop3A_808 = arith.index_cast %parallel_loop3A_796 : i32 to index
        %parallel_loop3A_809 = arith.index_cast %mul3A_779 : i32 to index
        %parallel_loop3A_810 = tpu.vector_load %arg5[%parallel_loop3A_808, %parallel_loop3A_809] {strides = array<i32>} : memref<16x768xf32, #tpu.memory_space<vmem>>, vector<1x16xf32>,
        %parallel_loop3A_811 = vector.shape_cast %parallel_loop3A_810 : vector<1x16xf32> to vector<16xf32>
        %parallel_loop3A_812 = vector.shape_cast %parallel_loop3A_807 : vector<16xf32> to vector<1x16xf32>
        tpu.vector_store %arg5[%parallel_loop3A_808, %parallel_loop3A_809], %parallel_loop3A_812 {strides = array<i32>} : memref<16x768xf32, #tpu.memory_space<vmem>>, vector<1x16xf32>,
        %parallel_loop3A_813 = arith.mulf %parallel_loop3A_804, %get3A_793 : vector<16xf32>
        %parallel_loop3A_814 = arith.index_cast %parallel_loop3A_796 : i32 to index
        %parallel_loop3A_815 = arith.index_cast %mul3A_779 : i32 to index
        %parallel_loop3A_816 = tpu.vector_load %arg6[%parallel_loop3A_814, %parallel_loop3A_815] {strides = array<i32>} : memref<16x768xf32, #tpu.memory_space<vmem>>, vector<1x16xf32>,
        %parallel_loop3A_817 = vector.shape_cast %parallel_loop3A_816 : vector<1x16xf32> to vector<16xf32>
        %parallel_loop3A_818 = vector.shape_cast %parallel_loop3A_813 : vector<16xf32> to vector<1x16xf32>
        tpu.vector_store %arg6[%parallel_loop3A_814, %parallel_loop3A_815], %parallel_loop3A_818 {strides = array<i32>} : memref<16x768xf32, #tpu.memory_space<vmem>>, vector<1x16xf32>,
      } {sc.loop_unroll_factor = 8 : i64, sc.parallel_access}
    }
    %scan3A_90 = arith.constant 48 : i32
    %add3A_91 = arith.constant 0 : i32
    %add3A_92 = arith.addi %add3A_25, %add3A_91 : i32
    %dma_start3A_93 = arith.constant 0 : i32
    %dma_start3A_94 = tpu.memref_slice %arg4[%add3A_92, %dma_start3A_93] : memref<16384x768xf32, #tpu.memory_space<hbm>> -> memref<16x768xf32, #tpu.memory_space<hbm>>
    %dma_start3A_95 = arith.constant 0 : i32
    %dma_start3A_96 = tpu.memref_slice %arg4[%add3A_92, %dma_start3A_95] : memref<16384x768xf32, #tpu.memory_space<hbm>> -> memref<16x768xf32, #tpu.memory_space<hbm>>
    tpu.enqueue_dma source(%arg5 : memref<16x768xf32, #tpu.memory_space<vmem>>) target(%dma_start3A_96 : memref<16x768xf32, #tpu.memory_space<hbm>>) target_semaphore(%arg18 : memref<!tpu.dma_semaphore, #tpu.memory_space<semaphore_mem>>)
    %add3A_97 = arith.constant 0 : i32
    %add3A_98 = arith.addi %add3A_27, %add3A_97 : i32
    %dma_start3A_99 = arith.constant 0 : i32
    %dma_start3A_100 = tpu.memref_slice %arg4[%add3A_98, %dma_start3A_99] : memref<16384x768xf32, #tpu.memory_space<hbm>> -> memref<16x768xf32, #tpu.memory_space<hbm>>
    %dma_start3A_101 = arith.constant 0 : i32
    %dma_start3A_102 = tpu.memref_slice %arg4[%add3A_98, %dma_start3A_101] : memref<16384x768xf32, #tpu.memory_space<hbm>> -> memref<16x768xf32, #tpu.memory_space<hbm>>
    tpu.enqueue_dma source(%arg6 : memref<16x768xf32, #tpu.memory_space<vmem>>) target(%dma_start3A_102 : memref<16x768xf32, #tpu.memory_space<hbm>>) target_semaphore(%arg18 : memref<!tpu.dma_semaphore, #tpu.memory_space<semaphore_mem>>)
    %add3A_103 = arith.constant 48 : i32
    %add3A_104 = arith.addi %add3A_25, %add3A_103 : i32
    %dma_start3A_105 = arith.constant 0 : i32
    %dma_start3A_106 = tpu.memref_slice %arg2[%add3A_104, %dma_start3A_105] : memref<16384x768xf32, #tpu.memory_space<hbm>> -> memref<16x768xf32, #tpu.memory_space<hbm>>
    %dma_start3A_107 = arith.constant 0 : i32
    %dma_start3A_108 = tpu.memref_slice %arg2[%add3A_104, %dma_start3A_107] : memref<16384x768xf32, #tpu.memory_space<hbm>> -> memref<16x768xf32, #tpu.memory_space<hbm>>
    tpu.enqueue_dma source(%dma_start3A_108 : memref<16x768xf32, #tpu.memory_space<hbm>>) target(%arg11 : memref<16x768xf32, #tpu.memory_space<vmem>>) target_semaphore(%arg17 : memref<!tpu.dma_semaphore, #tpu.memory_space<semaphore_mem>>)
    %add3A_109 = arith.constant 48 : i32
    %add3A_110 = arith.addi %add3A_27, %add3A_109 : i32
    %dma_start3A_111 = arith.constant 0 : i32
    %dma_start3A_112 = tpu.memref_slice %arg2[%add3A_110, %dma_start3A_111] : memref<16384x768xf32, #tpu.memory_space<hbm>> -> memref<16x768xf32, #tpu.memory_space<hbm>>
    %dma_start3A_113 = arith.constant 0 : i32
    %dma_start3A_114 = tpu.memref_slice %arg2[%add3A_110, %dma_start3A_113] : memref<16384x768xf32, #tpu.memory_space<hbm>> -> memref<16x768xf32, #tpu.memory_space<hbm>>
    tpu.enqueue_dma source(%dma_start3A_114 : memref<16x768xf32, #tpu.memory_space<hbm>>) target(%arg12 : memref<16x768xf32, #tpu.memory_space<vmem>>) target_semaphore(%arg17 : memref<!tpu.dma_semaphore, #tpu.memory_space<semaphore_mem>>)
    %dma_wait3A_115 = arith.constant 0 : i32
    %dma_wait3A_116 = tpu.memref_slice %arg2[%add3A_48, %dma_wait3A_115] : memref<16384x768xf32, #tpu.memory_space<hbm>> -> memref<16x768xf32, #tpu.memory_space<hbm>>
    %dma_wait3A_117 = arith.constant 0 : i32
    %dma_wait3A_118 = tpu.memref_slice %arg2[%add3A_48, %dma_wait3A_117] : memref<16384x768xf32, #tpu.memory_space<hbm>> -> memref<16x768xf32, #tpu.memory_space<hbm>>
    tpu.wait_dma2 semaphore(%arg15 : memref<!tpu.dma_semaphore, #tpu.memory_space<semaphore_mem>>) src(%dma_wait3A_118 : memref<16x768xf32, #tpu.memory_space<hbm>>) dst(%arg7 : memref<16x768xf32, #tpu.memory_space<vmem>>)
    %dma_wait3A_119 = arith.constant 0 : i32
    %dma_wait3A_120 = tpu.memref_slice %arg2[%add3A_54, %dma_wait3A_119] : memref<16384x768xf32, #tpu.memory_space<hbm>> -> memref<16x768xf32, #tpu.memory_space<hbm>>
    %dma_wait3A_121 = arith.constant 0 : i32
    %dma_wait3A_122 = tpu.memref_slice %arg2[%add3A_54, %dma_wait3A_121] : memref<16384x768xf32, #tpu.memory_space<hbm>> -> memref<16x768xf32, #tpu.memory_space<hbm>>
    tpu.wait_dma2 semaphore(%arg15 : memref<!tpu.dma_semaphore, #tpu.memory_space<semaphore_mem>>) src(%dma_wait3A_122 : memref<16x768xf32, #tpu.memory_space<hbm>>) dst(%arg8 : memref<16x768xf32, #tpu.memory_space<vmem>>)
    %scan3A_123 = arith.constant 0 : i32
    %scan3A_124 = arith.constant 0 : i32
    %scan3A_125 = arith.constant 48 : i32
    %scan3A_126 = arith.addi %scan3A_124, %scan3A_125 : i32
    %scan3A_127 = arith.constant 1 : i32
    scf.for %scan3A_777 = %scan3A_124 to %scan3A_126 step %scan3A_127  : i32 {
      %mul3A_778 = arith.constant 16 : i32
      %mul3A_779 = arith.muli %scan3A_777, %mul3A_778 : i32
      %get3A = arith.constant 0 : i32
      %get3A_780 = arith.index_cast %get3A : i32 to index
      %get3A_781 = arith.index_cast %mul3A_779 : i32 to index
      %get3A_782 = tpu.vector_load %arg13[%get3A_780, %get3A_781] {strides = array<i32>} : memref<3x768xf32, #tpu.memory_space<vmem>>, vector<1x16xf32>,
      %get3A_783 = vector.shape_cast %get3A_782 : vector<1x16xf32> to vector<16xf32>
      %get3A_784 = arith.constant 1 : i32
      %get3A_785 = arith.index_cast %get3A_784 : i32 to index
      %get3A_786 = arith.index_cast %mul3A_779 : i32 to index
      %get3A_787 = tpu.vector_load %arg13[%get3A_785, %get3A_786] {strides = array<i32>} : memref<3x768xf32, #tpu.memory_space<vmem>>, vector<1x16xf32>,
      %get3A_788 = vector.shape_cast %get3A_787 : vector<1x16xf32> to vector<16xf32>
      %get3A_789 = arith.constant 2 : i32
      %get3A_790 = arith.index_cast %get3A_789 : i32 to index
      %get3A_791 = arith.index_cast %mul3A_779 : i32 to index
      %get3A_792 = tpu.vector_load %arg13[%get3A_790, %get3A_791] {strides = array<i32>} : memref<3x768xf32, #tpu.memory_space<vmem>>, vector<1x16xf32>,
      %get3A_793 = vector.shape_cast %get3A_792 : vector<1x16xf32> to vector<16xf32>
      %parallel_loop3A = arith.constant 0 : i32
      %parallel_loop3A_794 = arith.constant 16 : i32
      %parallel_loop3A_795 = arith.constant 1 : i32
      scf.for %parallel_loop3A_796 = %parallel_loop3A to %parallel_loop3A_794 step %parallel_loop3A_795  : i32 {
        %parallel_loop3A_797 = arith.index_cast %parallel_loop3A_796 : i32 to index
        %parallel_loop3A_798 = arith.index_cast %mul3A_779 : i32 to index
        %parallel_loop3A_799 = tpu.vector_load %arg7[%parallel_loop3A_797, %parallel_loop3A_798] {strides = array<i32>} : memref<16x768xf32, #tpu.memory_space<vmem>>, vector<1x16xf32>,
        %parallel_loop3A_800 = vector.shape_cast %parallel_loop3A_799 : vector<1x16xf32> to vector<16xf32>
        %parallel_loop3A_801 = arith.index_cast %parallel_loop3A_796 : i32 to index
        %parallel_loop3A_802 = arith.index_cast %mul3A_779 : i32 to index
        %parallel_loop3A_803 = tpu.vector_load %arg8[%parallel_loop3A_801, %parallel_loop3A_802] {strides = array<i32>} : memref<16x768xf32, #tpu.memory_space<vmem>>, vector<1x16xf32>,
        %parallel_loop3A_804 = vector.shape_cast %parallel_loop3A_803 : vector<1x16xf32> to vector<16xf32>
        %parallel_loop3A_805 = arith.mulf %parallel_loop3A_800, %get3A_783 : vector<16xf32>
        %parallel_loop3A_806 = arith.mulf %parallel_loop3A_804, %get3A_788 : vector<16xf32>
        %parallel_loop3A_807 = arith.addf %parallel_loop3A_805, %parallel_loop3A_806 : vector<16xf32>
        %parallel_loop3A_808 = arith.index_cast %parallel_loop3A_796 : i32 to index
        %parallel_loop3A_809 = arith.index_cast %mul3A_779 : i32 to index
        %parallel_loop3A_810 = tpu.vector_load %arg7[%parallel_loop3A_808, %parallel_loop3A_809] {strides = array<i32>} : memref<16x768xf32, #tpu.memory_space<vmem>>, vector<1x16xf32>,
        %parallel_loop3A_811 = vector.shape_cast %parallel_loop3A_810 : vector<1x16xf32> to vector<16xf32>
        %parallel_loop3A_812 = vector.shape_cast %parallel_loop3A_807 : vector<16xf32> to vector<1x16xf32>
        tpu.vector_store %arg7[%parallel_loop3A_808, %parallel_loop3A_809], %parallel_loop3A_812 {strides = array<i32>} : memref<16x768xf32, #tpu.memory_space<vmem>>, vector<1x16xf32>,
        %parallel_loop3A_813 = arith.mulf %parallel_loop3A_804, %get3A_793 : vector<16xf32>
        %parallel_loop3A_814 = arith.index_cast %parallel_loop3A_796 : i32 to index
        %parallel_loop3A_815 = arith.index_cast %mul3A_779 : i32 to index
        %parallel_loop3A_816 = tpu.vector_load %arg8[%parallel_loop3A_814, %parallel_loop3A_815] {strides = array<i32>} : memref<16x768xf32, #tpu.memory_space<vmem>>, vector<1x16xf32>,
        %parallel_loop3A_817 = vector.shape_cast %parallel_loop3A_816 : vector<1x16xf32> to vector<16xf32>
        %parallel_loop3A_818 = vector.shape_cast %parallel_loop3A_813 : vector<16xf32> to vector<1x16xf32>
        tpu.vector_store %arg8[%parallel_loop3A_814, %parallel_loop3A_815], %parallel_loop3A_818 {strides = array<i32>} : memref<16x768xf32, #tpu.memory_space<vmem>>, vector<1x16xf32>,
      } {sc.loop_unroll_factor = 8 : i64, sc.parallel_access}
    }
    %scan3A_128 = arith.constant 48 : i32
    %add3A_129 = arith.constant 16 : i32
    %add3A_130 = arith.addi %add3A_25, %add3A_129 : i32
    %dma_start3A_131 = arith.constant 0 : i32
    %dma_start3A_132 = tpu.memref_slice %arg4[%add3A_130, %dma_start3A_131] : memref<16384x768xf32, #tpu.memory_space<hbm>> -> memref<16x768xf32, #tpu.memory_space<hbm>>
    %dma_start3A_133 = arith.constant 0 : i32
    %dma_start3A_134 = tpu.memref_slice %arg4[%add3A_130, %dma_start3A_133] : memref<16384x768xf32, #tpu.memory_space<hbm>> -> memref<16x768xf32, #tpu.memory_space<hbm>>
    tpu.enqueue_dma source(%arg7 : memref<16x768xf32, #tpu.memory_space<vmem>>) target(%dma_start3A_134 : memref<16x768xf32, #tpu.memory_space<hbm>>) target_semaphore(%arg19 : memref<!tpu.dma_semaphore, #tpu.memory_space<semaphore_mem>>)
    %add3A_135 = arith.constant 16 : i32
    %add3A_136 = arith.addi %add3A_27, %add3A_135 : i32
    %dma_start3A_137 = arith.constant 0 : i32
    %dma_start3A_138 = tpu.memref_slice %arg4[%add3A_136, %dma_start3A_137] : memref<16384x768xf32, #tpu.memory_space<hbm>> -> memref<16x768xf32, #tpu.memory_space<hbm>>
    %dma_start3A_139 = arith.constant 0 : i32
    %dma_start3A_140 = tpu.memref_slice %arg4[%add3A_136, %dma_start3A_139] : memref<16384x768xf32, #tpu.memory_space<hbm>> -> memref<16x768xf32, #tpu.memory_space<hbm>>
    tpu.enqueue_dma source(%arg8 : memref<16x768xf32, #tpu.memory_space<vmem>>) target(%dma_start3A_140 : memref<16x768xf32, #tpu.memory_space<hbm>>) target_semaphore(%arg19 : memref<!tpu.dma_semaphore, #tpu.memory_space<semaphore_mem>>)
    %dma_wait3A_141 = arith.constant 0 : i32
    %dma_wait3A_142 = tpu.memref_slice %arg4[%add3A_92, %dma_wait3A_141] : memref<16384x768xf32, #tpu.memory_space<hbm>> -> memref<16x768xf32, #tpu.memory_space<hbm>>
    %dma_wait3A_143 = arith.constant 0 : i32
    %dma_wait3A_144 = tpu.memref_slice %arg4[%add3A_92, %dma_wait3A_143] : memref<16384x768xf32, #tpu.memory_space<hbm>> -> memref<16x768xf32, #tpu.memory_space<hbm>>
    tpu.wait_dma2 semaphore(%arg18 : memref<!tpu.dma_semaphore, #tpu.memory_space<semaphore_mem>>) src(%arg5 : memref<16x768xf32, #tpu.memory_space<vmem>>) dst(%dma_wait3A_144 : memref<16x768xf32, #tpu.memory_space<hbm>>)
    %dma_wait3A_145 = arith.constant 0 : i32
    %dma_wait3A_146 = tpu.memref_slice %arg4[%add3A_98, %dma_wait3A_145] : memref<16384x768xf32, #tpu.memory_space<hbm>> -> memref<16x768xf32, #tpu.memory_space<hbm>>
    %dma_wait3A_147 = arith.constant 0 : i32
    %dma_wait3A_148 = tpu.memref_slice %arg4[%add3A_98, %dma_wait3A_147] : memref<16384x768xf32, #tpu.memory_space<hbm>> -> memref<16x768xf32, #tpu.memory_space<hbm>>
    tpu.wait_dma2 semaphore(%arg18 : memref<!tpu.dma_semaphore, #tpu.memory_space<semaphore_mem>>) src(%arg6 : memref<16x768xf32, #tpu.memory_space<vmem>>) dst(%dma_wait3A_148 : memref<16x768xf32, #tpu.memory_space<hbm>>)
    %add3A_149 = arith.constant 64 : i32
    %add3A_150 = arith.addi %add3A_25, %add3A_149 : i32
    %dma_start3A_151 = arith.constant 0 : i32
    %dma_start3A_152 = tpu.memref_slice %arg2[%add3A_150, %dma_start3A_151] : memref<16384x768xf32, #tpu.memory_space<hbm>> -> memref<16x768xf32, #tpu.memory_space<hbm>>
    %dma_start3A_153 = arith.constant 0 : i32
    %dma_start3A_154 = tpu.memref_slice %arg2[%add3A_150, %dma_start3A_153] : memref<16384x768xf32, #tpu.memory_space<hbm>> -> memref<16x768xf32, #tpu.memory_space<hbm>>
    tpu.enqueue_dma source(%dma_start3A_154 : memref<16x768xf32, #tpu.memory_space<hbm>>) target(%arg5 : memref<16x768xf32, #tpu.memory_space<vmem>>) target_semaphore(%arg14 : memref<!tpu.dma_semaphore, #tpu.memory_space<semaphore_mem>>)
    %add3A_155 = arith.constant 64 : i32
    %add3A_156 = arith.addi %add3A_27, %add3A_155 : i32
    %dma_start3A_157 = arith.constant 0 : i32
    %dma_start3A_158 = tpu.memref_slice %arg2[%add3A_156, %dma_start3A_157] : memref<16384x768xf32, #tpu.memory_space<hbm>> -> memref<16x768xf32, #tpu.memory_space<hbm>>
    %dma_start3A_159 = arith.constant 0 : i32
    %dma_start3A_160 = tpu.memref_slice %arg2[%add3A_156, %dma_start3A_159] : memref<16384x768xf32, #tpu.memory_space<hbm>> -> memref<16x768xf32, #tpu.memory_space<hbm>>
    tpu.enqueue_dma source(%dma_start3A_160 : memref<16x768xf32, #tpu.memory_space<hbm>>) target(%arg6 : memref<16x768xf32, #tpu.memory_space<vmem>>) target_semaphore(%arg14 : memref<!tpu.dma_semaphore, #tpu.memory_space<semaphore_mem>>)
    %dma_wait3A_161 = arith.constant 0 : i32
    %dma_wait3A_162 = tpu.memref_slice %arg2[%add3A_60, %dma_wait3A_161] : memref<16384x768xf32, #tpu.memory_space<hbm>> -> memref<16x768xf32, #tpu.memory_space<hbm>>
    %dma_wait3A_163 = arith.constant 0 : i32
    %dma_wait3A_164 = tpu.memref_slice %arg2[%add3A_60, %dma_wait3A_163] : memref<16384x768xf32, #tpu.memory_space<hbm>> -> memref<16x768xf32, #tpu.memory_space<hbm>>
    tpu.wait_dma2 semaphore(%arg16 : memref<!tpu.dma_semaphore, #tpu.memory_space<semaphore_mem>>) src(%dma_wait3A_164 : memref<16x768xf32, #tpu.memory_space<hbm>>) dst(%arg9 : memref<16x768xf32, #tpu.memory_space<vmem>>)
    %dma_wait3A_165 = arith.constant 0 : i32
    %dma_wait3A_166 = tpu.memref_slice %arg2[%add3A_66, %dma_wait3A_165] : memref<16384x768xf32, #tpu.memory_space<hbm>> -> memref<16x768xf32, #tpu.memory_space<hbm>>
    %dma_wait3A_167 = arith.constant 0 : i32
    %dma_wait3A_168 = tpu.memref_slice %arg2[%add3A_66, %dma_wait3A_167] : memref<16384x768xf32, #tpu.memory_space<hbm>> -> memref<16x768xf32, #tpu.memory_space<hbm>>
    tpu.wait_dma2 semaphore(%arg16 : memref<!tpu.dma_semaphore, #tpu.memory_space<semaphore_mem>>) src(%dma_wait3A_168 : memref<16x768xf32, #tpu.memory_space<hbm>>) dst(%arg10 : memref<16x768xf32, #tpu.memory_space<vmem>>)
    %scan3A_169 = arith.constant 0 : i32
    %scan3A_170 = arith.constant 0 : i32
    %scan3A_171 = arith.constant 48 : i32
    %scan3A_172 = arith.addi %scan3A_170, %scan3A_171 : i32
    %scan3A_173 = arith.constant 1 : i32
    scf.for %scan3A_777 = %scan3A_170 to %scan3A_172 step %scan3A_173  : i32 {
      %mul3A_778 = arith.constant 16 : i32
      %mul3A_779 = arith.muli %scan3A_777, %mul3A_778 : i32
      %get3A = arith.constant 0 : i32
      %get3A_780 = arith.index_cast %get3A : i32 to index
      %get3A_781 = arith.index_cast %mul3A_779 : i32 to index
      %get3A_782 = tpu.vector_load %arg13[%get3A_780, %get3A_781] {strides = array<i32>} : memref<3x768xf32, #tpu.memory_space<vmem>>, vector<1x16xf32>,
      %get3A_783 = vector.shape_cast %get3A_782 : vector<1x16xf32> to vector<16xf32>
      %get3A_784 = arith.constant 1 : i32
      %get3A_785 = arith.index_cast %get3A_784 : i32 to index
      %get3A_786 = arith.index_cast %mul3A_779 : i32 to index
      %get3A_787 = tpu.vector_load %arg13[%get3A_785, %get3A_786] {strides = array<i32>} : memref<3x768xf32, #tpu.memory_space<vmem>>, vector<1x16xf32>,
      %get3A_788 = vector.shape_cast %get3A_787 : vector<1x16xf32> to vector<16xf32>
      %get3A_789 = arith.constant 2 : i32
      %get3A_790 = arith.index_cast %get3A_789 : i32 to index
      %get3A_791 = arith.index_cast %mul3A_779 : i32 to index
      %get3A_792 = tpu.vector_load %arg13[%get3A_790, %get3A_791] {strides = array<i32>} : memref<3x768xf32, #tpu.memory_space<vmem>>, vector<1x16xf32>,
      %get3A_793 = vector.shape_cast %get3A_792 : vector<1x16xf32> to vector<16xf32>
      %parallel_loop3A = arith.constant 0 : i32
      %parallel_loop3A_794 = arith.constant 16 : i32
      %parallel_loop3A_795 = arith.constant 1 : i32
      scf.for %parallel_loop3A_796 = %parallel_loop3A to %parallel_loop3A_794 step %parallel_loop3A_795  : i32 {
        %parallel_loop3A_797 = arith.index_cast %parallel_loop3A_796 : i32 to index
        %parallel_loop3A_798 = arith.index_cast %mul3A_779 : i32 to index
        %parallel_loop3A_799 = tpu.vector_load %arg9[%parallel_loop3A_797, %parallel_loop3A_798] {strides = array<i32>} : memref<16x768xf32, #tpu.memory_space<vmem>>, vector<1x16xf32>,
        %parallel_loop3A_800 = vector.shape_cast %parallel_loop3A_799 : vector<1x16xf32> to vector<16xf32>
        %parallel_loop3A_801 = arith.index_cast %parallel_loop3A_796 : i32 to index
        %parallel_loop3A_802 = arith.index_cast %mul3A_779 : i32 to index
        %parallel_loop3A_803 = tpu.vector_load %arg10[%parallel_loop3A_801, %parallel_loop3A_802] {strides = array<i32>} : memref<16x768xf32, #tpu.memory_space<vmem>>, vector<1x16xf32>,
        %parallel_loop3A_804 = vector.shape_cast %parallel_loop3A_803 : vector<1x16xf32> to vector<16xf32>
        %parallel_loop3A_805 = arith.mulf %parallel_loop3A_800, %get3A_783 : vector<16xf32>
        %parallel_loop3A_806 = arith.mulf %parallel_loop3A_804, %get3A_788 : vector<16xf32>
        %parallel_loop3A_807 = arith.addf %parallel_loop3A_805, %parallel_loop3A_806 : vector<16xf32>
        %parallel_loop3A_808 = arith.index_cast %parallel_loop3A_796 : i32 to index
        %parallel_loop3A_809 = arith.index_cast %mul3A_779 : i32 to index
        %parallel_loop3A_810 = tpu.vector_load %arg9[%parallel_loop3A_808, %parallel_loop3A_809] {strides = array<i32>} : memref<16x768xf32, #tpu.memory_space<vmem>>, vector<1x16xf32>,
        %parallel_loop3A_811 = vector.shape_cast %parallel_loop3A_810 : vector<1x16xf32> to vector<16xf32>
        %parallel_loop3A_812 = vector.shape_cast %parallel_loop3A_807 : vector<16xf32> to vector<1x16xf32>
        tpu.vector_store %arg9[%parallel_loop3A_808, %parallel_loop3A_809], %parallel_loop3A_812 {strides = array<i32>} : memref<16x768xf32, #tpu.memory_space<vmem>>, vector<1x16xf32>,
        %parallel_loop3A_813 = arith.mulf %parallel_loop3A_804, %get3A_793 : vector<16xf32>
        %parallel_loop3A_814 = arith.index_cast %parallel_loop3A_796 : i32 to index
        %parallel_loop3A_815 = arith.index_cast %mul3A_779 : i32 to index
        %parallel_loop3A_816 = tpu.vector_load %arg10[%parallel_loop3A_814, %parallel_loop3A_815] {strides = array<i32>} : memref<16x768xf32, #tpu.memory_space<vmem>>, vector<1x16xf32>,
        %parallel_loop3A_817 = vector.shape_cast %parallel_loop3A_816 : vector<1x16xf32> to vector<16xf32>
        %parallel_loop3A_818 = vector.shape_cast %parallel_loop3A_813 : vector<16xf32> to vector<1x16xf32>
        tpu.vector_store %arg10[%parallel_loop3A_814, %parallel_loop3A_815], %parallel_loop3A_818 {strides = array<i32>} : memref<16x768xf32, #tpu.memory_space<vmem>>, vector<1x16xf32>,
      } {sc.loop_unroll_factor = 8 : i64, sc.parallel_access}
    }
    %scan3A_174 = arith.constant 48 : i32
    %add3A_175 = arith.constant 32 : i32
    %add3A_176 = arith.addi %add3A_25, %add3A_175 : i32
    %dma_start3A_177 = arith.constant 0 : i32
    %dma_start3A_178 = tpu.memref_slice %arg4[%add3A_176, %dma_start3A_177] : memref<16384x768xf32, #tpu.memory_space<hbm>> -> memref<16x768xf32, #tpu.memory_space<hbm>>
    %dma_start3A_179 = arith.constant 0 : i32
    %dma_start3A_180 = tpu.memref_slice %arg4[%add3A_176, %dma_start3A_179] : memref<16384x768xf32, #tpu.memory_space<hbm>> -> memref<16x768xf32, #tpu.memory_space<hbm>>
    tpu.enqueue_dma source(%arg9 : memref<16x768xf32, #tpu.memory_space<vmem>>) target(%dma_start3A_180 : memref<16x768xf32, #tpu.memory_space<hbm>>) target_semaphore(%arg20 : memref<!tpu.dma_semaphore, #tpu.memory_space<semaphore_mem>>)
    %add3A_181 = arith.constant 32 : i32
    %add3A_182 = arith.addi %add3A_27, %add3A_181 : i32
    %dma_start3A_183 = arith.constant 0 : i32
    %dma_start3A_184 = tpu.memref_slice %arg4[%add3A_182, %dma_start3A_183] : memref<16384x768xf32, #tpu.memory_space<hbm>> -> memref<16x768xf32, #tpu.memory_space<hbm>>
    %dma_start3A_185 = arith.constant 0 : i32
    %dma_start3A_186 = tpu.memref_slice %arg4[%add3A_182, %dma_start3A_185] : memref<16384x768xf32, #tpu.memory_space<hbm>> -> memref<16x768xf32, #tpu.memory_space<hbm>>
    tpu.enqueue_dma source(%arg10 : memref<16x768xf32, #tpu.memory_space<vmem>>) target(%dma_start3A_186 : memref<16x768xf32, #tpu.memory_space<hbm>>) target_semaphore(%arg20 : memref<!tpu.dma_semaphore, #tpu.memory_space<semaphore_mem>>)
    %dma_wait3A_187 = arith.constant 0 : i32
    %dma_wait3A_188 = tpu.memref_slice %arg4[%add3A_130, %dma_wait3A_187] : memref<16384x768xf32, #tpu.memory_space<hbm>> -> memref<16x768xf32, #tpu.memory_space<hbm>>
    %dma_wait3A_189 = arith.constant 0 : i32
    %dma_wait3A_190 = tpu.memref_slice %arg4[%add3A_130, %dma_wait3A_189] : memref<16384x768xf32, #tpu.memory_space<hbm>> -> memref<16x768xf32, #tpu.memory_space<hbm>>
    tpu.wait_dma2 semaphore(%arg19 : memref<!tpu.dma_semaphore, #tpu.memory_space<semaphore_mem>>) src(%arg7 : memref<16x768xf32, #tpu.memory_space<vmem>>) dst(%dma_wait3A_190 : memref<16x768xf32, #tpu.memory_space<hbm>>)
    %dma_wait3A_191 = arith.constant 0 : i32
    %dma_wait3A_192 = tpu.memref_slice %arg4[%add3A_136, %dma_wait3A_191] : memref<16384x768xf32, #tpu.memory_space<hbm>> -> memref<16x768xf32, #tpu.memory_space<hbm>>
    %dma_wait3A_193 = arith.constant 0 : i32
    %dma_wait3A_194 = tpu.memref_slice %arg4[%add3A_136, %dma_wait3A_193] : memref<16384x768xf32, #tpu.memory_space<hbm>> -> memref<16x768xf32, #tpu.memory_space<hbm>>
    tpu.wait_dma2 semaphore(%arg19 : memref<!tpu.dma_semaphore, #tpu.memory_space<semaphore_mem>>) src(%arg8 : memref<16x768xf32, #tpu.memory_space<vmem>>) dst(%dma_wait3A_194 : memref<16x768xf32, #tpu.memory_space<hbm>>)
    %add3A_195 = arith.constant 80 : i32
    %add3A_196 = arith.addi %add3A_25, %add3A_195 : i32
    %dma_start3A_197 = arith.constant 0 : i32
    %dma_start3A_198 = tpu.memref_slice %arg2[%add3A_196, %dma_start3A_197] : memref<16384x768xf32, #tpu.memory_space<hbm>> -> memref<16x768xf32, #tpu.memory_space<hbm>>
    %dma_start3A_199 = arith.constant 0 : i32
    %dma_start3A_200 = tpu.memref_slice %arg2[%add3A_196, %dma_start3A_199] : memref<16384x768xf32, #tpu.memory_space<hbm>> -> memref<16x768xf32, #tpu.memory_space<hbm>>
    tpu.enqueue_dma source(%dma_start3A_200 : memref<16x768xf32, #tpu.memory_space<hbm>>) target(%arg7 : memref<16x768xf32, #tpu.memory_space<vmem>>) target_semaphore(%arg15 : memref<!tpu.dma_semaphore, #tpu.memory_space<semaphore_mem>>)
    %add3A_201 = arith.constant 80 : i32
    %add3A_202 = arith.addi %add3A_27, %add3A_201 : i32
    %dma_start3A_203 = arith.constant 0 : i32
    %dma_start3A_204 = tpu.memref_slice %arg2[%add3A_202, %dma_start3A_203] : memref<16384x768xf32, #tpu.memory_space<hbm>> -> memref<16x768xf32, #tpu.memory_space<hbm>>
    %dma_start3A_205 = arith.constant 0 : i32
    %dma_start3A_206 = tpu.memref_slice %arg2[%add3A_202, %dma_start3A_205] : memref<16384x768xf32, #tpu.memory_space<hbm>> -> memref<16x768xf32, #tpu.memory_space<hbm>>
    tpu.enqueue_dma source(%dma_start3A_206 : memref<16x768xf32, #tpu.memory_space<hbm>>) target(%arg8 : memref<16x768xf32, #tpu.memory_space<vmem>>) target_semaphore(%arg15 : memref<!tpu.dma_semaphore, #tpu.memory_space<semaphore_mem>>)
    %dma_wait3A_207 = arith.constant 0 : i32
    %dma_wait3A_208 = tpu.memref_slice %arg2[%add3A_104, %dma_wait3A_207] : memref<16384x768xf32, #tpu.memory_space<hbm>> -> memref<16x768xf32, #tpu.memory_space<hbm>>
    %dma_wait3A_209 = arith.constant 0 : i32
    %dma_wait3A_210 = tpu.memref_slice %arg2[%add3A_104, %dma_wait3A_209] : memref<16384x768xf32, #tpu.memory_space<hbm>> -> memref<16x768xf32, #tpu.memory_space<hbm>>
    tpu.wait_dma2 semaphore(%arg17 : memref<!tpu.dma_semaphore, #tpu.memory_space<semaphore_mem>>) src(%dma_wait3A_210 : memref<16x768xf32, #tpu.memory_space<hbm>>) dst(%arg11 : memref<16x768xf32, #tpu.memory_space<vmem>>)
    %dma_wait3A_211 = arith.constant 0 : i32
    %dma_wait3A_212 = tpu.memref_slice %arg2[%add3A_110, %dma_wait3A_211] : memref<16384x768xf32, #tpu.memory_space<hbm>> -> memref<16x768xf32, #tpu.memory_space<hbm>>
    %dma_wait3A_213 = arith.constant 0 : i32
    %dma_wait3A_214 = tpu.memref_slice %arg2[%add3A_110, %dma_wait3A_213] : memref<16384x768xf32, #tpu.memory_space<hbm>> -> memref<16x768xf32, #tpu.memory_space<hbm>>
    tpu.wait_dma2 semaphore(%arg17 : memref<!tpu.dma_semaphore, #tpu.memory_space<semaphore_mem>>) src(%dma_wait3A_214 : memref<16x768xf32, #tpu.memory_space<hbm>>) dst(%arg12 : memref<16x768xf32, #tpu.memory_space<vmem>>)
    %scan3A_215 = arith.constant 0 : i32
    %scan3A_216 = arith.constant 0 : i32
    %scan3A_217 = arith.constant 48 : i32
    %scan3A_218 = arith.addi %scan3A_216, %scan3A_217 : i32
    %scan3A_219 = arith.constant 1 : i32
    scf.for %scan3A_777 = %scan3A_216 to %scan3A_218 step %scan3A_219  : i32 {
      %mul3A_778 = arith.constant 16 : i32
      %mul3A_779 = arith.muli %scan3A_777, %mul3A_778 : i32
      %get3A = arith.constant 0 : i32
      %get3A_780 = arith.index_cast %get3A : i32 to index
      %get3A_781 = arith.index_cast %mul3A_779 : i32 to index
      %get3A_782 = tpu.vector_load %arg13[%get3A_780, %get3A_781] {strides = array<i32>} : memref<3x768xf32, #tpu.memory_space<vmem>>, vector<1x16xf32>,
      %get3A_783 = vector.shape_cast %get3A_782 : vector<1x16xf32> to vector<16xf32>
      %get3A_784 = arith.constant 1 : i32
      %get3A_785 = arith.index_cast %get3A_784 : i32 to index
      %get3A_786 = arith.index_cast %mul3A_779 : i32 to index
      %get3A_787 = tpu.vector_load %arg13[%get3A_785, %get3A_786] {strides = array<i32>} : memref<3x768xf32, #tpu.memory_space<vmem>>, vector<1x16xf32>,
      %get3A_788 = vector.shape_cast %get3A_787 : vector<1x16xf32> to vector<16xf32>
      %get3A_789 = arith.constant 2 : i32
      %get3A_790 = arith.index_cast %get3A_789 : i32 to index
      %get3A_791 = arith.index_cast %mul3A_779 : i32 to index
      %get3A_792 = tpu.vector_load %arg13[%get3A_790, %get3A_791] {strides = array<i32>} : memref<3x768xf32, #tpu.memory_space<vmem>>, vector<1x16xf32>,
      %get3A_793 = vector.shape_cast %get3A_792 : vector<1x16xf32> to vector<16xf32>
      %parallel_loop3A = arith.constant 0 : i32
      %parallel_loop3A_794 = arith.constant 16 : i32
      %parallel_loop3A_795 = arith.constant 1 : i32
      scf.for %parallel_loop3A_796 = %parallel_loop3A to %parallel_loop3A_794 step %parallel_loop3A_795  : i32 {
        %parallel_loop3A_797 = arith.index_cast %parallel_loop3A_796 : i32 to index
        %parallel_loop3A_798 = arith.index_cast %mul3A_779 : i32 to index
        %parallel_loop3A_799 = tpu.vector_load %arg11[%parallel_loop3A_797, %parallel_loop3A_798] {strides = array<i32>} : memref<16x768xf32, #tpu.memory_space<vmem>>, vector<1x16xf32>,
        %parallel_loop3A_800 = vector.shape_cast %parallel_loop3A_799 : vector<1x16xf32> to vector<16xf32>
        %parallel_loop3A_801 = arith.index_cast %parallel_loop3A_796 : i32 to index
        %parallel_loop3A_802 = arith.index_cast %mul3A_779 : i32 to index
        %parallel_loop3A_803 = tpu.vector_load %arg12[%parallel_loop3A_801, %parallel_loop3A_802] {strides = array<i32>} : memref<16x768xf32, #tpu.memory_space<vmem>>, vector<1x16xf32>,
        %parallel_loop3A_804 = vector.shape_cast %parallel_loop3A_803 : vector<1x16xf32> to vector<16xf32>
        %parallel_loop3A_805 = arith.mulf %parallel_loop3A_800, %get3A_783 : vector<16xf32>
        %parallel_loop3A_806 = arith.mulf %parallel_loop3A_804, %get3A_788 : vector<16xf32>
        %parallel_loop3A_807 = arith.addf %parallel_loop3A_805, %parallel_loop3A_806 : vector<16xf32>
        %parallel_loop3A_808 = arith.index_cast %parallel_loop3A_796 : i32 to index
        %parallel_loop3A_809 = arith.index_cast %mul3A_779 : i32 to index
        %parallel_loop3A_810 = tpu.vector_load %arg11[%parallel_loop3A_808, %parallel_loop3A_809] {strides = array<i32>} : memref<16x768xf32, #tpu.memory_space<vmem>>, vector<1x16xf32>,
        %parallel_loop3A_811 = vector.shape_cast %parallel_loop3A_810 : vector<1x16xf32> to vector<16xf32>
        %parallel_loop3A_812 = vector.shape_cast %parallel_loop3A_807 : vector<16xf32> to vector<1x16xf32>
        tpu.vector_store %arg11[%parallel_loop3A_808, %parallel_loop3A_809], %parallel_loop3A_812 {strides = array<i32>} : memref<16x768xf32, #tpu.memory_space<vmem>>, vector<1x16xf32>,
        %parallel_loop3A_813 = arith.mulf %parallel_loop3A_804, %get3A_793 : vector<16xf32>
        %parallel_loop3A_814 = arith.index_cast %parallel_loop3A_796 : i32 to index
        %parallel_loop3A_815 = arith.index_cast %mul3A_779 : i32 to index
        %parallel_loop3A_816 = tpu.vector_load %arg12[%parallel_loop3A_814, %parallel_loop3A_815] {strides = array<i32>} : memref<16x768xf32, #tpu.memory_space<vmem>>, vector<1x16xf32>,
        %parallel_loop3A_817 = vector.shape_cast %parallel_loop3A_816 : vector<1x16xf32> to vector<16xf32>
        %parallel_loop3A_818 = vector.shape_cast %parallel_loop3A_813 : vector<16xf32> to vector<1x16xf32>
        tpu.vector_store %arg12[%parallel_loop3A_814, %parallel_loop3A_815], %parallel_loop3A_818 {strides = array<i32>} : memref<16x768xf32, #tpu.memory_space<vmem>>, vector<1x16xf32>,
      } {sc.loop_unroll_factor = 8 : i64, sc.parallel_access}
    }
    %scan3A_220 = arith.constant 48 : i32
    %add3A_221 = arith.constant 48 : i32
    %add3A_222 = arith.addi %add3A_25, %add3A_221 : i32
    %dma_start3A_223 = arith.constant 0 : i32
    %dma_start3A_224 = tpu.memref_slice %arg4[%add3A_222, %dma_start3A_223] : memref<16384x768xf32, #tpu.memory_space<hbm>> -> memref<16x768xf32, #tpu.memory_space<hbm>>
    %dma_start3A_225 = arith.constant 0 : i32
    %dma_start3A_226 = tpu.memref_slice %arg4[%add3A_222, %dma_start3A_225] : memref<16384x768xf32, #tpu.memory_space<hbm>> -> memref<16x768xf32, #tpu.memory_space<hbm>>
    tpu.enqueue_dma source(%arg11 : memref<16x768xf32, #tpu.memory_space<vmem>>) target(%dma_start3A_226 : memref<16x768xf32, #tpu.memory_space<hbm>>) target_semaphore(%arg21 : memref<!tpu.dma_semaphore, #tpu.memory_space<semaphore_mem>>)
    %add3A_227 = arith.constant 48 : i32
    %add3A_228 = arith.addi %add3A_27, %add3A_227 : i32
    %dma_start3A_229 = arith.constant 0 : i32
    %dma_start3A_230 = tpu.memref_slice %arg4[%add3A_228, %dma_start3A_229] : memref<16384x768xf32, #tpu.memory_space<hbm>> -> memref<16x768xf32, #tpu.memory_space<hbm>>
    %dma_start3A_231 = arith.constant 0 : i32
    %dma_start3A_232 = tpu.memref_slice %arg4[%add3A_228, %dma_start3A_231] : memref<16384x768xf32, #tpu.memory_space<hbm>> -> memref<16x768xf32, #tpu.memory_space<hbm>>
    tpu.enqueue_dma source(%arg12 : memref<16x768xf32, #tpu.memory_space<vmem>>) target(%dma_start3A_232 : memref<16x768xf32, #tpu.memory_space<hbm>>) target_semaphore(%arg21 : memref<!tpu.dma_semaphore, #tpu.memory_space<semaphore_mem>>)
    %dma_wait3A_233 = arith.constant 0 : i32
    %dma_wait3A_234 = tpu.memref_slice %arg4[%add3A_176, %dma_wait3A_233] : memref<16384x768xf32, #tpu.memory_space<hbm>> -> memref<16x768xf32, #tpu.memory_space<hbm>>
    %dma_wait3A_235 = arith.constant 0 : i32
    %dma_wait3A_236 = tpu.memref_slice %arg4[%add3A_176, %dma_wait3A_235] : memref<16384x768xf32, #tpu.memory_space<hbm>> -> memref<16x768xf32, #tpu.memory_space<hbm>>
    tpu.wait_dma2 semaphore(%arg20 : memref<!tpu.dma_semaphore, #tpu.memory_space<semaphore_mem>>) src(%arg9 : memref<16x768xf32, #tpu.memory_space<vmem>>) dst(%dma_wait3A_236 : memref<16x768xf32, #tpu.memory_space<hbm>>)
    %dma_wait3A_237 = arith.constant 0 : i32
    %dma_wait3A_238 = tpu.memref_slice %arg4[%add3A_182, %dma_wait3A_237] : memref<16384x768xf32, #tpu.memory_space<hbm>> -> memref<16x768xf32, #tpu.memory_space<hbm>>
    %dma_wait3A_239 = arith.constant 0 : i32
    %dma_wait3A_240 = tpu.memref_slice %arg4[%add3A_182, %dma_wait3A_239] : memref<16384x768xf32, #tpu.memory_space<hbm>> -> memref<16x768xf32, #tpu.memory_space<hbm>>
    tpu.wait_dma2 semaphore(%arg20 : memref<!tpu.dma_semaphore, #tpu.memory_space<semaphore_mem>>) src(%arg10 : memref<16x768xf32, #tpu.memory_space<vmem>>) dst(%dma_wait3A_240 : memref<16x768xf32, #tpu.memory_space<hbm>>)
    %add3A_241 = arith.constant 96 : i32
    %add3A_242 = arith.addi %add3A_25, %add3A_241 : i32
    %dma_start3A_243 = arith.constant 0 : i32
    %dma_start3A_244 = tpu.memref_slice %arg2[%add3A_242, %dma_start3A_243] : memref<16384x768xf32, #tpu.memory_space<hbm>> -> memref<16x768xf32, #tpu.memory_space<hbm>>
    %dma_start3A_245 = arith.constant 0 : i32
    %dma_start3A_246 = tpu.memref_slice %arg2[%add3A_242, %dma_start3A_245] : memref<16384x768xf32, #tpu.memory_space<hbm>> -> memref<16x768xf32, #tpu.memory_space<hbm>>
    tpu.enqueue_dma source(%dma_start3A_246 : memref<16x768xf32, #tpu.memory_space<hbm>>) target(%arg9 : memref<16x768xf32, #tpu.memory_space<vmem>>) target_semaphore(%arg16 : memref<!tpu.dma_semaphore, #tpu.memory_space<semaphore_mem>>)
    %add3A_247 = arith.constant 96 : i32
    %add3A_248 = arith.addi %add3A_27, %add3A_247 : i32
    %dma_start3A_249 = arith.constant 0 : i32
    %dma_start3A_250 = tpu.memref_slice %arg2[%add3A_248, %dma_start3A_249] : memref<16384x768xf32, #tpu.memory_space<hbm>> -> memref<16x768xf32, #tpu.memory_space<hbm>>
    %dma_start3A_251 = arith.constant 0 : i32
    %dma_start3A_252 = tpu.memref_slice %arg2[%add3A_248, %dma_start3A_251] : memref<16384x768xf32, #tpu.memory_space<hbm>> -> memref<16x768xf32, #tpu.memory_space<hbm>>
    tpu.enqueue_dma source(%dma_start3A_252 : memref<16x768xf32, #tpu.memory_space<hbm>>) target(%arg10 : memref<16x768xf32, #tpu.memory_space<vmem>>) target_semaphore(%arg16 : memref<!tpu.dma_semaphore, #tpu.memory_space<semaphore_mem>>)
    %dma_wait3A_253 = arith.constant 0 : i32
    %dma_wait3A_254 = tpu.memref_slice %arg2[%add3A_150, %dma_wait3A_253] : memref<16384x768xf32, #tpu.memory_space<hbm>> -> memref<16x768xf32, #tpu.memory_space<hbm>>
    %dma_wait3A_255 = arith.constant 0 : i32
    %dma_wait3A_256 = tpu.memref_slice %arg2[%add3A_150, %dma_wait3A_255] : memref<16384x768xf32, #tpu.memory_space<hbm>> -> memref<16x768xf32, #tpu.memory_space<hbm>>
    tpu.wait_dma2 semaphore(%arg14 : memref<!tpu.dma_semaphore, #tpu.memory_space<semaphore_mem>>) src(%dma_wait3A_256 : memref<16x768xf32, #tpu.memory_space<hbm>>) dst(%arg5 : memref<16x768xf32, #tpu.memory_space<vmem>>)
    %dma_wait3A_257 = arith.constant 0 : i32
    %dma_wait3A_258 = tpu.memref_slice %arg2[%add3A_156, %dma_wait3A_257] : memref<16384x768xf32, #tpu.memory_space<hbm>> -> memref<16x768xf32, #tpu.memory_space<hbm>>
    %dma_wait3A_259 = arith.constant 0 : i32
    %dma_wait3A_260 = tpu.memref_slice %arg2[%add3A_156, %dma_wait3A_259] : memref<16384x768xf32, #tpu.memory_space<hbm>> -> memref<16x768xf32, #tpu.memory_space<hbm>>
    tpu.wait_dma2 semaphore(%arg14 : memref<!tpu.dma_semaphore, #tpu.memory_space<semaphore_mem>>) src(%dma_wait3A_260 : memref<16x768xf32, #tpu.memory_space<hbm>>) dst(%arg6 : memref<16x768xf32, #tpu.memory_space<vmem>>)
    %scan3A_261 = arith.constant 0 : i32
    %scan3A_262 = arith.constant 0 : i32
    %scan3A_263 = arith.constant 48 : i32
    %scan3A_264 = arith.addi %scan3A_262, %scan3A_263 : i32
    %scan3A_265 = arith.constant 1 : i32
    scf.for %scan3A_777 = %scan3A_262 to %scan3A_264 step %scan3A_265  : i32 {
      %mul3A_778 = arith.constant 16 : i32
      %mul3A_779 = arith.muli %scan3A_777, %mul3A_778 : i32
      %get3A = arith.constant 0 : i32
      %get3A_780 = arith.index_cast %get3A : i32 to index
      %get3A_781 = arith.index_cast %mul3A_779 : i32 to index
      %get3A_782 = tpu.vector_load %arg13[%get3A_780, %get3A_781] {strides = array<i32>} : memref<3x768xf32, #tpu.memory_space<vmem>>, vector<1x16xf32>,
      %get3A_783 = vector.shape_cast %get3A_782 : vector<1x16xf32> to vector<16xf32>
      %get3A_784 = arith.constant 1 : i32
      %get3A_785 = arith.index_cast %get3A_784 : i32 to index
      %get3A_786 = arith.index_cast %mul3A_779 : i32 to index
      %get3A_787 = tpu.vector_load %arg13[%get3A_785, %get3A_786] {strides = array<i32>} : memref<3x768xf32, #tpu.memory_space<vmem>>, vector<1x16xf32>,
      %get3A_788 = vector.shape_cast %get3A_787 : vector<1x16xf32> to vector<16xf32>
      %get3A_789 = arith.constant 2 : i32
      %get3A_790 = arith.index_cast %get3A_789 : i32 to index
      %get3A_791 = arith.index_cast %mul3A_779 : i32 to index
      %get3A_792 = tpu.vector_load %arg13[%get3A_790, %get3A_791] {strides = array<i32>} : memref<3x768xf32, #tpu.memory_space<vmem>>, vector<1x16xf32>,
      %get3A_793 = vector.shape_cast %get3A_792 : vector<1x16xf32> to vector<16xf32>
      %parallel_loop3A = arith.constant 0 : i32
      %parallel_loop3A_794 = arith.constant 16 : i32
      %parallel_loop3A_795 = arith.constant 1 : i32
      scf.for %parallel_loop3A_796 = %parallel_loop3A to %parallel_loop3A_794 step %parallel_loop3A_795  : i32 {
        %parallel_loop3A_797 = arith.index_cast %parallel_loop3A_796 : i32 to index
        %parallel_loop3A_798 = arith.index_cast %mul3A_779 : i32 to index
        %parallel_loop3A_799 = tpu.vector_load %arg5[%parallel_loop3A_797, %parallel_loop3A_798] {strides = array<i32>} : memref<16x768xf32, #tpu.memory_space<vmem>>, vector<1x16xf32>,
        %parallel_loop3A_800 = vector.shape_cast %parallel_loop3A_799 : vector<1x16xf32> to vector<16xf32>
        %parallel_loop3A_801 = arith.index_cast %parallel_loop3A_796 : i32 to index
        %parallel_loop3A_802 = arith.index_cast %mul3A_779 : i32 to index
        %parallel_loop3A_803 = tpu.vector_load %arg6[%parallel_loop3A_801, %parallel_loop3A_802] {strides = array<i32>} : memref<16x768xf32, #tpu.memory_space<vmem>>, vector<1x16xf32>,
        %parallel_loop3A_804 = vector.shape_cast %parallel_loop3A_803 : vector<1x16xf32> to vector<16xf32>
        %parallel_loop3A_805 = arith.mulf %parallel_loop3A_800, %get3A_783 : vector<16xf32>
        %parallel_loop3A_806 = arith.mulf %parallel_loop3A_804, %get3A_788 : vector<16xf32>
        %parallel_loop3A_807 = arith.addf %parallel_loop3A_805, %parallel_loop3A_806 : vector<16xf32>
        %parallel_loop3A_808 = arith.index_cast %parallel_loop3A_796 : i32 to index
        %parallel_loop3A_809 = arith.index_cast %mul3A_779 : i32 to index
        %parallel_loop3A_810 = tpu.vector_load %arg5[%parallel_loop3A_808, %parallel_loop3A_809] {strides = array<i32>} : memref<16x768xf32, #tpu.memory_space<vmem>>, vector<1x16xf32>,
        %parallel_loop3A_811 = vector.shape_cast %parallel_loop3A_810 : vector<1x16xf32> to vector<16xf32>
        %parallel_loop3A_812 = vector.shape_cast %parallel_loop3A_807 : vector<16xf32> to vector<1x16xf32>
        tpu.vector_store %arg5[%parallel_loop3A_808, %parallel_loop3A_809], %parallel_loop3A_812 {strides = array<i32>} : memref<16x768xf32, #tpu.memory_space<vmem>>, vector<1x16xf32>,
        %parallel_loop3A_813 = arith.mulf %parallel_loop3A_804, %get3A_793 : vector<16xf32>
        %parallel_loop3A_814 = arith.index_cast %parallel_loop3A_796 : i32 to index
        %parallel_loop3A_815 = arith.index_cast %mul3A_779 : i32 to index
        %parallel_loop3A_816 = tpu.vector_load %arg6[%parallel_loop3A_814, %parallel_loop3A_815] {strides = array<i32>} : memref<16x768xf32, #tpu.memory_space<vmem>>, vector<1x16xf32>,
        %parallel_loop3A_817 = vector.shape_cast %parallel_loop3A_816 : vector<1x16xf32> to vector<16xf32>
        %parallel_loop3A_818 = vector.shape_cast %parallel_loop3A_813 : vector<16xf32> to vector<1x16xf32>
        tpu.vector_store %arg6[%parallel_loop3A_814, %parallel_loop3A_815], %parallel_loop3A_818 {strides = array<i32>} : memref<16x768xf32, #tpu.memory_space<vmem>>, vector<1x16xf32>,
      } {sc.loop_unroll_factor = 8 : i64, sc.parallel_access}
    }
    %scan3A_266 = arith.constant 48 : i32
    %add3A_267 = arith.constant 64 : i32
    %add3A_268 = arith.addi %add3A_25, %add3A_267 : i32
    %dma_start3A_269 = arith.constant 0 : i32
    %dma_start3A_270 = tpu.memref_slice %arg4[%add3A_268, %dma_start3A_269] : memref<16384x768xf32, #tpu.memory_space<hbm>> -> memref<16x768xf32, #tpu.memory_space<hbm>>
    %dma_start3A_271 = arith.constant 0 : i32
    %dma_start3A_272 = tpu.memref_slice %arg4[%add3A_268, %dma_start3A_271] : memref<16384x768xf32, #tpu.memory_space<hbm>> -> memref<16x768xf32, #tpu.memory_space<hbm>>
    tpu.enqueue_dma source(%arg5 : memref<16x768xf32, #tpu.memory_space<vmem>>) target(%dma_start3A_272 : memref<16x768xf32, #tpu.memory_space<hbm>>) target_semaphore(%arg18 : memref<!tpu.dma_semaphore, #tpu.memory_space<semaphore_mem>>)
    %add3A_273 = arith.constant 64 : i32
    %add3A_274 = arith.addi %add3A_27, %add3A_273 : i32
    %dma_start3A_275 = arith.constant 0 : i32
    %dma_start3A_276 = tpu.memref_slice %arg4[%add3A_274, %dma_start3A_275] : memref<16384x768xf32, #tpu.memory_space<hbm>> -> memref<16x768xf32, #tpu.memory_space<hbm>>
    %dma_start3A_277 = arith.constant 0 : i32
    %dma_start3A_278 = tpu.memref_slice %arg4[%add3A_274, %dma_start3A_277] : memref<16384x768xf32, #tpu.memory_space<hbm>> -> memref<16x768xf32, #tpu.memory_space<hbm>>
    tpu.enqueue_dma source(%arg6 : memref<16x768xf32, #tpu.memory_space<vmem>>) target(%dma_start3A_278 : memref<16x768xf32, #tpu.memory_space<hbm>>) target_semaphore(%arg18 : memref<!tpu.dma_semaphore, #tpu.memory_space<semaphore_mem>>)
    %dma_wait3A_279 = arith.constant 0 : i32
    %dma_wait3A_280 = tpu.memref_slice %arg4[%add3A_222, %dma_wait3A_279] : memref<16384x768xf32, #tpu.memory_space<hbm>> -> memref<16x768xf32, #tpu.memory_space<hbm>>
    %dma_wait3A_281 = arith.constant 0 : i32
    %dma_wait3A_282 = tpu.memref_slice %arg4[%add3A_222, %dma_wait3A_281] : memref<16384x768xf32, #tpu.memory_space<hbm>> -> memref<16x768xf32, #tpu.memory_space<hbm>>
    tpu.wait_dma2 semaphore(%arg21 : memref<!tpu.dma_semaphore, #tpu.memory_space<semaphore_mem>>) src(%arg11 : memref<16x768xf32, #tpu.memory_space<vmem>>) dst(%dma_wait3A_282 : memref<16x768xf32, #tpu.memory_space<hbm>>)
    %dma_wait3A_283 = arith.constant 0 : i32
    %dma_wait3A_284 = tpu.memref_slice %arg4[%add3A_228, %dma_wait3A_283] : memref<16384x768xf32, #tpu.memory_space<hbm>> -> memref<16x768xf32, #tpu.memory_space<hbm>>
    %dma_wait3A_285 = arith.constant 0 : i32
    %dma_wait3A_286 = tpu.memref_slice %arg4[%add3A_228, %dma_wait3A_285] : memref<16384x768xf32, #tpu.memory_space<hbm>> -> memref<16x768xf32, #tpu.memory_space<hbm>>
    tpu.wait_dma2 semaphore(%arg21 : memref<!tpu.dma_semaphore, #tpu.memory_space<semaphore_mem>>) src(%arg12 : memref<16x768xf32, #tpu.memory_space<vmem>>) dst(%dma_wait3A_286 : memref<16x768xf32, #tpu.memory_space<hbm>>)
    %add3A_287 = arith.constant 112 : i32
    %add3A_288 = arith.addi %add3A_25, %add3A_287 : i32
    %dma_start3A_289 = arith.constant 0 : i32
    %dma_start3A_290 = tpu.memref_slice %arg2[%add3A_288, %dma_start3A_289] : memref<16384x768xf32, #tpu.memory_space<hbm>> -> memref<16x768xf32, #tpu.memory_space<hbm>>
    %dma_start3A_291 = arith.constant 0 : i32
    %dma_start3A_292 = tpu.memref_slice %arg2[%add3A_288, %dma_start3A_291] : memref<16384x768xf32, #tpu.memory_space<hbm>> -> memref<16x768xf32, #tpu.memory_space<hbm>>
    tpu.enqueue_dma source(%dma_start3A_292 : memref<16x768xf32, #tpu.memory_space<hbm>>) target(%arg11 : memref<16x768xf32, #tpu.memory_space<vmem>>) target_semaphore(%arg17 : memref<!tpu.dma_semaphore, #tpu.memory_space<semaphore_mem>>)
    %add3A_293 = arith.constant 112 : i32
    %add3A_294 = arith.addi %add3A_27, %add3A_293 : i32
    %dma_start3A_295 = arith.constant 0 : i32
    %dma_start3A_296 = tpu.memref_slice %arg2[%add3A_294, %dma_start3A_295] : memref<16384x768xf32, #tpu.memory_space<hbm>> -> memref<16x768xf32, #tpu.memory_space<hbm>>
    %dma_start3A_297 = arith.constant 0 : i32
    %dma_start3A_298 = tpu.memref_slice %arg2[%add3A_294, %dma_start3A_297] : memref<16384x768xf32, #tpu.memory_space<hbm>> -> memref<16x768xf32, #tpu.memory_space<hbm>>
    tpu.enqueue_dma source(%dma_start3A_298 : memref<16x768xf32, #tpu.memory_space<hbm>>) target(%arg12 : memref<16x768xf32, #tpu.memory_space<vmem>>) target_semaphore(%arg17 : memref<!tpu.dma_semaphore, #tpu.memory_space<semaphore_mem>>)
    %dma_wait3A_299 = arith.constant 0 : i32
    %dma_wait3A_300 = tpu.memref_slice %arg2[%add3A_196, %dma_wait3A_299] : memref<16384x768xf32, #tpu.memory_space<hbm>> -> memref<16x768xf32, #tpu.memory_space<hbm>>
    %dma_wait3A_301 = arith.constant 0 : i32
    %dma_wait3A_302 = tpu.memref_slice %arg2[%add3A_196, %dma_wait3A_301] : memref<16384x768xf32, #tpu.memory_space<hbm>> -> memref<16x768xf32, #tpu.memory_space<hbm>>
    tpu.wait_dma2 semaphore(%arg15 : memref<!tpu.dma_semaphore, #tpu.memory_space<semaphore_mem>>) src(%dma_wait3A_302 : memref<16x768xf32, #tpu.memory_space<hbm>>) dst(%arg7 : memref<16x768xf32, #tpu.memory_space<vmem>>)
    %dma_wait3A_303 = arith.constant 0 : i32
    %dma_wait3A_304 = tpu.memref_slice %arg2[%add3A_202, %dma_wait3A_303] : memref<16384x768xf32, #tpu.memory_space<hbm>> -> memref<16x768xf32, #tpu.memory_space<hbm>>
    %dma_wait3A_305 = arith.constant 0 : i32
    %dma_wait3A_306 = tpu.memref_slice %arg2[%add3A_202, %dma_wait3A_305] : memref<16384x768xf32, #tpu.memory_space<hbm>> -> memref<16x768xf32, #tpu.memory_space<hbm>>
    tpu.wait_dma2 semaphore(%arg15 : memref<!tpu.dma_semaphore, #tpu.memory_space<semaphore_mem>>) src(%dma_wait3A_306 : memref<16x768xf32, #tpu.memory_space<hbm>>) dst(%arg8 : memref<16x768xf32, #tpu.memory_space<vmem>>)
    %scan3A_307 = arith.constant 0 : i32
    %scan3A_308 = arith.constant 0 : i32
    %scan3A_309 = arith.constant 48 : i32
    %scan3A_310 = arith.addi %scan3A_308, %scan3A_309 : i32
    %scan3A_311 = arith.constant 1 : i32
    scf.for %scan3A_777 = %scan3A_308 to %scan3A_310 step %scan3A_311  : i32 {
      %mul3A_778 = arith.constant 16 : i32
      %mul3A_779 = arith.muli %scan3A_777, %mul3A_778 : i32
      %get3A = arith.constant 0 : i32
      %get3A_780 = arith.index_cast %get3A : i32 to index
      %get3A_781 = arith.index_cast %mul3A_779 : i32 to index
      %get3A_782 = tpu.vector_load %arg13[%get3A_780, %get3A_781] {strides = array<i32>} : memref<3x768xf32, #tpu.memory_space<vmem>>, vector<1x16xf32>,
      %get3A_783 = vector.shape_cast %get3A_782 : vector<1x16xf32> to vector<16xf32>
      %get3A_784 = arith.constant 1 : i32
      %get3A_785 = arith.index_cast %get3A_784 : i32 to index
      %get3A_786 = arith.index_cast %mul3A_779 : i32 to index
      %get3A_787 = tpu.vector_load %arg13[%get3A_785, %get3A_786] {strides = array<i32>} : memref<3x768xf32, #tpu.memory_space<vmem>>, vector<1x16xf32>,
      %get3A_788 = vector.shape_cast %get3A_787 : vector<1x16xf32> to vector<16xf32>
      %get3A_789 = arith.constant 2 : i32
      %get3A_790 = arith.index_cast %get3A_789 : i32 to index
      %get3A_791 = arith.index_cast %mul3A_779 : i32 to index
      %get3A_792 = tpu.vector_load %arg13[%get3A_790, %get3A_791] {strides = array<i32>} : memref<3x768xf32, #tpu.memory_space<vmem>>, vector<1x16xf32>,
      %get3A_793 = vector.shape_cast %get3A_792 : vector<1x16xf32> to vector<16xf32>
      %parallel_loop3A = arith.constant 0 : i32
      %parallel_loop3A_794 = arith.constant 16 : i32
      %parallel_loop3A_795 = arith.constant 1 : i32
      scf.for %parallel_loop3A_796 = %parallel_loop3A to %parallel_loop3A_794 step %parallel_loop3A_795  : i32 {
        %parallel_loop3A_797 = arith.index_cast %parallel_loop3A_796 : i32 to index
        %parallel_loop3A_798 = arith.index_cast %mul3A_779 : i32 to index
        %parallel_loop3A_799 = tpu.vector_load %arg7[%parallel_loop3A_797, %parallel_loop3A_798] {strides = array<i32>} : memref<16x768xf32, #tpu.memory_space<vmem>>, vector<1x16xf32>,
        %parallel_loop3A_800 = vector.shape_cast %parallel_loop3A_799 : vector<1x16xf32> to vector<16xf32>
        %parallel_loop3A_801 = arith.index_cast %parallel_loop3A_796 : i32 to index
        %parallel_loop3A_802 = arith.index_cast %mul3A_779 : i32 to index
        %parallel_loop3A_803 = tpu.vector_load %arg8[%parallel_loop3A_801, %parallel_loop3A_802] {strides = array<i32>} : memref<16x768xf32, #tpu.memory_space<vmem>>, vector<1x16xf32>,
        %parallel_loop3A_804 = vector.shape_cast %parallel_loop3A_803 : vector<1x16xf32> to vector<16xf32>
        %parallel_loop3A_805 = arith.mulf %parallel_loop3A_800, %get3A_783 : vector<16xf32>
        %parallel_loop3A_806 = arith.mulf %parallel_loop3A_804, %get3A_788 : vector<16xf32>
        %parallel_loop3A_807 = arith.addf %parallel_loop3A_805, %parallel_loop3A_806 : vector<16xf32>
        %parallel_loop3A_808 = arith.index_cast %parallel_loop3A_796 : i32 to index
        %parallel_loop3A_809 = arith.index_cast %mul3A_779 : i32 to index
        %parallel_loop3A_810 = tpu.vector_load %arg7[%parallel_loop3A_808, %parallel_loop3A_809] {strides = array<i32>} : memref<16x768xf32, #tpu.memory_space<vmem>>, vector<1x16xf32>,
        %parallel_loop3A_811 = vector.shape_cast %parallel_loop3A_810 : vector<1x16xf32> to vector<16xf32>
        %parallel_loop3A_812 = vector.shape_cast %parallel_loop3A_807 : vector<16xf32> to vector<1x16xf32>
        tpu.vector_store %arg7[%parallel_loop3A_808, %parallel_loop3A_809], %parallel_loop3A_812 {strides = array<i32>} : memref<16x768xf32, #tpu.memory_space<vmem>>, vector<1x16xf32>,
        %parallel_loop3A_813 = arith.mulf %parallel_loop3A_804, %get3A_793 : vector<16xf32>
        %parallel_loop3A_814 = arith.index_cast %parallel_loop3A_796 : i32 to index
        %parallel_loop3A_815 = arith.index_cast %mul3A_779 : i32 to index
        %parallel_loop3A_816 = tpu.vector_load %arg8[%parallel_loop3A_814, %parallel_loop3A_815] {strides = array<i32>} : memref<16x768xf32, #tpu.memory_space<vmem>>, vector<1x16xf32>,
        %parallel_loop3A_817 = vector.shape_cast %parallel_loop3A_816 : vector<1x16xf32> to vector<16xf32>
        %parallel_loop3A_818 = vector.shape_cast %parallel_loop3A_813 : vector<16xf32> to vector<1x16xf32>
        tpu.vector_store %arg8[%parallel_loop3A_814, %parallel_loop3A_815], %parallel_loop3A_818 {strides = array<i32>} : memref<16x768xf32, #tpu.memory_space<vmem>>, vector<1x16xf32>,
      } {sc.loop_unroll_factor = 8 : i64, sc.parallel_access}
    }
    %scan3A_312 = arith.constant 48 : i32
    %add3A_313 = arith.constant 80 : i32
    %add3A_314 = arith.addi %add3A_25, %add3A_313 : i32
    %dma_start3A_315 = arith.constant 0 : i32
    %dma_start3A_316 = tpu.memref_slice %arg4[%add3A_314, %dma_start3A_315] : memref<16384x768xf32, #tpu.memory_space<hbm>> -> memref<16x768xf32, #tpu.memory_space<hbm>>
    %dma_start3A_317 = arith.constant 0 : i32
    %dma_start3A_318 = tpu.memref_slice %arg4[%add3A_314, %dma_start3A_317] : memref<16384x768xf32, #tpu.memory_space<hbm>> -> memref<16x768xf32, #tpu.memory_space<hbm>>
    tpu.enqueue_dma source(%arg7 : memref<16x768xf32, #tpu.memory_space<vmem>>) target(%dma_start3A_318 : memref<16x768xf32, #tpu.memory_space<hbm>>) target_semaphore(%arg19 : memref<!tpu.dma_semaphore, #tpu.memory_space<semaphore_mem>>)
    %add3A_319 = arith.constant 80 : i32
    %add3A_320 = arith.addi %add3A_27, %add3A_319 : i32
    %dma_start3A_321 = arith.constant 0 : i32
    %dma_start3A_322 = tpu.memref_slice %arg4[%add3A_320, %dma_start3A_321] : memref<16384x768xf32, #tpu.memory_space<hbm>> -> memref<16x768xf32, #tpu.memory_space<hbm>>
    %dma_start3A_323 = arith.constant 0 : i32
    %dma_start3A_324 = tpu.memref_slice %arg4[%add3A_320, %dma_start3A_323] : memref<16384x768xf32, #tpu.memory_space<hbm>> -> memref<16x768xf32, #tpu.memory_space<hbm>>
    tpu.enqueue_dma source(%arg8 : memref<16x768xf32, #tpu.memory_space<vmem>>) target(%dma_start3A_324 : memref<16x768xf32, #tpu.memory_space<hbm>>) target_semaphore(%arg19 : memref<!tpu.dma_semaphore, #tpu.memory_space<semaphore_mem>>)
    %dma_wait3A_325 = arith.constant 0 : i32
    %dma_wait3A_326 = tpu.memref_slice %arg4[%add3A_268, %dma_wait3A_325] : memref<16384x768xf32, #tpu.memory_space<hbm>> -> memref<16x768xf32, #tpu.memory_space<hbm>>
    %dma_wait3A_327 = arith.constant 0 : i32
    %dma_wait3A_328 = tpu.memref_slice %arg4[%add3A_268, %dma_wait3A_327] : memref<16384x768xf32, #tpu.memory_space<hbm>> -> memref<16x768xf32, #tpu.memory_space<hbm>>
    tpu.wait_dma2 semaphore(%arg18 : memref<!tpu.dma_semaphore, #tpu.memory_space<semaphore_mem>>) src(%arg5 : memref<16x768xf32, #tpu.memory_space<vmem>>) dst(%dma_wait3A_328 : memref<16x768xf32, #tpu.memory_space<hbm>>)
    %dma_wait3A_329 = arith.constant 0 : i32
    %dma_wait3A_330 = tpu.memref_slice %arg4[%add3A_274, %dma_wait3A_329] : memref<16384x768xf32, #tpu.memory_space<hbm>> -> memref<16x768xf32, #tpu.memory_space<hbm>>
    %dma_wait3A_331 = arith.constant 0 : i32
    %dma_wait3A_332 = tpu.memref_slice %arg4[%add3A_274, %dma_wait3A_331] : memref<16384x768xf32, #tpu.memory_space<hbm>> -> memref<16x768xf32, #tpu.memory_space<hbm>>
    tpu.wait_dma2 semaphore(%arg18 : memref<!tpu.dma_semaphore, #tpu.memory_space<semaphore_mem>>) src(%arg6 : memref<16x768xf32, #tpu.memory_space<vmem>>) dst(%dma_wait3A_332 : memref<16x768xf32, #tpu.memory_space<hbm>>)
    %add3A_333 = arith.constant 128 : i32
    %add3A_334 = arith.addi %add3A_25, %add3A_333 : i32
    %dma_start3A_335 = arith.constant 0 : i32
    %dma_start3A_336 = tpu.memref_slice %arg2[%add3A_334, %dma_start3A_335] : memref<16384x768xf32, #tpu.memory_space<hbm>> -> memref<16x768xf32, #tpu.memory_space<hbm>>
    %dma_start3A_337 = arith.constant 0 : i32
    %dma_start3A_338 = tpu.memref_slice %arg2[%add3A_334, %dma_start3A_337] : memref<16384x768xf32, #tpu.memory_space<hbm>> -> memref<16x768xf32, #tpu.memory_space<hbm>>
    tpu.enqueue_dma source(%dma_start3A_338 : memref<16x768xf32, #tpu.memory_space<hbm>>) target(%arg5 : memref<16x768xf32, #tpu.memory_space<vmem>>) target_semaphore(%arg14 : memref<!tpu.dma_semaphore, #tpu.memory_space<semaphore_mem>>)
    %add3A_339 = arith.constant 128 : i32
    %add3A_340 = arith.addi %add3A_27, %add3A_339 : i32
    %dma_start3A_341 = arith.constant 0 : i32
    %dma_start3A_342 = tpu.memref_slice %arg2[%add3A_340, %dma_start3A_341] : memref<16384x768xf32, #tpu.memory_space<hbm>> -> memref<16x768xf32, #tpu.memory_space<hbm>>
    %dma_start3A_343 = arith.constant 0 : i32
    %dma_start3A_344 = tpu.memref_slice %arg2[%add3A_340, %dma_start3A_343] : memref<16384x768xf32, #tpu.memory_space<hbm>> -> memref<16x768xf32, #tpu.memory_space<hbm>>
    tpu.enqueue_dma source(%dma_start3A_344 : memref<16x768xf32, #tpu.memory_space<hbm>>) target(%arg6 : memref<16x768xf32, #tpu.memory_space<vmem>>) target_semaphore(%arg14 : memref<!tpu.dma_semaphore, #tpu.memory_space<semaphore_mem>>)
    %dma_wait3A_345 = arith.constant 0 : i32
    %dma_wait3A_346 = tpu.memref_slice %arg2[%add3A_242, %dma_wait3A_345] : memref<16384x768xf32, #tpu.memory_space<hbm>> -> memref<16x768xf32, #tpu.memory_space<hbm>>
    %dma_wait3A_347 = arith.constant 0 : i32
    %dma_wait3A_348 = tpu.memref_slice %arg2[%add3A_242, %dma_wait3A_347] : memref<16384x768xf32, #tpu.memory_space<hbm>> -> memref<16x768xf32, #tpu.memory_space<hbm>>
    tpu.wait_dma2 semaphore(%arg16 : memref<!tpu.dma_semaphore, #tpu.memory_space<semaphore_mem>>) src(%dma_wait3A_348 : memref<16x768xf32, #tpu.memory_space<hbm>>) dst(%arg9 : memref<16x768xf32, #tpu.memory_space<vmem>>)
    %dma_wait3A_349 = arith.constant 0 : i32
    %dma_wait3A_350 = tpu.memref_slice %arg2[%add3A_248, %dma_wait3A_349] : memref<16384x768xf32, #tpu.memory_space<hbm>> -> memref<16x768xf32, #tpu.memory_space<hbm>>
    %dma_wait3A_351 = arith.constant 0 : i32
    %dma_wait3A_352 = tpu.memref_slice %arg2[%add3A_248, %dma_wait3A_351] : memref<16384x768xf32, #tpu.memory_space<hbm>> -> memref<16x768xf32, #tpu.memory_space<hbm>>
    tpu.wait_dma2 semaphore(%arg16 : memref<!tpu.dma_semaphore, #tpu.memory_space<semaphore_mem>>) src(%dma_wait3A_352 : memref<16x768xf32, #tpu.memory_space<hbm>>) dst(%arg10 : memref<16x768xf32, #tpu.memory_space<vmem>>)
    %scan3A_353 = arith.constant 0 : i32
    %scan3A_354 = arith.constant 0 : i32
    %scan3A_355 = arith.constant 48 : i32
    %scan3A_356 = arith.addi %scan3A_354, %scan3A_355 : i32
    %scan3A_357 = arith.constant 1 : i32
    scf.for %scan3A_777 = %scan3A_354 to %scan3A_356 step %scan3A_357  : i32 {
      %mul3A_778 = arith.constant 16 : i32
      %mul3A_779 = arith.muli %scan3A_777, %mul3A_778 : i32
      %get3A = arith.constant 0 : i32
      %get3A_780 = arith.index_cast %get3A : i32 to index
      %get3A_781 = arith.index_cast %mul3A_779 : i32 to index
      %get3A_782 = tpu.vector_load %arg13[%get3A_780, %get3A_781] {strides = array<i32>} : memref<3x768xf32, #tpu.memory_space<vmem>>, vector<1x16xf32>,
      %get3A_783 = vector.shape_cast %get3A_782 : vector<1x16xf32> to vector<16xf32>
      %get3A_784 = arith.constant 1 : i32
      %get3A_785 = arith.index_cast %get3A_784 : i32 to index
      %get3A_786 = arith.index_cast %mul3A_779 : i32 to index
      %get3A_787 = tpu.vector_load %arg13[%get3A_785, %get3A_786] {strides = array<i32>} : memref<3x768xf32, #tpu.memory_space<vmem>>, vector<1x16xf32>,
      %get3A_788 = vector.shape_cast %get3A_787 : vector<1x16xf32> to vector<16xf32>
      %get3A_789 = arith.constant 2 : i32
      %get3A_790 = arith.index_cast %get3A_789 : i32 to index
      %get3A_791 = arith.index_cast %mul3A_779 : i32 to index
      %get3A_792 = tpu.vector_load %arg13[%get3A_790, %get3A_791] {strides = array<i32>} : memref<3x768xf32, #tpu.memory_space<vmem>>, vector<1x16xf32>,
      %get3A_793 = vector.shape_cast %get3A_792 : vector<1x16xf32> to vector<16xf32>
      %parallel_loop3A = arith.constant 0 : i32
      %parallel_loop3A_794 = arith.constant 16 : i32
      %parallel_loop3A_795 = arith.constant 1 : i32
      scf.for %parallel_loop3A_796 = %parallel_loop3A to %parallel_loop3A_794 step %parallel_loop3A_795  : i32 {
        %parallel_loop3A_797 = arith.index_cast %parallel_loop3A_796 : i32 to index
        %parallel_loop3A_798 = arith.index_cast %mul3A_779 : i32 to index
        %parallel_loop3A_799 = tpu.vector_load %arg9[%parallel_loop3A_797, %parallel_loop3A_798] {strides = array<i32>} : memref<16x768xf32, #tpu.memory_space<vmem>>, vector<1x16xf32>,
        %parallel_loop3A_800 = vector.shape_cast %parallel_loop3A_799 : vector<1x16xf32> to vector<16xf32>
        %parallel_loop3A_801 = arith.index_cast %parallel_loop3A_796 : i32 to index
        %parallel_loop3A_802 = arith.index_cast %mul3A_779 : i32 to index
        %parallel_loop3A_803 = tpu.vector_load %arg10[%parallel_loop3A_801, %parallel_loop3A_802] {strides = array<i32>} : memref<16x768xf32, #tpu.memory_space<vmem>>, vector<1x16xf32>,
        %parallel_loop3A_804 = vector.shape_cast %parallel_loop3A_803 : vector<1x16xf32> to vector<16xf32>
        %parallel_loop3A_805 = arith.mulf %parallel_loop3A_800, %get3A_783 : vector<16xf32>
        %parallel_loop3A_806 = arith.mulf %parallel_loop3A_804, %get3A_788 : vector<16xf32>
        %parallel_loop3A_807 = arith.addf %parallel_loop3A_805, %parallel_loop3A_806 : vector<16xf32>
        %parallel_loop3A_808 = arith.index_cast %parallel_loop3A_796 : i32 to index
        %parallel_loop3A_809 = arith.index_cast %mul3A_779 : i32 to index
        %parallel_loop3A_810 = tpu.vector_load %arg9[%parallel_loop3A_808, %parallel_loop3A_809] {strides = array<i32>} : memref<16x768xf32, #tpu.memory_space<vmem>>, vector<1x16xf32>,
        %parallel_loop3A_811 = vector.shape_cast %parallel_loop3A_810 : vector<1x16xf32> to vector<16xf32>
        %parallel_loop3A_812 = vector.shape_cast %parallel_loop3A_807 : vector<16xf32> to vector<1x16xf32>
        tpu.vector_store %arg9[%parallel_loop3A_808, %parallel_loop3A_809], %parallel_loop3A_812 {strides = array<i32>} : memref<16x768xf32, #tpu.memory_space<vmem>>, vector<1x16xf32>,
        %parallel_loop3A_813 = arith.mulf %parallel_loop3A_804, %get3A_793 : vector<16xf32>
        %parallel_loop3A_814 = arith.index_cast %parallel_loop3A_796 : i32 to index
        %parallel_loop3A_815 = arith.index_cast %mul3A_779 : i32 to index
        %parallel_loop3A_816 = tpu.vector_load %arg10[%parallel_loop3A_814, %parallel_loop3A_815] {strides = array<i32>} : memref<16x768xf32, #tpu.memory_space<vmem>>, vector<1x16xf32>,
        %parallel_loop3A_817 = vector.shape_cast %parallel_loop3A_816 : vector<1x16xf32> to vector<16xf32>
        %parallel_loop3A_818 = vector.shape_cast %parallel_loop3A_813 : vector<16xf32> to vector<1x16xf32>
        tpu.vector_store %arg10[%parallel_loop3A_814, %parallel_loop3A_815], %parallel_loop3A_818 {strides = array<i32>} : memref<16x768xf32, #tpu.memory_space<vmem>>, vector<1x16xf32>,
      } {sc.loop_unroll_factor = 8 : i64, sc.parallel_access}
    }
    %scan3A_358 = arith.constant 48 : i32
    %add3A_359 = arith.constant 96 : i32
    %add3A_360 = arith.addi %add3A_25, %add3A_359 : i32
    %dma_start3A_361 = arith.constant 0 : i32
    %dma_start3A_362 = tpu.memref_slice %arg4[%add3A_360, %dma_start3A_361] : memref<16384x768xf32, #tpu.memory_space<hbm>> -> memref<16x768xf32, #tpu.memory_space<hbm>>
    %dma_start3A_363 = arith.constant 0 : i32
    %dma_start3A_364 = tpu.memref_slice %arg4[%add3A_360, %dma_start3A_363] : memref<16384x768xf32, #tpu.memory_space<hbm>> -> memref<16x768xf32, #tpu.memory_space<hbm>>
    tpu.enqueue_dma source(%arg9 : memref<16x768xf32, #tpu.memory_space<vmem>>) target(%dma_start3A_364 : memref<16x768xf32, #tpu.memory_space<hbm>>) target_semaphore(%arg20 : memref<!tpu.dma_semaphore, #tpu.memory_space<semaphore_mem>>)
    %add3A_365 = arith.constant 96 : i32
    %add3A_366 = arith.addi %add3A_27, %add3A_365 : i32
    %dma_start3A_367 = arith.constant 0 : i32
    %dma_start3A_368 = tpu.memref_slice %arg4[%add3A_366, %dma_start3A_367] : memref<16384x768xf32, #tpu.memory_space<hbm>> -> memref<16x768xf32, #tpu.memory_space<hbm>>
    %dma_start3A_369 = arith.constant 0 : i32
    %dma_start3A_370 = tpu.memref_slice %arg4[%add3A_366, %dma_start3A_369] : memref<16384x768xf32, #tpu.memory_space<hbm>> -> memref<16x768xf32, #tpu.memory_space<hbm>>
    tpu.enqueue_dma source(%arg10 : memref<16x768xf32, #tpu.memory_space<vmem>>) target(%dma_start3A_370 : memref<16x768xf32, #tpu.memory_space<hbm>>) target_semaphore(%arg20 : memref<!tpu.dma_semaphore, #tpu.memory_space<semaphore_mem>>)
    %dma_wait3A_371 = arith.constant 0 : i32
    %dma_wait3A_372 = tpu.memref_slice %arg4[%add3A_314, %dma_wait3A_371] : memref<16384x768xf32, #tpu.memory_space<hbm>> -> memref<16x768xf32, #tpu.memory_space<hbm>>
    %dma_wait3A_373 = arith.constant 0 : i32
    %dma_wait3A_374 = tpu.memref_slice %arg4[%add3A_314, %dma_wait3A_373] : memref<16384x768xf32, #tpu.memory_space<hbm>> -> memref<16x768xf32, #tpu.memory_space<hbm>>
    tpu.wait_dma2 semaphore(%arg19 : memref<!tpu.dma_semaphore, #tpu.memory_space<semaphore_mem>>) src(%arg7 : memref<16x768xf32, #tpu.memory_space<vmem>>) dst(%dma_wait3A_374 : memref<16x768xf32, #tpu.memory_space<hbm>>)
    %dma_wait3A_375 = arith.constant 0 : i32
    %dma_wait3A_376 = tpu.memref_slice %arg4[%add3A_320, %dma_wait3A_375] : memref<16384x768xf32, #tpu.memory_space<hbm>> -> memref<16x768xf32, #tpu.memory_space<hbm>>
    %dma_wait3A_377 = arith.constant 0 : i32
    %dma_wait3A_378 = tpu.memref_slice %arg4[%add3A_320, %dma_wait3A_377] : memref<16384x768xf32, #tpu.memory_space<hbm>> -> memref<16x768xf32, #tpu.memory_space<hbm>>
    tpu.wait_dma2 semaphore(%arg19 : memref<!tpu.dma_semaphore, #tpu.memory_space<semaphore_mem>>) src(%arg8 : memref<16x768xf32, #tpu.memory_space<vmem>>) dst(%dma_wait3A_378 : memref<16x768xf32, #tpu.memory_space<hbm>>)
    %add3A_379 = arith.constant 144 : i32
    %add3A_380 = arith.addi %add3A_25, %add3A_379 : i32
    %dma_start3A_381 = arith.constant 0 : i32
    %dma_start3A_382 = tpu.memref_slice %arg2[%add3A_380, %dma_start3A_381] : memref<16384x768xf32, #tpu.memory_space<hbm>> -> memref<16x768xf32, #tpu.memory_space<hbm>>
    %dma_start3A_383 = arith.constant 0 : i32
    %dma_start3A_384 = tpu.memref_slice %arg2[%add3A_380, %dma_start3A_383] : memref<16384x768xf32, #tpu.memory_space<hbm>> -> memref<16x768xf32, #tpu.memory_space<hbm>>
    tpu.enqueue_dma source(%dma_start3A_384 : memref<16x768xf32, #tpu.memory_space<hbm>>) target(%arg7 : memref<16x768xf32, #tpu.memory_space<vmem>>) target_semaphore(%arg15 : memref<!tpu.dma_semaphore, #tpu.memory_space<semaphore_mem>>)
    %add3A_385 = arith.constant 144 : i32
    %add3A_386 = arith.addi %add3A_27, %add3A_385 : i32
    %dma_start3A_387 = arith.constant 0 : i32
    %dma_start3A_388 = tpu.memref_slice %arg2[%add3A_386, %dma_start3A_387] : memref<16384x768xf32, #tpu.memory_space<hbm>> -> memref<16x768xf32, #tpu.memory_space<hbm>>
    %dma_start3A_389 = arith.constant 0 : i32
    %dma_start3A_390 = tpu.memref_slice %arg2[%add3A_386, %dma_start3A_389] : memref<16384x768xf32, #tpu.memory_space<hbm>> -> memref<16x768xf32, #tpu.memory_space<hbm>>
    tpu.enqueue_dma source(%dma_start3A_390 : memref<16x768xf32, #tpu.memory_space<hbm>>) target(%arg8 : memref<16x768xf32, #tpu.memory_space<vmem>>) target_semaphore(%arg15 : memref<!tpu.dma_semaphore, #tpu.memory_space<semaphore_mem>>)
    %dma_wait3A_391 = arith.constant 0 : i32
    %dma_wait3A_392 = tpu.memref_slice %arg2[%add3A_288, %dma_wait3A_391] : memref<16384x768xf32, #tpu.memory_space<hbm>> -> memref<16x768xf32, #tpu.memory_space<hbm>>
    %dma_wait3A_393 = arith.constant 0 : i32
    %dma_wait3A_394 = tpu.memref_slice %arg2[%add3A_288, %dma_wait3A_393] : memref<16384x768xf32, #tpu.memory_space<hbm>> -> memref<16x768xf32, #tpu.memory_space<hbm>>
    tpu.wait_dma2 semaphore(%arg17 : memref<!tpu.dma_semaphore, #tpu.memory_space<semaphore_mem>>) src(%dma_wait3A_394 : memref<16x768xf32, #tpu.memory_space<hbm>>) dst(%arg11 : memref<16x768xf32, #tpu.memory_space<vmem>>)
    %dma_wait3A_395 = arith.constant 0 : i32
    %dma_wait3A_396 = tpu.memref_slice %arg2[%add3A_294, %dma_wait3A_395] : memref<16384x768xf32, #tpu.memory_space<hbm>> -> memref<16x768xf32, #tpu.memory_space<hbm>>
    %dma_wait3A_397 = arith.constant 0 : i32
    %dma_wait3A_398 = tpu.memref_slice %arg2[%add3A_294, %dma_wait3A_397] : memref<16384x768xf32, #tpu.memory_space<hbm>> -> memref<16x768xf32, #tpu.memory_space<hbm>>
    tpu.wait_dma2 semaphore(%arg17 : memref<!tpu.dma_semaphore, #tpu.memory_space<semaphore_mem>>) src(%dma_wait3A_398 : memref<16x768xf32, #tpu.memory_space<hbm>>) dst(%arg12 : memref<16x768xf32, #tpu.memory_space<vmem>>)
    %scan3A_399 = arith.constant 0 : i32
    %scan3A_400 = arith.constant 0 : i32
    %scan3A_401 = arith.constant 48 : i32
    %scan3A_402 = arith.addi %scan3A_400, %scan3A_401 : i32
    %scan3A_403 = arith.constant 1 : i32
    scf.for %scan3A_777 = %scan3A_400 to %scan3A_402 step %scan3A_403  : i32 {
      %mul3A_778 = arith.constant 16 : i32
      %mul3A_779 = arith.muli %scan3A_777, %mul3A_778 : i32
      %get3A = arith.constant 0 : i32
      %get3A_780 = arith.index_cast %get3A : i32 to index
      %get3A_781 = arith.index_cast %mul3A_779 : i32 to index
      %get3A_782 = tpu.vector_load %arg13[%get3A_780, %get3A_781] {strides = array<i32>} : memref<3x768xf32, #tpu.memory_space<vmem>>, vector<1x16xf32>,
      %get3A_783 = vector.shape_cast %get3A_782 : vector<1x16xf32> to vector<16xf32>
      %get3A_784 = arith.constant 1 : i32
      %get3A_785 = arith.index_cast %get3A_784 : i32 to index
      %get3A_786 = arith.index_cast %mul3A_779 : i32 to index
      %get3A_787 = tpu.vector_load %arg13[%get3A_785, %get3A_786] {strides = array<i32>} : memref<3x768xf32, #tpu.memory_space<vmem>>, vector<1x16xf32>,
      %get3A_788 = vector.shape_cast %get3A_787 : vector<1x16xf32> to vector<16xf32>
      %get3A_789 = arith.constant 2 : i32
      %get3A_790 = arith.index_cast %get3A_789 : i32 to index
      %get3A_791 = arith.index_cast %mul3A_779 : i32 to index
      %get3A_792 = tpu.vector_load %arg13[%get3A_790, %get3A_791] {strides = array<i32>} : memref<3x768xf32, #tpu.memory_space<vmem>>, vector<1x16xf32>,
      %get3A_793 = vector.shape_cast %get3A_792 : vector<1x16xf32> to vector<16xf32>
      %parallel_loop3A = arith.constant 0 : i32
      %parallel_loop3A_794 = arith.constant 16 : i32
      %parallel_loop3A_795 = arith.constant 1 : i32
      scf.for %parallel_loop3A_796 = %parallel_loop3A to %parallel_loop3A_794 step %parallel_loop3A_795  : i32 {
        %parallel_loop3A_797 = arith.index_cast %parallel_loop3A_796 : i32 to index
        %parallel_loop3A_798 = arith.index_cast %mul3A_779 : i32 to index
        %parallel_loop3A_799 = tpu.vector_load %arg11[%parallel_loop3A_797, %parallel_loop3A_798] {strides = array<i32>} : memref<16x768xf32, #tpu.memory_space<vmem>>, vector<1x16xf32>,
        %parallel_loop3A_800 = vector.shape_cast %parallel_loop3A_799 : vector<1x16xf32> to vector<16xf32>
        %parallel_loop3A_801 = arith.index_cast %parallel_loop3A_796 : i32 to index
        %parallel_loop3A_802 = arith.index_cast %mul3A_779 : i32 to index
        %parallel_loop3A_803 = tpu.vector_load %arg12[%parallel_loop3A_801, %parallel_loop3A_802] {strides = array<i32>} : memref<16x768xf32, #tpu.memory_space<vmem>>, vector<1x16xf32>,
        %parallel_loop3A_804 = vector.shape_cast %parallel_loop3A_803 : vector<1x16xf32> to vector<16xf32>
        %parallel_loop3A_805 = arith.mulf %parallel_loop3A_800, %get3A_783 : vector<16xf32>
        %parallel_loop3A_806 = arith.mulf %parallel_loop3A_804, %get3A_788 : vector<16xf32>
        %parallel_loop3A_807 = arith.addf %parallel_loop3A_805, %parallel_loop3A_806 : vector<16xf32>
        %parallel_loop3A_808 = arith.index_cast %parallel_loop3A_796 : i32 to index
        %parallel_loop3A_809 = arith.index_cast %mul3A_779 : i32 to index
        %parallel_loop3A_810 = tpu.vector_load %arg11[%parallel_loop3A_808, %parallel_loop3A_809] {strides = array<i32>} : memref<16x768xf32, #tpu.memory_space<vmem>>, vector<1x16xf32>,
        %parallel_loop3A_811 = vector.shape_cast %parallel_loop3A_810 : vector<1x16xf32> to vector<16xf32>
        %parallel_loop3A_812 = vector.shape_cast %parallel_loop3A_807 : vector<16xf32> to vector<1x16xf32>
        tpu.vector_store %arg11[%parallel_loop3A_808, %parallel_loop3A_809], %parallel_loop3A_812 {strides = array<i32>} : memref<16x768xf32, #tpu.memory_space<vmem>>, vector<1x16xf32>,
        %parallel_loop3A_813 = arith.mulf %parallel_loop3A_804, %get3A_793 : vector<16xf32>
        %parallel_loop3A_814 = arith.index_cast %parallel_loop3A_796 : i32 to index
        %parallel_loop3A_815 = arith.index_cast %mul3A_779 : i32 to index
        %parallel_loop3A_816 = tpu.vector_load %arg12[%parallel_loop3A_814, %parallel_loop3A_815] {strides = array<i32>} : memref<16x768xf32, #tpu.memory_space<vmem>>, vector<1x16xf32>,
        %parallel_loop3A_817 = vector.shape_cast %parallel_loop3A_816 : vector<1x16xf32> to vector<16xf32>
        %parallel_loop3A_818 = vector.shape_cast %parallel_loop3A_813 : vector<16xf32> to vector<1x16xf32>
        tpu.vector_store %arg12[%parallel_loop3A_814, %parallel_loop3A_815], %parallel_loop3A_818 {strides = array<i32>} : memref<16x768xf32, #tpu.memory_space<vmem>>, vector<1x16xf32>,
      } {sc.loop_unroll_factor = 8 : i64, sc.parallel_access}
    }
    %scan3A_404 = arith.constant 48 : i32
    %add3A_405 = arith.constant 112 : i32
    %add3A_406 = arith.addi %add3A_25, %add3A_405 : i32
    %dma_start3A_407 = arith.constant 0 : i32
    %dma_start3A_408 = tpu.memref_slice %arg4[%add3A_406, %dma_start3A_407] : memref<16384x768xf32, #tpu.memory_space<hbm>> -> memref<16x768xf32, #tpu.memory_space<hbm>>
    %dma_start3A_409 = arith.constant 0 : i32
    %dma_start3A_410 = tpu.memref_slice %arg4[%add3A_406, %dma_start3A_409] : memref<16384x768xf32, #tpu.memory_space<hbm>> -> memref<16x768xf32, #tpu.memory_space<hbm>>
    tpu.enqueue_dma source(%arg11 : memref<16x768xf32, #tpu.memory_space<vmem>>) target(%dma_start3A_410 : memref<16x768xf32, #tpu.memory_space<hbm>>) target_semaphore(%arg21 : memref<!tpu.dma_semaphore, #tpu.memory_space<semaphore_mem>>)
    %add3A_411 = arith.constant 112 : i32
    %add3A_412 = arith.addi %add3A_27, %add3A_411 : i32
    %dma_start3A_413 = arith.constant 0 : i32
    %dma_start3A_414 = tpu.memref_slice %arg4[%add3A_412, %dma_start3A_413] : memref<16384x768xf32, #tpu.memory_space<hbm>> -> memref<16x768xf32, #tpu.memory_space<hbm>>
    %dma_start3A_415 = arith.constant 0 : i32
    %dma_start3A_416 = tpu.memref_slice %arg4[%add3A_412, %dma_start3A_415] : memref<16384x768xf32, #tpu.memory_space<hbm>> -> memref<16x768xf32, #tpu.memory_space<hbm>>
    tpu.enqueue_dma source(%arg12 : memref<16x768xf32, #tpu.memory_space<vmem>>) target(%dma_start3A_416 : memref<16x768xf32, #tpu.memory_space<hbm>>) target_semaphore(%arg21 : memref<!tpu.dma_semaphore, #tpu.memory_space<semaphore_mem>>)
    %dma_wait3A_417 = arith.constant 0 : i32
    %dma_wait3A_418 = tpu.memref_slice %arg4[%add3A_360, %dma_wait3A_417] : memref<16384x768xf32, #tpu.memory_space<hbm>> -> memref<16x768xf32, #tpu.memory_space<hbm>>
    %dma_wait3A_419 = arith.constant 0 : i32
    %dma_wait3A_420 = tpu.memref_slice %arg4[%add3A_360, %dma_wait3A_419] : memref<16384x768xf32, #tpu.memory_space<hbm>> -> memref<16x768xf32, #tpu.memory_space<hbm>>
    tpu.wait_dma2 semaphore(%arg20 : memref<!tpu.dma_semaphore, #tpu.memory_space<semaphore_mem>>) src(%arg9 : memref<16x768xf32, #tpu.memory_space<vmem>>) dst(%dma_wait3A_420 : memref<16x768xf32, #tpu.memory_space<hbm>>)
    %dma_wait3A_421 = arith.constant 0 : i32
    %dma_wait3A_422 = tpu.memref_slice %arg4[%add3A_366, %dma_wait3A_421] : memref<16384x768xf32, #tpu.memory_space<hbm>> -> memref<16x768xf32, #tpu.memory_space<hbm>>
    %dma_wait3A_423 = arith.constant 0 : i32
    %dma_wait3A_424 = tpu.memref_slice %arg4[%add3A_366, %dma_wait3A_423] : memref<16384x768xf32, #tpu.memory_space<hbm>> -> memref<16x768xf32, #tpu.memory_space<hbm>>
    tpu.wait_dma2 semaphore(%arg20 : memref<!tpu.dma_semaphore, #tpu.memory_space<semaphore_mem>>) src(%arg10 : memref<16x768xf32, #tpu.memory_space<vmem>>) dst(%dma_wait3A_424 : memref<16x768xf32, #tpu.memory_space<hbm>>)
    %add3A_425 = arith.constant 160 : i32
    %add3A_426 = arith.addi %add3A_25, %add3A_425 : i32
    %dma_start3A_427 = arith.constant 0 : i32
    %dma_start3A_428 = tpu.memref_slice %arg2[%add3A_426, %dma_start3A_427] : memref<16384x768xf32, #tpu.memory_space<hbm>> -> memref<16x768xf32, #tpu.memory_space<hbm>>
    %dma_start3A_429 = arith.constant 0 : i32
    %dma_start3A_430 = tpu.memref_slice %arg2[%add3A_426, %dma_start3A_429] : memref<16384x768xf32, #tpu.memory_space<hbm>> -> memref<16x768xf32, #tpu.memory_space<hbm>>
    tpu.enqueue_dma source(%dma_start3A_430 : memref<16x768xf32, #tpu.memory_space<hbm>>) target(%arg9 : memref<16x768xf32, #tpu.memory_space<vmem>>) target_semaphore(%arg16 : memref<!tpu.dma_semaphore, #tpu.memory_space<semaphore_mem>>)
    %add3A_431 = arith.constant 160 : i32
    %add3A_432 = arith.addi %add3A_27, %add3A_431 : i32
    %dma_start3A_433 = arith.constant 0 : i32
    %dma_start3A_434 = tpu.memref_slice %arg2[%add3A_432, %dma_start3A_433] : memref<16384x768xf32, #tpu.memory_space<hbm>> -> memref<16x768xf32, #tpu.memory_space<hbm>>
    %dma_start3A_435 = arith.constant 0 : i32
    %dma_start3A_436 = tpu.memref_slice %arg2[%add3A_432, %dma_start3A_435] : memref<16384x768xf32, #tpu.memory_space<hbm>> -> memref<16x768xf32, #tpu.memory_space<hbm>>
    tpu.enqueue_dma source(%dma_start3A_436 : memref<16x768xf32, #tpu.memory_space<hbm>>) target(%arg10 : memref<16x768xf32, #tpu.memory_space<vmem>>) target_semaphore(%arg16 : memref<!tpu.dma_semaphore, #tpu.memory_space<semaphore_mem>>)
    %dma_wait3A_437 = arith.constant 0 : i32
    %dma_wait3A_438 = tpu.memref_slice %arg2[%add3A_334, %dma_wait3A_437] : memref<16384x768xf32, #tpu.memory_space<hbm>> -> memref<16x768xf32, #tpu.memory_space<hbm>>
    %dma_wait3A_439 = arith.constant 0 : i32
    %dma_wait3A_440 = tpu.memref_slice %arg2[%add3A_334, %dma_wait3A_439] : memref<16384x768xf32, #tpu.memory_space<hbm>> -> memref<16x768xf32, #tpu.memory_space<hbm>>
    tpu.wait_dma2 semaphore(%arg14 : memref<!tpu.dma_semaphore, #tpu.memory_space<semaphore_mem>>) src(%dma_wait3A_440 : memref<16x768xf32, #tpu.memory_space<hbm>>) dst(%arg5 : memref<16x768xf32, #tpu.memory_space<vmem>>)
    %dma_wait3A_441 = arith.constant 0 : i32
    %dma_wait3A_442 = tpu.memref_slice %arg2[%add3A_340, %dma_wait3A_441] : memref<16384x768xf32, #tpu.memory_space<hbm>> -> memref<16x768xf32, #tpu.memory_space<hbm>>
    %dma_wait3A_443 = arith.constant 0 : i32
    %dma_wait3A_444 = tpu.memref_slice %arg2[%add3A_340, %dma_wait3A_443] : memref<16384x768xf32, #tpu.memory_space<hbm>> -> memref<16x768xf32, #tpu.memory_space<hbm>>
    tpu.wait_dma2 semaphore(%arg14 : memref<!tpu.dma_semaphore, #tpu.memory_space<semaphore_mem>>) src(%dma_wait3A_444 : memref<16x768xf32, #tpu.memory_space<hbm>>) dst(%arg6 : memref<16x768xf32, #tpu.memory_space<vmem>>)
    %scan3A_445 = arith.constant 0 : i32
    %scan3A_446 = arith.constant 0 : i32
    %scan3A_447 = arith.constant 48 : i32
    %scan3A_448 = arith.addi %scan3A_446, %scan3A_447 : i32
    %scan3A_449 = arith.constant 1 : i32
    scf.for %scan3A_777 = %scan3A_446 to %scan3A_448 step %scan3A_449  : i32 {
      %mul3A_778 = arith.constant 16 : i32
      %mul3A_779 = arith.muli %scan3A_777, %mul3A_778 : i32
      %get3A = arith.constant 0 : i32
      %get3A_780 = arith.index_cast %get3A : i32 to index
      %get3A_781 = arith.index_cast %mul3A_779 : i32 to index
      %get3A_782 = tpu.vector_load %arg13[%get3A_780, %get3A_781] {strides = array<i32>} : memref<3x768xf32, #tpu.memory_space<vmem>>, vector<1x16xf32>,
      %get3A_783 = vector.shape_cast %get3A_782 : vector<1x16xf32> to vector<16xf32>
      %get3A_784 = arith.constant 1 : i32
      %get3A_785 = arith.index_cast %get3A_784 : i32 to index
      %get3A_786 = arith.index_cast %mul3A_779 : i32 to index
      %get3A_787 = tpu.vector_load %arg13[%get3A_785, %get3A_786] {strides = array<i32>} : memref<3x768xf32, #tpu.memory_space<vmem>>, vector<1x16xf32>,
      %get3A_788 = vector.shape_cast %get3A_787 : vector<1x16xf32> to vector<16xf32>
      %get3A_789 = arith.constant 2 : i32
      %get3A_790 = arith.index_cast %get3A_789 : i32 to index
      %get3A_791 = arith.index_cast %mul3A_779 : i32 to index
      %get3A_792 = tpu.vector_load %arg13[%get3A_790, %get3A_791] {strides = array<i32>} : memref<3x768xf32, #tpu.memory_space<vmem>>, vector<1x16xf32>,
      %get3A_793 = vector.shape_cast %get3A_792 : vector<1x16xf32> to vector<16xf32>
      %parallel_loop3A = arith.constant 0 : i32
      %parallel_loop3A_794 = arith.constant 16 : i32
      %parallel_loop3A_795 = arith.constant 1 : i32
      scf.for %parallel_loop3A_796 = %parallel_loop3A to %parallel_loop3A_794 step %parallel_loop3A_795  : i32 {
        %parallel_loop3A_797 = arith.index_cast %parallel_loop3A_796 : i32 to index
        %parallel_loop3A_798 = arith.index_cast %mul3A_779 : i32 to index
        %parallel_loop3A_799 = tpu.vector_load %arg5[%parallel_loop3A_797, %parallel_loop3A_798] {strides = array<i32>} : memref<16x768xf32, #tpu.memory_space<vmem>>, vector<1x16xf32>,
        %parallel_loop3A_800 = vector.shape_cast %parallel_loop3A_799 : vector<1x16xf32> to vector<16xf32>
        %parallel_loop3A_801 = arith.index_cast %parallel_loop3A_796 : i32 to index
        %parallel_loop3A_802 = arith.index_cast %mul3A_779 : i32 to index
        %parallel_loop3A_803 = tpu.vector_load %arg6[%parallel_loop3A_801, %parallel_loop3A_802] {strides = array<i32>} : memref<16x768xf32, #tpu.memory_space<vmem>>, vector<1x16xf32>,
        %parallel_loop3A_804 = vector.shape_cast %parallel_loop3A_803 : vector<1x16xf32> to vector<16xf32>
        %parallel_loop3A_805 = arith.mulf %parallel_loop3A_800, %get3A_783 : vector<16xf32>
        %parallel_loop3A_806 = arith.mulf %parallel_loop3A_804, %get3A_788 : vector<16xf32>
        %parallel_loop3A_807 = arith.addf %parallel_loop3A_805, %parallel_loop3A_806 : vector<16xf32>
        %parallel_loop3A_808 = arith.index_cast %parallel_loop3A_796 : i32 to index
        %parallel_loop3A_809 = arith.index_cast %mul3A_779 : i32 to index
        %parallel_loop3A_810 = tpu.vector_load %arg5[%parallel_loop3A_808, %parallel_loop3A_809] {strides = array<i32>} : memref<16x768xf32, #tpu.memory_space<vmem>>, vector<1x16xf32>,
        %parallel_loop3A_811 = vector.shape_cast %parallel_loop3A_810 : vector<1x16xf32> to vector<16xf32>
        %parallel_loop3A_812 = vector.shape_cast %parallel_loop3A_807 : vector<16xf32> to vector<1x16xf32>
        tpu.vector_store %arg5[%parallel_loop3A_808, %parallel_loop3A_809], %parallel_loop3A_812 {strides = array<i32>} : memref<16x768xf32, #tpu.memory_space<vmem>>, vector<1x16xf32>,
        %parallel_loop3A_813 = arith.mulf %parallel_loop3A_804, %get3A_793 : vector<16xf32>
        %parallel_loop3A_814 = arith.index_cast %parallel_loop3A_796 : i32 to index
        %parallel_loop3A_815 = arith.index_cast %mul3A_779 : i32 to index
        %parallel_loop3A_816 = tpu.vector_load %arg6[%parallel_loop3A_814, %parallel_loop3A_815] {strides = array<i32>} : memref<16x768xf32, #tpu.memory_space<vmem>>, vector<1x16xf32>,
        %parallel_loop3A_817 = vector.shape_cast %parallel_loop3A_816 : vector<1x16xf32> to vector<16xf32>
        %parallel_loop3A_818 = vector.shape_cast %parallel_loop3A_813 : vector<16xf32> to vector<1x16xf32>
        tpu.vector_store %arg6[%parallel_loop3A_814, %parallel_loop3A_815], %parallel_loop3A_818 {strides = array<i32>} : memref<16x768xf32, #tpu.memory_space<vmem>>, vector<1x16xf32>,
      } {sc.loop_unroll_factor = 8 : i64, sc.parallel_access}
    }
    %scan3A_450 = arith.constant 48 : i32
    %add3A_451 = arith.constant 128 : i32
    %add3A_452 = arith.addi %add3A_25, %add3A_451 : i32
    %dma_start3A_453 = arith.constant 0 : i32
    %dma_start3A_454 = tpu.memref_slice %arg4[%add3A_452, %dma_start3A_453] : memref<16384x768xf32, #tpu.memory_space<hbm>> -> memref<16x768xf32, #tpu.memory_space<hbm>>
    %dma_start3A_455 = arith.constant 0 : i32
    %dma_start3A_456 = tpu.memref_slice %arg4[%add3A_452, %dma_start3A_455] : memref<16384x768xf32, #tpu.memory_space<hbm>> -> memref<16x768xf32, #tpu.memory_space<hbm>>
    tpu.enqueue_dma source(%arg5 : memref<16x768xf32, #tpu.memory_space<vmem>>) target(%dma_start3A_456 : memref<16x768xf32, #tpu.memory_space<hbm>>) target_semaphore(%arg18 : memref<!tpu.dma_semaphore, #tpu.memory_space<semaphore_mem>>)
    %add3A_457 = arith.constant 128 : i32
    %add3A_458 = arith.addi %add3A_27, %add3A_457 : i32
    %dma_start3A_459 = arith.constant 0 : i32
    %dma_start3A_460 = tpu.memref_slice %arg4[%add3A_458, %dma_start3A_459] : memref<16384x768xf32, #tpu.memory_space<hbm>> -> memref<16x768xf32, #tpu.memory_space<hbm>>
    %dma_start3A_461 = arith.constant 0 : i32
    %dma_start3A_462 = tpu.memref_slice %arg4[%add3A_458, %dma_start3A_461] : memref<16384x768xf32, #tpu.memory_space<hbm>> -> memref<16x768xf32, #tpu.memory_space<hbm>>
    tpu.enqueue_dma source(%arg6 : memref<16x768xf32, #tpu.memory_space<vmem>>) target(%dma_start3A_462 : memref<16x768xf32, #tpu.memory_space<hbm>>) target_semaphore(%arg18 : memref<!tpu.dma_semaphore, #tpu.memory_space<semaphore_mem>>)
    %dma_wait3A_463 = arith.constant 0 : i32
    %dma_wait3A_464 = tpu.memref_slice %arg4[%add3A_406, %dma_wait3A_463] : memref<16384x768xf32, #tpu.memory_space<hbm>> -> memref<16x768xf32, #tpu.memory_space<hbm>>
    %dma_wait3A_465 = arith.constant 0 : i32
    %dma_wait3A_466 = tpu.memref_slice %arg4[%add3A_406, %dma_wait3A_465] : memref<16384x768xf32, #tpu.memory_space<hbm>> -> memref<16x768xf32, #tpu.memory_space<hbm>>
    tpu.wait_dma2 semaphore(%arg21 : memref<!tpu.dma_semaphore, #tpu.memory_space<semaphore_mem>>) src(%arg11 : memref<16x768xf32, #tpu.memory_space<vmem>>) dst(%dma_wait3A_466 : memref<16x768xf32, #tpu.memory_space<hbm>>)
    %dma_wait3A_467 = arith.constant 0 : i32
    %dma_wait3A_468 = tpu.memref_slice %arg4[%add3A_412, %dma_wait3A_467] : memref<16384x768xf32, #tpu.memory_space<hbm>> -> memref<16x768xf32, #tpu.memory_space<hbm>>
    %dma_wait3A_469 = arith.constant 0 : i32
    %dma_wait3A_470 = tpu.memref_slice %arg4[%add3A_412, %dma_wait3A_469] : memref<16384x768xf32, #tpu.memory_space<hbm>> -> memref<16x768xf32, #tpu.memory_space<hbm>>
    tpu.wait_dma2 semaphore(%arg21 : memref<!tpu.dma_semaphore, #tpu.memory_space<semaphore_mem>>) src(%arg12 : memref<16x768xf32, #tpu.memory_space<vmem>>) dst(%dma_wait3A_470 : memref<16x768xf32, #tpu.memory_space<hbm>>)
    %add3A_471 = arith.constant 176 : i32
    %add3A_472 = arith.addi %add3A_25, %add3A_471 : i32
    %dma_start3A_473 = arith.constant 0 : i32
    %dma_start3A_474 = tpu.memref_slice %arg2[%add3A_472, %dma_start3A_473] : memref<16384x768xf32, #tpu.memory_space<hbm>> -> memref<16x768xf32, #tpu.memory_space<hbm>>
    %dma_start3A_475 = arith.constant 0 : i32
    %dma_start3A_476 = tpu.memref_slice %arg2[%add3A_472, %dma_start3A_475] : memref<16384x768xf32, #tpu.memory_space<hbm>> -> memref<16x768xf32, #tpu.memory_space<hbm>>
    tpu.enqueue_dma source(%dma_start3A_476 : memref<16x768xf32, #tpu.memory_space<hbm>>) target(%arg11 : memref<16x768xf32, #tpu.memory_space<vmem>>) target_semaphore(%arg17 : memref<!tpu.dma_semaphore, #tpu.memory_space<semaphore_mem>>)
    %add3A_477 = arith.constant 176 : i32
    %add3A_478 = arith.addi %add3A_27, %add3A_477 : i32
    %dma_start3A_479 = arith.constant 0 : i32
    %dma_start3A_480 = tpu.memref_slice %arg2[%add3A_478, %dma_start3A_479] : memref<16384x768xf32, #tpu.memory_space<hbm>> -> memref<16x768xf32, #tpu.memory_space<hbm>>
    %dma_start3A_481 = arith.constant 0 : i32
    %dma_start3A_482 = tpu.memref_slice %arg2[%add3A_478, %dma_start3A_481] : memref<16384x768xf32, #tpu.memory_space<hbm>> -> memref<16x768xf32, #tpu.memory_space<hbm>>
    tpu.enqueue_dma source(%dma_start3A_482 : memref<16x768xf32, #tpu.memory_space<hbm>>) target(%arg12 : memref<16x768xf32, #tpu.memory_space<vmem>>) target_semaphore(%arg17 : memref<!tpu.dma_semaphore, #tpu.memory_space<semaphore_mem>>)
    %dma_wait3A_483 = arith.constant 0 : i32
    %dma_wait3A_484 = tpu.memref_slice %arg2[%add3A_380, %dma_wait3A_483] : memref<16384x768xf32, #tpu.memory_space<hbm>> -> memref<16x768xf32, #tpu.memory_space<hbm>>
    %dma_wait3A_485 = arith.constant 0 : i32
    %dma_wait3A_486 = tpu.memref_slice %arg2[%add3A_380, %dma_wait3A_485] : memref<16384x768xf32, #tpu.memory_space<hbm>> -> memref<16x768xf32, #tpu.memory_space<hbm>>
    tpu.wait_dma2 semaphore(%arg15 : memref<!tpu.dma_semaphore, #tpu.memory_space<semaphore_mem>>) src(%dma_wait3A_486 : memref<16x768xf32, #tpu.memory_space<hbm>>) dst(%arg7 : memref<16x768xf32, #tpu.memory_space<vmem>>)
    %dma_wait3A_487 = arith.constant 0 : i32
    %dma_wait3A_488 = tpu.memref_slice %arg2[%add3A_386, %dma_wait3A_487] : memref<16384x768xf32, #tpu.memory_space<hbm>> -> memref<16x768xf32, #tpu.memory_space<hbm>>
    %dma_wait3A_489 = arith.constant 0 : i32
    %dma_wait3A_490 = tpu.memref_slice %arg2[%add3A_386, %dma_wait3A_489] : memref<16384x768xf32, #tpu.memory_space<hbm>> -> memref<16x768xf32, #tpu.memory_space<hbm>>
    tpu.wait_dma2 semaphore(%arg15 : memref<!tpu.dma_semaphore, #tpu.memory_space<semaphore_mem>>) src(%dma_wait3A_490 : memref<16x768xf32, #tpu.memory_space<hbm>>) dst(%arg8 : memref<16x768xf32, #tpu.memory_space<vmem>>)
    %scan3A_491 = arith.constant 0 : i32
    %scan3A_492 = arith.constant 0 : i32
    %scan3A_493 = arith.constant 48 : i32
    %scan3A_494 = arith.addi %scan3A_492, %scan3A_493 : i32
    %scan3A_495 = arith.constant 1 : i32
    scf.for %scan3A_777 = %scan3A_492 to %scan3A_494 step %scan3A_495  : i32 {
      %mul3A_778 = arith.constant 16 : i32
      %mul3A_779 = arith.muli %scan3A_777, %mul3A_778 : i32
      %get3A = arith.constant 0 : i32
      %get3A_780 = arith.index_cast %get3A : i32 to index
      %get3A_781 = arith.index_cast %mul3A_779 : i32 to index
      %get3A_782 = tpu.vector_load %arg13[%get3A_780, %get3A_781] {strides = array<i32>} : memref<3x768xf32, #tpu.memory_space<vmem>>, vector<1x16xf32>,
      %get3A_783 = vector.shape_cast %get3A_782 : vector<1x16xf32> to vector<16xf32>
      %get3A_784 = arith.constant 1 : i32
      %get3A_785 = arith.index_cast %get3A_784 : i32 to index
      %get3A_786 = arith.index_cast %mul3A_779 : i32 to index
      %get3A_787 = tpu.vector_load %arg13[%get3A_785, %get3A_786] {strides = array<i32>} : memref<3x768xf32, #tpu.memory_space<vmem>>, vector<1x16xf32>,
      %get3A_788 = vector.shape_cast %get3A_787 : vector<1x16xf32> to vector<16xf32>
      %get3A_789 = arith.constant 2 : i32
      %get3A_790 = arith.index_cast %get3A_789 : i32 to index
      %get3A_791 = arith.index_cast %mul3A_779 : i32 to index
      %get3A_792 = tpu.vector_load %arg13[%get3A_790, %get3A_791] {strides = array<i32>} : memref<3x768xf32, #tpu.memory_space<vmem>>, vector<1x16xf32>,
      %get3A_793 = vector.shape_cast %get3A_792 : vector<1x16xf32> to vector<16xf32>
      %parallel_loop3A = arith.constant 0 : i32
      %parallel_loop3A_794 = arith.constant 16 : i32
      %parallel_loop3A_795 = arith.constant 1 : i32
      scf.for %parallel_loop3A_796 = %parallel_loop3A to %parallel_loop3A_794 step %parallel_loop3A_795  : i32 {
        %parallel_loop3A_797 = arith.index_cast %parallel_loop3A_796 : i32 to index
        %parallel_loop3A_798 = arith.index_cast %mul3A_779 : i32 to index
        %parallel_loop3A_799 = tpu.vector_load %arg7[%parallel_loop3A_797, %parallel_loop3A_798] {strides = array<i32>} : memref<16x768xf32, #tpu.memory_space<vmem>>, vector<1x16xf32>,
        %parallel_loop3A_800 = vector.shape_cast %parallel_loop3A_799 : vector<1x16xf32> to vector<16xf32>
        %parallel_loop3A_801 = arith.index_cast %parallel_loop3A_796 : i32 to index
        %parallel_loop3A_802 = arith.index_cast %mul3A_779 : i32 to index
        %parallel_loop3A_803 = tpu.vector_load %arg8[%parallel_loop3A_801, %parallel_loop3A_802] {strides = array<i32>} : memref<16x768xf32, #tpu.memory_space<vmem>>, vector<1x16xf32>,
        %parallel_loop3A_804 = vector.shape_cast %parallel_loop3A_803 : vector<1x16xf32> to vector<16xf32>
        %parallel_loop3A_805 = arith.mulf %parallel_loop3A_800, %get3A_783 : vector<16xf32>
        %parallel_loop3A_806 = arith.mulf %parallel_loop3A_804, %get3A_788 : vector<16xf32>
        %parallel_loop3A_807 = arith.addf %parallel_loop3A_805, %parallel_loop3A_806 : vector<16xf32>
        %parallel_loop3A_808 = arith.index_cast %parallel_loop3A_796 : i32 to index
        %parallel_loop3A_809 = arith.index_cast %mul3A_779 : i32 to index
        %parallel_loop3A_810 = tpu.vector_load %arg7[%parallel_loop3A_808, %parallel_loop3A_809] {strides = array<i32>} : memref<16x768xf32, #tpu.memory_space<vmem>>, vector<1x16xf32>,
        %parallel_loop3A_811 = vector.shape_cast %parallel_loop3A_810 : vector<1x16xf32> to vector<16xf32>
        %parallel_loop3A_812 = vector.shape_cast %parallel_loop3A_807 : vector<16xf32> to vector<1x16xf32>
        tpu.vector_store %arg7[%parallel_loop3A_808, %parallel_loop3A_809], %parallel_loop3A_812 {strides = array<i32>} : memref<16x768xf32, #tpu.memory_space<vmem>>, vector<1x16xf32>,
        %parallel_loop3A_813 = arith.mulf %parallel_loop3A_804, %get3A_793 : vector<16xf32>
        %parallel_loop3A_814 = arith.index_cast %parallel_loop3A_796 : i32 to index
        %parallel_loop3A_815 = arith.index_cast %mul3A_779 : i32 to index
        %parallel_loop3A_816 = tpu.vector_load %arg8[%parallel_loop3A_814, %parallel_loop3A_815] {strides = array<i32>} : memref<16x768xf32, #tpu.memory_space<vmem>>, vector<1x16xf32>,
        %parallel_loop3A_817 = vector.shape_cast %parallel_loop3A_816 : vector<1x16xf32> to vector<16xf32>
        %parallel_loop3A_818 = vector.shape_cast %parallel_loop3A_813 : vector<16xf32> to vector<1x16xf32>
        tpu.vector_store %arg8[%parallel_loop3A_814, %parallel_loop3A_815], %parallel_loop3A_818 {strides = array<i32>} : memref<16x768xf32, #tpu.memory_space<vmem>>, vector<1x16xf32>,
      } {sc.loop_unroll_factor = 8 : i64, sc.parallel_access}
    }
    %scan3A_496 = arith.constant 48 : i32
    %add3A_497 = arith.constant 144 : i32
    %add3A_498 = arith.addi %add3A_25, %add3A_497 : i32
    %dma_start3A_499 = arith.constant 0 : i32
    %dma_start3A_500 = tpu.memref_slice %arg4[%add3A_498, %dma_start3A_499] : memref<16384x768xf32, #tpu.memory_space<hbm>> -> memref<16x768xf32, #tpu.memory_space<hbm>>
    %dma_start3A_501 = arith.constant 0 : i32
    %dma_start3A_502 = tpu.memref_slice %arg4[%add3A_498, %dma_start3A_501] : memref<16384x768xf32, #tpu.memory_space<hbm>> -> memref<16x768xf32, #tpu.memory_space<hbm>>
    tpu.enqueue_dma source(%arg7 : memref<16x768xf32, #tpu.memory_space<vmem>>) target(%dma_start3A_502 : memref<16x768xf32, #tpu.memory_space<hbm>>) target_semaphore(%arg19 : memref<!tpu.dma_semaphore, #tpu.memory_space<semaphore_mem>>)
    %add3A_503 = arith.constant 144 : i32
    %add3A_504 = arith.addi %add3A_27, %add3A_503 : i32
    %dma_start3A_505 = arith.constant 0 : i32
    %dma_start3A_506 = tpu.memref_slice %arg4[%add3A_504, %dma_start3A_505] : memref<16384x768xf32, #tpu.memory_space<hbm>> -> memref<16x768xf32, #tpu.memory_space<hbm>>
    %dma_start3A_507 = arith.constant 0 : i32
    %dma_start3A_508 = tpu.memref_slice %arg4[%add3A_504, %dma_start3A_507] : memref<16384x768xf32, #tpu.memory_space<hbm>> -> memref<16x768xf32, #tpu.memory_space<hbm>>
    tpu.enqueue_dma source(%arg8 : memref<16x768xf32, #tpu.memory_space<vmem>>) target(%dma_start3A_508 : memref<16x768xf32, #tpu.memory_space<hbm>>) target_semaphore(%arg19 : memref<!tpu.dma_semaphore, #tpu.memory_space<semaphore_mem>>)
    %dma_wait3A_509 = arith.constant 0 : i32
    %dma_wait3A_510 = tpu.memref_slice %arg4[%add3A_452, %dma_wait3A_509] : memref<16384x768xf32, #tpu.memory_space<hbm>> -> memref<16x768xf32, #tpu.memory_space<hbm>>
    %dma_wait3A_511 = arith.constant 0 : i32
    %dma_wait3A_512 = tpu.memref_slice %arg4[%add3A_452, %dma_wait3A_511] : memref<16384x768xf32, #tpu.memory_space<hbm>> -> memref<16x768xf32, #tpu.memory_space<hbm>>
    tpu.wait_dma2 semaphore(%arg18 : memref<!tpu.dma_semaphore, #tpu.memory_space<semaphore_mem>>) src(%arg5 : memref<16x768xf32, #tpu.memory_space<vmem>>) dst(%dma_wait3A_512 : memref<16x768xf32, #tpu.memory_space<hbm>>)
    %dma_wait3A_513 = arith.constant 0 : i32
    %dma_wait3A_514 = tpu.memref_slice %arg4[%add3A_458, %dma_wait3A_513] : memref<16384x768xf32, #tpu.memory_space<hbm>> -> memref<16x768xf32, #tpu.memory_space<hbm>>
    %dma_wait3A_515 = arith.constant 0 : i32
    %dma_wait3A_516 = tpu.memref_slice %arg4[%add3A_458, %dma_wait3A_515] : memref<16384x768xf32, #tpu.memory_space<hbm>> -> memref<16x768xf32, #tpu.memory_space<hbm>>
    tpu.wait_dma2 semaphore(%arg18 : memref<!tpu.dma_semaphore, #tpu.memory_space<semaphore_mem>>) src(%arg6 : memref<16x768xf32, #tpu.memory_space<vmem>>) dst(%dma_wait3A_516 : memref<16x768xf32, #tpu.memory_space<hbm>>)
    %add3A_517 = arith.constant 192 : i32
    %add3A_518 = arith.addi %add3A_25, %add3A_517 : i32
    %dma_start3A_519 = arith.constant 0 : i32
    %dma_start3A_520 = tpu.memref_slice %arg2[%add3A_518, %dma_start3A_519] : memref<16384x768xf32, #tpu.memory_space<hbm>> -> memref<16x768xf32, #tpu.memory_space<hbm>>
    %dma_start3A_521 = arith.constant 0 : i32
    %dma_start3A_522 = tpu.memref_slice %arg2[%add3A_518, %dma_start3A_521] : memref<16384x768xf32, #tpu.memory_space<hbm>> -> memref<16x768xf32, #tpu.memory_space<hbm>>
    tpu.enqueue_dma source(%dma_start3A_522 : memref<16x768xf32, #tpu.memory_space<hbm>>) target(%arg5 : memref<16x768xf32, #tpu.memory_space<vmem>>) target_semaphore(%arg14 : memref<!tpu.dma_semaphore, #tpu.memory_space<semaphore_mem>>)
    %add3A_523 = arith.constant 192 : i32
    %add3A_524 = arith.addi %add3A_27, %add3A_523 : i32
    %dma_start3A_525 = arith.constant 0 : i32
    %dma_start3A_526 = tpu.memref_slice %arg2[%add3A_524, %dma_start3A_525] : memref<16384x768xf32, #tpu.memory_space<hbm>> -> memref<16x768xf32, #tpu.memory_space<hbm>>
    %dma_start3A_527 = arith.constant 0 : i32
    %dma_start3A_528 = tpu.memref_slice %arg2[%add3A_524, %dma_start3A_527] : memref<16384x768xf32, #tpu.memory_space<hbm>> -> memref<16x768xf32, #tpu.memory_space<hbm>>
    tpu.enqueue_dma source(%dma_start3A_528 : memref<16x768xf32, #tpu.memory_space<hbm>>) target(%arg6 : memref<16x768xf32, #tpu.memory_space<vmem>>) target_semaphore(%arg14 : memref<!tpu.dma_semaphore, #tpu.memory_space<semaphore_mem>>)
    %dma_wait3A_529 = arith.constant 0 : i32
    %dma_wait3A_530 = tpu.memref_slice %arg2[%add3A_426, %dma_wait3A_529] : memref<16384x768xf32, #tpu.memory_space<hbm>> -> memref<16x768xf32, #tpu.memory_space<hbm>>
    %dma_wait3A_531 = arith.constant 0 : i32
    %dma_wait3A_532 = tpu.memref_slice %arg2[%add3A_426, %dma_wait3A_531] : memref<16384x768xf32, #tpu.memory_space<hbm>> -> memref<16x768xf32, #tpu.memory_space<hbm>>
    tpu.wait_dma2 semaphore(%arg16 : memref<!tpu.dma_semaphore, #tpu.memory_space<semaphore_mem>>) src(%dma_wait3A_532 : memref<16x768xf32, #tpu.memory_space<hbm>>) dst(%arg9 : memref<16x768xf32, #tpu.memory_space<vmem>>)
    %dma_wait3A_533 = arith.constant 0 : i32
    %dma_wait3A_534 = tpu.memref_slice %arg2[%add3A_432, %dma_wait3A_533] : memref<16384x768xf32, #tpu.memory_space<hbm>> -> memref<16x768xf32, #tpu.memory_space<hbm>>
    %dma_wait3A_535 = arith.constant 0 : i32
    %dma_wait3A_536 = tpu.memref_slice %arg2[%add3A_432, %dma_wait3A_535] : memref<16384x768xf32, #tpu.memory_space<hbm>> -> memref<16x768xf32, #tpu.memory_space<hbm>>
    tpu.wait_dma2 semaphore(%arg16 : memref<!tpu.dma_semaphore, #tpu.memory_space<semaphore_mem>>) src(%dma_wait3A_536 : memref<16x768xf32, #tpu.memory_space<hbm>>) dst(%arg10 : memref<16x768xf32, #tpu.memory_space<vmem>>)
    %scan3A_537 = arith.constant 0 : i32
    %scan3A_538 = arith.constant 0 : i32
    %scan3A_539 = arith.constant 48 : i32
    %scan3A_540 = arith.addi %scan3A_538, %scan3A_539 : i32
    %scan3A_541 = arith.constant 1 : i32
    scf.for %scan3A_777 = %scan3A_538 to %scan3A_540 step %scan3A_541  : i32 {
      %mul3A_778 = arith.constant 16 : i32
      %mul3A_779 = arith.muli %scan3A_777, %mul3A_778 : i32
      %get3A = arith.constant 0 : i32
      %get3A_780 = arith.index_cast %get3A : i32 to index
      %get3A_781 = arith.index_cast %mul3A_779 : i32 to index
      %get3A_782 = tpu.vector_load %arg13[%get3A_780, %get3A_781] {strides = array<i32>} : memref<3x768xf32, #tpu.memory_space<vmem>>, vector<1x16xf32>,
      %get3A_783 = vector.shape_cast %get3A_782 : vector<1x16xf32> to vector<16xf32>
      %get3A_784 = arith.constant 1 : i32
      %get3A_785 = arith.index_cast %get3A_784 : i32 to index
      %get3A_786 = arith.index_cast %mul3A_779 : i32 to index
      %get3A_787 = tpu.vector_load %arg13[%get3A_785, %get3A_786] {strides = array<i32>} : memref<3x768xf32, #tpu.memory_space<vmem>>, vector<1x16xf32>,
      %get3A_788 = vector.shape_cast %get3A_787 : vector<1x16xf32> to vector<16xf32>
      %get3A_789 = arith.constant 2 : i32
      %get3A_790 = arith.index_cast %get3A_789 : i32 to index
      %get3A_791 = arith.index_cast %mul3A_779 : i32 to index
      %get3A_792 = tpu.vector_load %arg13[%get3A_790, %get3A_791] {strides = array<i32>} : memref<3x768xf32, #tpu.memory_space<vmem>>, vector<1x16xf32>,
      %get3A_793 = vector.shape_cast %get3A_792 : vector<1x16xf32> to vector<16xf32>
      %parallel_loop3A = arith.constant 0 : i32
      %parallel_loop3A_794 = arith.constant 16 : i32
      %parallel_loop3A_795 = arith.constant 1 : i32
      scf.for %parallel_loop3A_796 = %parallel_loop3A to %parallel_loop3A_794 step %parallel_loop3A_795  : i32 {
        %parallel_loop3A_797 = arith.index_cast %parallel_loop3A_796 : i32 to index
        %parallel_loop3A_798 = arith.index_cast %mul3A_779 : i32 to index
        %parallel_loop3A_799 = tpu.vector_load %arg9[%parallel_loop3A_797, %parallel_loop3A_798] {strides = array<i32>} : memref<16x768xf32, #tpu.memory_space<vmem>>, vector<1x16xf32>,
        %parallel_loop3A_800 = vector.shape_cast %parallel_loop3A_799 : vector<1x16xf32> to vector<16xf32>
        %parallel_loop3A_801 = arith.index_cast %parallel_loop3A_796 : i32 to index
        %parallel_loop3A_802 = arith.index_cast %mul3A_779 : i32 to index
        %parallel_loop3A_803 = tpu.vector_load %arg10[%parallel_loop3A_801, %parallel_loop3A_802] {strides = array<i32>} : memref<16x768xf32, #tpu.memory_space<vmem>>, vector<1x16xf32>,
        %parallel_loop3A_804 = vector.shape_cast %parallel_loop3A_803 : vector<1x16xf32> to vector<16xf32>
        %parallel_loop3A_805 = arith.mulf %parallel_loop3A_800, %get3A_783 : vector<16xf32>
        %parallel_loop3A_806 = arith.mulf %parallel_loop3A_804, %get3A_788 : vector<16xf32>
        %parallel_loop3A_807 = arith.addf %parallel_loop3A_805, %parallel_loop3A_806 : vector<16xf32>
        %parallel_loop3A_808 = arith.index_cast %parallel_loop3A_796 : i32 to index
        %parallel_loop3A_809 = arith.index_cast %mul3A_779 : i32 to index
        %parallel_loop3A_810 = tpu.vector_load %arg9[%parallel_loop3A_808, %parallel_loop3A_809] {strides = array<i32>} : memref<16x768xf32, #tpu.memory_space<vmem>>, vector<1x16xf32>,
        %parallel_loop3A_811 = vector.shape_cast %parallel_loop3A_810 : vector<1x16xf32> to vector<16xf32>
        %parallel_loop3A_812 = vector.shape_cast %parallel_loop3A_807 : vector<16xf32> to vector<1x16xf32>
        tpu.vector_store %arg9[%parallel_loop3A_808, %parallel_loop3A_809], %parallel_loop3A_812 {strides = array<i32>} : memref<16x768xf32, #tpu.memory_space<vmem>>, vector<1x16xf32>,
        %parallel_loop3A_813 = arith.mulf %parallel_loop3A_804, %get3A_793 : vector<16xf32>
        %parallel_loop3A_814 = arith.index_cast %parallel_loop3A_796 : i32 to index
        %parallel_loop3A_815 = arith.index_cast %mul3A_779 : i32 to index
        %parallel_loop3A_816 = tpu.vector_load %arg10[%parallel_loop3A_814, %parallel_loop3A_815] {strides = array<i32>} : memref<16x768xf32, #tpu.memory_space<vmem>>, vector<1x16xf32>,
        %parallel_loop3A_817 = vector.shape_cast %parallel_loop3A_816 : vector<1x16xf32> to vector<16xf32>
        %parallel_loop3A_818 = vector.shape_cast %parallel_loop3A_813 : vector<16xf32> to vector<1x16xf32>
        tpu.vector_store %arg10[%parallel_loop3A_814, %parallel_loop3A_815], %parallel_loop3A_818 {strides = array<i32>} : memref<16x768xf32, #tpu.memory_space<vmem>>, vector<1x16xf32>,
      } {sc.loop_unroll_factor = 8 : i64, sc.parallel_access}
    }
    %scan3A_542 = arith.constant 48 : i32
    %add3A_543 = arith.constant 160 : i32
    %add3A_544 = arith.addi %add3A_25, %add3A_543 : i32
    %dma_start3A_545 = arith.constant 0 : i32
    %dma_start3A_546 = tpu.memref_slice %arg4[%add3A_544, %dma_start3A_545] : memref<16384x768xf32, #tpu.memory_space<hbm>> -> memref<16x768xf32, #tpu.memory_space<hbm>>
    %dma_start3A_547 = arith.constant 0 : i32
    %dma_start3A_548 = tpu.memref_slice %arg4[%add3A_544, %dma_start3A_547] : memref<16384x768xf32, #tpu.memory_space<hbm>> -> memref<16x768xf32, #tpu.memory_space<hbm>>
    tpu.enqueue_dma source(%arg9 : memref<16x768xf32, #tpu.memory_space<vmem>>) target(%dma_start3A_548 : memref<16x768xf32, #tpu.memory_space<hbm>>) target_semaphore(%arg20 : memref<!tpu.dma_semaphore, #tpu.memory_space<semaphore_mem>>)
    %add3A_549 = arith.constant 160 : i32
    %add3A_550 = arith.addi %add3A_27, %add3A_549 : i32
    %dma_start3A_551 = arith.constant 0 : i32
    %dma_start3A_552 = tpu.memref_slice %arg4[%add3A_550, %dma_start3A_551] : memref<16384x768xf32, #tpu.memory_space<hbm>> -> memref<16x768xf32, #tpu.memory_space<hbm>>
    %dma_start3A_553 = arith.constant 0 : i32
    %dma_start3A_554 = tpu.memref_slice %arg4[%add3A_550, %dma_start3A_553] : memref<16384x768xf32, #tpu.memory_space<hbm>> -> memref<16x768xf32, #tpu.memory_space<hbm>>
    tpu.enqueue_dma source(%arg10 : memref<16x768xf32, #tpu.memory_space<vmem>>) target(%dma_start3A_554 : memref<16x768xf32, #tpu.memory_space<hbm>>) target_semaphore(%arg20 : memref<!tpu.dma_semaphore, #tpu.memory_space<semaphore_mem>>)
    %dma_wait3A_555 = arith.constant 0 : i32
    %dma_wait3A_556 = tpu.memref_slice %arg4[%add3A_498, %dma_wait3A_555] : memref<16384x768xf32, #tpu.memory_space<hbm>> -> memref<16x768xf32, #tpu.memory_space<hbm>>
    %dma_wait3A_557 = arith.constant 0 : i32
    %dma_wait3A_558 = tpu.memref_slice %arg4[%add3A_498, %dma_wait3A_557] : memref<16384x768xf32, #tpu.memory_space<hbm>> -> memref<16x768xf32, #tpu.memory_space<hbm>>
    tpu.wait_dma2 semaphore(%arg19 : memref<!tpu.dma_semaphore, #tpu.memory_space<semaphore_mem>>) src(%arg7 : memref<16x768xf32, #tpu.memory_space<vmem>>) dst(%dma_wait3A_558 : memref<16x768xf32, #tpu.memory_space<hbm>>)
    %dma_wait3A_559 = arith.constant 0 : i32
    %dma_wait3A_560 = tpu.memref_slice %arg4[%add3A_504, %dma_wait3A_559] : memref<16384x768xf32, #tpu.memory_space<hbm>> -> memref<16x768xf32, #tpu.memory_space<hbm>>
    %dma_wait3A_561 = arith.constant 0 : i32
    %dma_wait3A_562 = tpu.memref_slice %arg4[%add3A_504, %dma_wait3A_561] : memref<16384x768xf32, #tpu.memory_space<hbm>> -> memref<16x768xf32, #tpu.memory_space<hbm>>
    tpu.wait_dma2 semaphore(%arg19 : memref<!tpu.dma_semaphore, #tpu.memory_space<semaphore_mem>>) src(%arg8 : memref<16x768xf32, #tpu.memory_space<vmem>>) dst(%dma_wait3A_562 : memref<16x768xf32, #tpu.memory_space<hbm>>)
    %add3A_563 = arith.constant 208 : i32
    %add3A_564 = arith.addi %add3A_25, %add3A_563 : i32
    %dma_start3A_565 = arith.constant 0 : i32
    %dma_start3A_566 = tpu.memref_slice %arg2[%add3A_564, %dma_start3A_565] : memref<16384x768xf32, #tpu.memory_space<hbm>> -> memref<16x768xf32, #tpu.memory_space<hbm>>
    %dma_start3A_567 = arith.constant 0 : i32
    %dma_start3A_568 = tpu.memref_slice %arg2[%add3A_564, %dma_start3A_567] : memref<16384x768xf32, #tpu.memory_space<hbm>> -> memref<16x768xf32, #tpu.memory_space<hbm>>
    tpu.enqueue_dma source(%dma_start3A_568 : memref<16x768xf32, #tpu.memory_space<hbm>>) target(%arg7 : memref<16x768xf32, #tpu.memory_space<vmem>>) target_semaphore(%arg15 : memref<!tpu.dma_semaphore, #tpu.memory_space<semaphore_mem>>)
    %add3A_569 = arith.constant 208 : i32
    %add3A_570 = arith.addi %add3A_27, %add3A_569 : i32
    %dma_start3A_571 = arith.constant 0 : i32
    %dma_start3A_572 = tpu.memref_slice %arg2[%add3A_570, %dma_start3A_571] : memref<16384x768xf32, #tpu.memory_space<hbm>> -> memref<16x768xf32, #tpu.memory_space<hbm>>
    %dma_start3A_573 = arith.constant 0 : i32
    %dma_start3A_574 = tpu.memref_slice %arg2[%add3A_570, %dma_start3A_573] : memref<16384x768xf32, #tpu.memory_space<hbm>> -> memref<16x768xf32, #tpu.memory_space<hbm>>
    tpu.enqueue_dma source(%dma_start3A_574 : memref<16x768xf32, #tpu.memory_space<hbm>>) target(%arg8 : memref<16x768xf32, #tpu.memory_space<vmem>>) target_semaphore(%arg15 : memref<!tpu.dma_semaphore, #tpu.memory_space<semaphore_mem>>)
    %dma_wait3A_575 = arith.constant 0 : i32
    %dma_wait3A_576 = tpu.memref_slice %arg2[%add3A_472, %dma_wait3A_575] : memref<16384x768xf32, #tpu.memory_space<hbm>> -> memref<16x768xf32, #tpu.memory_space<hbm>>
    %dma_wait3A_577 = arith.constant 0 : i32
    %dma_wait3A_578 = tpu.memref_slice %arg2[%add3A_472, %dma_wait3A_577] : memref<16384x768xf32, #tpu.memory_space<hbm>> -> memref<16x768xf32, #tpu.memory_space<hbm>>
    tpu.wait_dma2 semaphore(%arg17 : memref<!tpu.dma_semaphore, #tpu.memory_space<semaphore_mem>>) src(%dma_wait3A_578 : memref<16x768xf32, #tpu.memory_space<hbm>>) dst(%arg11 : memref<16x768xf32, #tpu.memory_space<vmem>>)
    %dma_wait3A_579 = arith.constant 0 : i32
    %dma_wait3A_580 = tpu.memref_slice %arg2[%add3A_478, %dma_wait3A_579] : memref<16384x768xf32, #tpu.memory_space<hbm>> -> memref<16x768xf32, #tpu.memory_space<hbm>>
    %dma_wait3A_581 = arith.constant 0 : i32
    %dma_wait3A_582 = tpu.memref_slice %arg2[%add3A_478, %dma_wait3A_581] : memref<16384x768xf32, #tpu.memory_space<hbm>> -> memref<16x768xf32, #tpu.memory_space<hbm>>
    tpu.wait_dma2 semaphore(%arg17 : memref<!tpu.dma_semaphore, #tpu.memory_space<semaphore_mem>>) src(%dma_wait3A_582 : memref<16x768xf32, #tpu.memory_space<hbm>>) dst(%arg12 : memref<16x768xf32, #tpu.memory_space<vmem>>)
    %scan3A_583 = arith.constant 0 : i32
    %scan3A_584 = arith.constant 0 : i32
    %scan3A_585 = arith.constant 48 : i32
    %scan3A_586 = arith.addi %scan3A_584, %scan3A_585 : i32
    %scan3A_587 = arith.constant 1 : i32
    scf.for %scan3A_777 = %scan3A_584 to %scan3A_586 step %scan3A_587  : i32 {
      %mul3A_778 = arith.constant 16 : i32
      %mul3A_779 = arith.muli %scan3A_777, %mul3A_778 : i32
      %get3A = arith.constant 0 : i32
      %get3A_780 = arith.index_cast %get3A : i32 to index
      %get3A_781 = arith.index_cast %mul3A_779 : i32 to index
      %get3A_782 = tpu.vector_load %arg13[%get3A_780, %get3A_781] {strides = array<i32>} : memref<3x768xf32, #tpu.memory_space<vmem>>, vector<1x16xf32>,
      %get3A_783 = vector.shape_cast %get3A_782 : vector<1x16xf32> to vector<16xf32>
      %get3A_784 = arith.constant 1 : i32
      %get3A_785 = arith.index_cast %get3A_784 : i32 to index
      %get3A_786 = arith.index_cast %mul3A_779 : i32 to index
      %get3A_787 = tpu.vector_load %arg13[%get3A_785, %get3A_786] {strides = array<i32>} : memref<3x768xf32, #tpu.memory_space<vmem>>, vector<1x16xf32>,
      %get3A_788 = vector.shape_cast %get3A_787 : vector<1x16xf32> to vector<16xf32>
      %get3A_789 = arith.constant 2 : i32
      %get3A_790 = arith.index_cast %get3A_789 : i32 to index
      %get3A_791 = arith.index_cast %mul3A_779 : i32 to index
      %get3A_792 = tpu.vector_load %arg13[%get3A_790, %get3A_791] {strides = array<i32>} : memref<3x768xf32, #tpu.memory_space<vmem>>, vector<1x16xf32>,
      %get3A_793 = vector.shape_cast %get3A_792 : vector<1x16xf32> to vector<16xf32>
      %parallel_loop3A = arith.constant 0 : i32
      %parallel_loop3A_794 = arith.constant 16 : i32
      %parallel_loop3A_795 = arith.constant 1 : i32
      scf.for %parallel_loop3A_796 = %parallel_loop3A to %parallel_loop3A_794 step %parallel_loop3A_795  : i32 {
        %parallel_loop3A_797 = arith.index_cast %parallel_loop3A_796 : i32 to index
        %parallel_loop3A_798 = arith.index_cast %mul3A_779 : i32 to index
        %parallel_loop3A_799 = tpu.vector_load %arg11[%parallel_loop3A_797, %parallel_loop3A_798] {strides = array<i32>} : memref<16x768xf32, #tpu.memory_space<vmem>>, vector<1x16xf32>,
        %parallel_loop3A_800 = vector.shape_cast %parallel_loop3A_799 : vector<1x16xf32> to vector<16xf32>
        %parallel_loop3A_801 = arith.index_cast %parallel_loop3A_796 : i32 to index
        %parallel_loop3A_802 = arith.index_cast %mul3A_779 : i32 to index
        %parallel_loop3A_803 = tpu.vector_load %arg12[%parallel_loop3A_801, %parallel_loop3A_802] {strides = array<i32>} : memref<16x768xf32, #tpu.memory_space<vmem>>, vector<1x16xf32>,
        %parallel_loop3A_804 = vector.shape_cast %parallel_loop3A_803 : vector<1x16xf32> to vector<16xf32>
        %parallel_loop3A_805 = arith.mulf %parallel_loop3A_800, %get3A_783 : vector<16xf32>
        %parallel_loop3A_806 = arith.mulf %parallel_loop3A_804, %get3A_788 : vector<16xf32>
        %parallel_loop3A_807 = arith.addf %parallel_loop3A_805, %parallel_loop3A_806 : vector<16xf32>
        %parallel_loop3A_808 = arith.index_cast %parallel_loop3A_796 : i32 to index
        %parallel_loop3A_809 = arith.index_cast %mul3A_779 : i32 to index
        %parallel_loop3A_810 = tpu.vector_load %arg11[%parallel_loop3A_808, %parallel_loop3A_809] {strides = array<i32>} : memref<16x768xf32, #tpu.memory_space<vmem>>, vector<1x16xf32>,
        %parallel_loop3A_811 = vector.shape_cast %parallel_loop3A_810 : vector<1x16xf32> to vector<16xf32>
        %parallel_loop3A_812 = vector.shape_cast %parallel_loop3A_807 : vector<16xf32> to vector<1x16xf32>
        tpu.vector_store %arg11[%parallel_loop3A_808, %parallel_loop3A_809], %parallel_loop3A_812 {strides = array<i32>} : memref<16x768xf32, #tpu.memory_space<vmem>>, vector<1x16xf32>,
        %parallel_loop3A_813 = arith.mulf %parallel_loop3A_804, %get3A_793 : vector<16xf32>
        %parallel_loop3A_814 = arith.index_cast %parallel_loop3A_796 : i32 to index
        %parallel_loop3A_815 = arith.index_cast %mul3A_779 : i32 to index
        %parallel_loop3A_816 = tpu.vector_load %arg12[%parallel_loop3A_814, %parallel_loop3A_815] {strides = array<i32>} : memref<16x768xf32, #tpu.memory_space<vmem>>, vector<1x16xf32>,
        %parallel_loop3A_817 = vector.shape_cast %parallel_loop3A_816 : vector<1x16xf32> to vector<16xf32>
        %parallel_loop3A_818 = vector.shape_cast %parallel_loop3A_813 : vector<16xf32> to vector<1x16xf32>
        tpu.vector_store %arg12[%parallel_loop3A_814, %parallel_loop3A_815], %parallel_loop3A_818 {strides = array<i32>} : memref<16x768xf32, #tpu.memory_space<vmem>>, vector<1x16xf32>,
      } {sc.loop_unroll_factor = 8 : i64, sc.parallel_access}
    }
    %scan3A_588 = arith.constant 48 : i32
    %add3A_589 = arith.constant 176 : i32
    %add3A_590 = arith.addi %add3A_25, %add3A_589 : i32
    %dma_start3A_591 = arith.constant 0 : i32
    %dma_start3A_592 = tpu.memref_slice %arg4[%add3A_590, %dma_start3A_591] : memref<16384x768xf32, #tpu.memory_space<hbm>> -> memref<16x768xf32, #tpu.memory_space<hbm>>
    %dma_start3A_593 = arith.constant 0 : i32
    %dma_start3A_594 = tpu.memref_slice %arg4[%add3A_590, %dma_start3A_593] : memref<16384x768xf32, #tpu.memory_space<hbm>> -> memref<16x768xf32, #tpu.memory_space<hbm>>
    tpu.enqueue_dma source(%arg11 : memref<16x768xf32, #tpu.memory_space<vmem>>) target(%dma_start3A_594 : memref<16x768xf32, #tpu.memory_space<hbm>>) target_semaphore(%arg21 : memref<!tpu.dma_semaphore, #tpu.memory_space<semaphore_mem>>)
    %add3A_595 = arith.constant 176 : i32
    %add3A_596 = arith.addi %add3A_27, %add3A_595 : i32
    %dma_start3A_597 = arith.constant 0 : i32
    %dma_start3A_598 = tpu.memref_slice %arg4[%add3A_596, %dma_start3A_597] : memref<16384x768xf32, #tpu.memory_space<hbm>> -> memref<16x768xf32, #tpu.memory_space<hbm>>
    %dma_start3A_599 = arith.constant 0 : i32
    %dma_start3A_600 = tpu.memref_slice %arg4[%add3A_596, %dma_start3A_599] : memref<16384x768xf32, #tpu.memory_space<hbm>> -> memref<16x768xf32, #tpu.memory_space<hbm>>
    tpu.enqueue_dma source(%arg12 : memref<16x768xf32, #tpu.memory_space<vmem>>) target(%dma_start3A_600 : memref<16x768xf32, #tpu.memory_space<hbm>>) target_semaphore(%arg21 : memref<!tpu.dma_semaphore, #tpu.memory_space<semaphore_mem>>)
    %dma_wait3A_601 = arith.constant 0 : i32
    %dma_wait3A_602 = tpu.memref_slice %arg4[%add3A_544, %dma_wait3A_601] : memref<16384x768xf32, #tpu.memory_space<hbm>> -> memref<16x768xf32, #tpu.memory_space<hbm>>
    %dma_wait3A_603 = arith.constant 0 : i32
    %dma_wait3A_604 = tpu.memref_slice %arg4[%add3A_544, %dma_wait3A_603] : memref<16384x768xf32, #tpu.memory_space<hbm>> -> memref<16x768xf32, #tpu.memory_space<hbm>>
    tpu.wait_dma2 semaphore(%arg20 : memref<!tpu.dma_semaphore, #tpu.memory_space<semaphore_mem>>) src(%arg9 : memref<16x768xf32, #tpu.memory_space<vmem>>) dst(%dma_wait3A_604 : memref<16x768xf32, #tpu.memory_space<hbm>>)
    %dma_wait3A_605 = arith.constant 0 : i32
    %dma_wait3A_606 = tpu.memref_slice %arg4[%add3A_550, %dma_wait3A_605] : memref<16384x768xf32, #tpu.memory_space<hbm>> -> memref<16x768xf32, #tpu.memory_space<hbm>>
    %dma_wait3A_607 = arith.constant 0 : i32
    %dma_wait3A_608 = tpu.memref_slice %arg4[%add3A_550, %dma_wait3A_607] : memref<16384x768xf32, #tpu.memory_space<hbm>> -> memref<16x768xf32, #tpu.memory_space<hbm>>
    tpu.wait_dma2 semaphore(%arg20 : memref<!tpu.dma_semaphore, #tpu.memory_space<semaphore_mem>>) src(%arg10 : memref<16x768xf32, #tpu.memory_space<vmem>>) dst(%dma_wait3A_608 : memref<16x768xf32, #tpu.memory_space<hbm>>)
    %add3A_609 = arith.constant 224 : i32
    %add3A_610 = arith.addi %add3A_25, %add3A_609 : i32
    %dma_start3A_611 = arith.constant 0 : i32
    %dma_start3A_612 = tpu.memref_slice %arg2[%add3A_610, %dma_start3A_611] : memref<16384x768xf32, #tpu.memory_space<hbm>> -> memref<16x768xf32, #tpu.memory_space<hbm>>
    %dma_start3A_613 = arith.constant 0 : i32
    %dma_start3A_614 = tpu.memref_slice %arg2[%add3A_610, %dma_start3A_613] : memref<16384x768xf32, #tpu.memory_space<hbm>> -> memref<16x768xf32, #tpu.memory_space<hbm>>
    tpu.enqueue_dma source(%dma_start3A_614 : memref<16x768xf32, #tpu.memory_space<hbm>>) target(%arg9 : memref<16x768xf32, #tpu.memory_space<vmem>>) target_semaphore(%arg16 : memref<!tpu.dma_semaphore, #tpu.memory_space<semaphore_mem>>)
    %add3A_615 = arith.constant 224 : i32
    %add3A_616 = arith.addi %add3A_27, %add3A_615 : i32
    %dma_start3A_617 = arith.constant 0 : i32
    %dma_start3A_618 = tpu.memref_slice %arg2[%add3A_616, %dma_start3A_617] : memref<16384x768xf32, #tpu.memory_space<hbm>> -> memref<16x768xf32, #tpu.memory_space<hbm>>
    %dma_start3A_619 = arith.constant 0 : i32
    %dma_start3A_620 = tpu.memref_slice %arg2[%add3A_616, %dma_start3A_619] : memref<16384x768xf32, #tpu.memory_space<hbm>> -> memref<16x768xf32, #tpu.memory_space<hbm>>
    tpu.enqueue_dma source(%dma_start3A_620 : memref<16x768xf32, #tpu.memory_space<hbm>>) target(%arg10 : memref<16x768xf32, #tpu.memory_space<vmem>>) target_semaphore(%arg16 : memref<!tpu.dma_semaphore, #tpu.memory_space<semaphore_mem>>)
    %dma_wait3A_621 = arith.constant 0 : i32
    %dma_wait3A_622 = tpu.memref_slice %arg2[%add3A_518, %dma_wait3A_621] : memref<16384x768xf32, #tpu.memory_space<hbm>> -> memref<16x768xf32, #tpu.memory_space<hbm>>
    %dma_wait3A_623 = arith.constant 0 : i32
    %dma_wait3A_624 = tpu.memref_slice %arg2[%add3A_518, %dma_wait3A_623] : memref<16384x768xf32, #tpu.memory_space<hbm>> -> memref<16x768xf32, #tpu.memory_space<hbm>>
    tpu.wait_dma2 semaphore(%arg14 : memref<!tpu.dma_semaphore, #tpu.memory_space<semaphore_mem>>) src(%dma_wait3A_624 : memref<16x768xf32, #tpu.memory_space<hbm>>) dst(%arg5 : memref<16x768xf32, #tpu.memory_space<vmem>>)
    %dma_wait3A_625 = arith.constant 0 : i32
    %dma_wait3A_626 = tpu.memref_slice %arg2[%add3A_524, %dma_wait3A_625] : memref<16384x768xf32, #tpu.memory_space<hbm>> -> memref<16x768xf32, #tpu.memory_space<hbm>>
    %dma_wait3A_627 = arith.constant 0 : i32
    %dma_wait3A_628 = tpu.memref_slice %arg2[%add3A_524, %dma_wait3A_627] : memref<16384x768xf32, #tpu.memory_space<hbm>> -> memref<16x768xf32, #tpu.memory_space<hbm>>
    tpu.wait_dma2 semaphore(%arg14 : memref<!tpu.dma_semaphore, #tpu.memory_space<semaphore_mem>>) src(%dma_wait3A_628 : memref<16x768xf32, #tpu.memory_space<hbm>>) dst(%arg6 : memref<16x768xf32, #tpu.memory_space<vmem>>)
    %scan3A_629 = arith.constant 0 : i32
    %scan3A_630 = arith.constant 0 : i32
    %scan3A_631 = arith.constant 48 : i32
    %scan3A_632 = arith.addi %scan3A_630, %scan3A_631 : i32
    %scan3A_633 = arith.constant 1 : i32
    scf.for %scan3A_777 = %scan3A_630 to %scan3A_632 step %scan3A_633  : i32 {
      %mul3A_778 = arith.constant 16 : i32
      %mul3A_779 = arith.muli %scan3A_777, %mul3A_778 : i32
      %get3A = arith.constant 0 : i32
      %get3A_780 = arith.index_cast %get3A : i32 to index
      %get3A_781 = arith.index_cast %mul3A_779 : i32 to index
      %get3A_782 = tpu.vector_load %arg13[%get3A_780, %get3A_781] {strides = array<i32>} : memref<3x768xf32, #tpu.memory_space<vmem>>, vector<1x16xf32>,
      %get3A_783 = vector.shape_cast %get3A_782 : vector<1x16xf32> to vector<16xf32>
      %get3A_784 = arith.constant 1 : i32
      %get3A_785 = arith.index_cast %get3A_784 : i32 to index
      %get3A_786 = arith.index_cast %mul3A_779 : i32 to index
      %get3A_787 = tpu.vector_load %arg13[%get3A_785, %get3A_786] {strides = array<i32>} : memref<3x768xf32, #tpu.memory_space<vmem>>, vector<1x16xf32>,
      %get3A_788 = vector.shape_cast %get3A_787 : vector<1x16xf32> to vector<16xf32>
      %get3A_789 = arith.constant 2 : i32
      %get3A_790 = arith.index_cast %get3A_789 : i32 to index
      %get3A_791 = arith.index_cast %mul3A_779 : i32 to index
      %get3A_792 = tpu.vector_load %arg13[%get3A_790, %get3A_791] {strides = array<i32>} : memref<3x768xf32, #tpu.memory_space<vmem>>, vector<1x16xf32>,
      %get3A_793 = vector.shape_cast %get3A_792 : vector<1x16xf32> to vector<16xf32>
      %parallel_loop3A = arith.constant 0 : i32
      %parallel_loop3A_794 = arith.constant 16 : i32
      %parallel_loop3A_795 = arith.constant 1 : i32
      scf.for %parallel_loop3A_796 = %parallel_loop3A to %parallel_loop3A_794 step %parallel_loop3A_795  : i32 {
        %parallel_loop3A_797 = arith.index_cast %parallel_loop3A_796 : i32 to index
        %parallel_loop3A_798 = arith.index_cast %mul3A_779 : i32 to index
        %parallel_loop3A_799 = tpu.vector_load %arg5[%parallel_loop3A_797, %parallel_loop3A_798] {strides = array<i32>} : memref<16x768xf32, #tpu.memory_space<vmem>>, vector<1x16xf32>,
        %parallel_loop3A_800 = vector.shape_cast %parallel_loop3A_799 : vector<1x16xf32> to vector<16xf32>
        %parallel_loop3A_801 = arith.index_cast %parallel_loop3A_796 : i32 to index
        %parallel_loop3A_802 = arith.index_cast %mul3A_779 : i32 to index
        %parallel_loop3A_803 = tpu.vector_load %arg6[%parallel_loop3A_801, %parallel_loop3A_802] {strides = array<i32>} : memref<16x768xf32, #tpu.memory_space<vmem>>, vector<1x16xf32>,
        %parallel_loop3A_804 = vector.shape_cast %parallel_loop3A_803 : vector<1x16xf32> to vector<16xf32>
        %parallel_loop3A_805 = arith.mulf %parallel_loop3A_800, %get3A_783 : vector<16xf32>
        %parallel_loop3A_806 = arith.mulf %parallel_loop3A_804, %get3A_788 : vector<16xf32>
        %parallel_loop3A_807 = arith.addf %parallel_loop3A_805, %parallel_loop3A_806 : vector<16xf32>
        %parallel_loop3A_808 = arith.index_cast %parallel_loop3A_796 : i32 to index
        %parallel_loop3A_809 = arith.index_cast %mul3A_779 : i32 to index
        %parallel_loop3A_810 = tpu.vector_load %arg5[%parallel_loop3A_808, %parallel_loop3A_809] {strides = array<i32>} : memref<16x768xf32, #tpu.memory_space<vmem>>, vector<1x16xf32>,
        %parallel_loop3A_811 = vector.shape_cast %parallel_loop3A_810 : vector<1x16xf32> to vector<16xf32>
        %parallel_loop3A_812 = vector.shape_cast %parallel_loop3A_807 : vector<16xf32> to vector<1x16xf32>
        tpu.vector_store %arg5[%parallel_loop3A_808, %parallel_loop3A_809], %parallel_loop3A_812 {strides = array<i32>} : memref<16x768xf32, #tpu.memory_space<vmem>>, vector<1x16xf32>,
        %parallel_loop3A_813 = arith.mulf %parallel_loop3A_804, %get3A_793 : vector<16xf32>
        %parallel_loop3A_814 = arith.index_cast %parallel_loop3A_796 : i32 to index
        %parallel_loop3A_815 = arith.index_cast %mul3A_779 : i32 to index
        %parallel_loop3A_816 = tpu.vector_load %arg6[%parallel_loop3A_814, %parallel_loop3A_815] {strides = array<i32>} : memref<16x768xf32, #tpu.memory_space<vmem>>, vector<1x16xf32>,
        %parallel_loop3A_817 = vector.shape_cast %parallel_loop3A_816 : vector<1x16xf32> to vector<16xf32>
        %parallel_loop3A_818 = vector.shape_cast %parallel_loop3A_813 : vector<16xf32> to vector<1x16xf32>
        tpu.vector_store %arg6[%parallel_loop3A_814, %parallel_loop3A_815], %parallel_loop3A_818 {strides = array<i32>} : memref<16x768xf32, #tpu.memory_space<vmem>>, vector<1x16xf32>,
      } {sc.loop_unroll_factor = 8 : i64, sc.parallel_access}
    }
    %scan3A_634 = arith.constant 48 : i32
    %add3A_635 = arith.constant 192 : i32
    %add3A_636 = arith.addi %add3A_25, %add3A_635 : i32
    %dma_start3A_637 = arith.constant 0 : i32
    %dma_start3A_638 = tpu.memref_slice %arg4[%add3A_636, %dma_start3A_637] : memref<16384x768xf32, #tpu.memory_space<hbm>> -> memref<16x768xf32, #tpu.memory_space<hbm>>
    %dma_start3A_639 = arith.constant 0 : i32
    %dma_start3A_640 = tpu.memref_slice %arg4[%add3A_636, %dma_start3A_639] : memref<16384x768xf32, #tpu.memory_space<hbm>> -> memref<16x768xf32, #tpu.memory_space<hbm>>
    tpu.enqueue_dma source(%arg5 : memref<16x768xf32, #tpu.memory_space<vmem>>) target(%dma_start3A_640 : memref<16x768xf32, #tpu.memory_space<hbm>>) target_semaphore(%arg18 : memref<!tpu.dma_semaphore, #tpu.memory_space<semaphore_mem>>)
    %add3A_641 = arith.constant 192 : i32
    %add3A_642 = arith.addi %add3A_27, %add3A_641 : i32
    %dma_start3A_643 = arith.constant 0 : i32
    %dma_start3A_644 = tpu.memref_slice %arg4[%add3A_642, %dma_start3A_643] : memref<16384x768xf32, #tpu.memory_space<hbm>> -> memref<16x768xf32, #tpu.memory_space<hbm>>
    %dma_start3A_645 = arith.constant 0 : i32
    %dma_start3A_646 = tpu.memref_slice %arg4[%add3A_642, %dma_start3A_645] : memref<16384x768xf32, #tpu.memory_space<hbm>> -> memref<16x768xf32, #tpu.memory_space<hbm>>
    tpu.enqueue_dma source(%arg6 : memref<16x768xf32, #tpu.memory_space<vmem>>) target(%dma_start3A_646 : memref<16x768xf32, #tpu.memory_space<hbm>>) target_semaphore(%arg18 : memref<!tpu.dma_semaphore, #tpu.memory_space<semaphore_mem>>)
    %dma_wait3A_647 = arith.constant 0 : i32
    %dma_wait3A_648 = tpu.memref_slice %arg4[%add3A_590, %dma_wait3A_647] : memref<16384x768xf32, #tpu.memory_space<hbm>> -> memref<16x768xf32, #tpu.memory_space<hbm>>
    %dma_wait3A_649 = arith.constant 0 : i32
    %dma_wait3A_650 = tpu.memref_slice %arg4[%add3A_590, %dma_wait3A_649] : memref<16384x768xf32, #tpu.memory_space<hbm>> -> memref<16x768xf32, #tpu.memory_space<hbm>>
    tpu.wait_dma2 semaphore(%arg21 : memref<!tpu.dma_semaphore, #tpu.memory_space<semaphore_mem>>) src(%arg11 : memref<16x768xf32, #tpu.memory_space<vmem>>) dst(%dma_wait3A_650 : memref<16x768xf32, #tpu.memory_space<hbm>>)
    %dma_wait3A_651 = arith.constant 0 : i32
    %dma_wait3A_652 = tpu.memref_slice %arg4[%add3A_596, %dma_wait3A_651] : memref<16384x768xf32, #tpu.memory_space<hbm>> -> memref<16x768xf32, #tpu.memory_space<hbm>>
    %dma_wait3A_653 = arith.constant 0 : i32
    %dma_wait3A_654 = tpu.memref_slice %arg4[%add3A_596, %dma_wait3A_653] : memref<16384x768xf32, #tpu.memory_space<hbm>> -> memref<16x768xf32, #tpu.memory_space<hbm>>
    tpu.wait_dma2 semaphore(%arg21 : memref<!tpu.dma_semaphore, #tpu.memory_space<semaphore_mem>>) src(%arg12 : memref<16x768xf32, #tpu.memory_space<vmem>>) dst(%dma_wait3A_654 : memref<16x768xf32, #tpu.memory_space<hbm>>)
    %add3A_655 = arith.constant 240 : i32
    %add3A_656 = arith.addi %add3A_25, %add3A_655 : i32
    %dma_start3A_657 = arith.constant 0 : i32
    %dma_start3A_658 = tpu.memref_slice %arg2[%add3A_656, %dma_start3A_657] : memref<16384x768xf32, #tpu.memory_space<hbm>> -> memref<16x768xf32, #tpu.memory_space<hbm>>
    %dma_start3A_659 = arith.constant 0 : i32
    %dma_start3A_660 = tpu.memref_slice %arg2[%add3A_656, %dma_start3A_659] : memref<16384x768xf32, #tpu.memory_space<hbm>> -> memref<16x768xf32, #tpu.memory_space<hbm>>
    tpu.enqueue_dma source(%dma_start3A_660 : memref<16x768xf32, #tpu.memory_space<hbm>>) target(%arg11 : memref<16x768xf32, #tpu.memory_space<vmem>>) target_semaphore(%arg17 : memref<!tpu.dma_semaphore, #tpu.memory_space<semaphore_mem>>)
    %add3A_661 = arith.constant 240 : i32
    %add3A_662 = arith.addi %add3A_27, %add3A_661 : i32
    %dma_start3A_663 = arith.constant 0 : i32
    %dma_start3A_664 = tpu.memref_slice %arg2[%add3A_662, %dma_start3A_663] : memref<16384x768xf32, #tpu.memory_space<hbm>> -> memref<16x768xf32, #tpu.memory_space<hbm>>
    %dma_start3A_665 = arith.constant 0 : i32
    %dma_start3A_666 = tpu.memref_slice %arg2[%add3A_662, %dma_start3A_665] : memref<16384x768xf32, #tpu.memory_space<hbm>> -> memref<16x768xf32, #tpu.memory_space<hbm>>
    tpu.enqueue_dma source(%dma_start3A_666 : memref<16x768xf32, #tpu.memory_space<hbm>>) target(%arg12 : memref<16x768xf32, #tpu.memory_space<vmem>>) target_semaphore(%arg17 : memref<!tpu.dma_semaphore, #tpu.memory_space<semaphore_mem>>)
    %dma_wait3A_667 = arith.constant 0 : i32
    %dma_wait3A_668 = tpu.memref_slice %arg2[%add3A_564, %dma_wait3A_667] : memref<16384x768xf32, #tpu.memory_space<hbm>> -> memref<16x768xf32, #tpu.memory_space<hbm>>
    %dma_wait3A_669 = arith.constant 0 : i32
    %dma_wait3A_670 = tpu.memref_slice %arg2[%add3A_564, %dma_wait3A_669] : memref<16384x768xf32, #tpu.memory_space<hbm>> -> memref<16x768xf32, #tpu.memory_space<hbm>>
    tpu.wait_dma2 semaphore(%arg15 : memref<!tpu.dma_semaphore, #tpu.memory_space<semaphore_mem>>) src(%dma_wait3A_670 : memref<16x768xf32, #tpu.memory_space<hbm>>) dst(%arg7 : memref<16x768xf32, #tpu.memory_space<vmem>>)
    %dma_wait3A_671 = arith.constant 0 : i32
    %dma_wait3A_672 = tpu.memref_slice %arg2[%add3A_570, %dma_wait3A_671] : memref<16384x768xf32, #tpu.memory_space<hbm>> -> memref<16x768xf32, #tpu.memory_space<hbm>>
    %dma_wait3A_673 = arith.constant 0 : i32
    %dma_wait3A_674 = tpu.memref_slice %arg2[%add3A_570, %dma_wait3A_673] : memref<16384x768xf32, #tpu.memory_space<hbm>> -> memref<16x768xf32, #tpu.memory_space<hbm>>
    tpu.wait_dma2 semaphore(%arg15 : memref<!tpu.dma_semaphore, #tpu.memory_space<semaphore_mem>>) src(%dma_wait3A_674 : memref<16x768xf32, #tpu.memory_space<hbm>>) dst(%arg8 : memref<16x768xf32, #tpu.memory_space<vmem>>)
    %scan3A_675 = arith.constant 0 : i32
    %scan3A_676 = arith.constant 0 : i32
    %scan3A_677 = arith.constant 48 : i32
    %scan3A_678 = arith.addi %scan3A_676, %scan3A_677 : i32
    %scan3A_679 = arith.constant 1 : i32
    scf.for %scan3A_777 = %scan3A_676 to %scan3A_678 step %scan3A_679  : i32 {
      %mul3A_778 = arith.constant 16 : i32
      %mul3A_779 = arith.muli %scan3A_777, %mul3A_778 : i32
      %get3A = arith.constant 0 : i32
      %get3A_780 = arith.index_cast %get3A : i32 to index
      %get3A_781 = arith.index_cast %mul3A_779 : i32 to index
      %get3A_782 = tpu.vector_load %arg13[%get3A_780, %get3A_781] {strides = array<i32>} : memref<3x768xf32, #tpu.memory_space<vmem>>, vector<1x16xf32>,
      %get3A_783 = vector.shape_cast %get3A_782 : vector<1x16xf32> to vector<16xf32>
      %get3A_784 = arith.constant 1 : i32
      %get3A_785 = arith.index_cast %get3A_784 : i32 to index
      %get3A_786 = arith.index_cast %mul3A_779 : i32 to index
      %get3A_787 = tpu.vector_load %arg13[%get3A_785, %get3A_786] {strides = array<i32>} : memref<3x768xf32, #tpu.memory_space<vmem>>, vector<1x16xf32>,
      %get3A_788 = vector.shape_cast %get3A_787 : vector<1x16xf32> to vector<16xf32>
      %get3A_789 = arith.constant 2 : i32
      %get3A_790 = arith.index_cast %get3A_789 : i32 to index
      %get3A_791 = arith.index_cast %mul3A_779 : i32 to index
      %get3A_792 = tpu.vector_load %arg13[%get3A_790, %get3A_791] {strides = array<i32>} : memref<3x768xf32, #tpu.memory_space<vmem>>, vector<1x16xf32>,
      %get3A_793 = vector.shape_cast %get3A_792 : vector<1x16xf32> to vector<16xf32>
      %parallel_loop3A = arith.constant 0 : i32
      %parallel_loop3A_794 = arith.constant 16 : i32
      %parallel_loop3A_795 = arith.constant 1 : i32
      scf.for %parallel_loop3A_796 = %parallel_loop3A to %parallel_loop3A_794 step %parallel_loop3A_795  : i32 {
        %parallel_loop3A_797 = arith.index_cast %parallel_loop3A_796 : i32 to index
        %parallel_loop3A_798 = arith.index_cast %mul3A_779 : i32 to index
        %parallel_loop3A_799 = tpu.vector_load %arg7[%parallel_loop3A_797, %parallel_loop3A_798] {strides = array<i32>} : memref<16x768xf32, #tpu.memory_space<vmem>>, vector<1x16xf32>,
        %parallel_loop3A_800 = vector.shape_cast %parallel_loop3A_799 : vector<1x16xf32> to vector<16xf32>
        %parallel_loop3A_801 = arith.index_cast %parallel_loop3A_796 : i32 to index
        %parallel_loop3A_802 = arith.index_cast %mul3A_779 : i32 to index
        %parallel_loop3A_803 = tpu.vector_load %arg8[%parallel_loop3A_801, %parallel_loop3A_802] {strides = array<i32>} : memref<16x768xf32, #tpu.memory_space<vmem>>, vector<1x16xf32>,
        %parallel_loop3A_804 = vector.shape_cast %parallel_loop3A_803 : vector<1x16xf32> to vector<16xf32>
        %parallel_loop3A_805 = arith.mulf %parallel_loop3A_800, %get3A_783 : vector<16xf32>
        %parallel_loop3A_806 = arith.mulf %parallel_loop3A_804, %get3A_788 : vector<16xf32>
        %parallel_loop3A_807 = arith.addf %parallel_loop3A_805, %parallel_loop3A_806 : vector<16xf32>
        %parallel_loop3A_808 = arith.index_cast %parallel_loop3A_796 : i32 to index
        %parallel_loop3A_809 = arith.index_cast %mul3A_779 : i32 to index
        %parallel_loop3A_810 = tpu.vector_load %arg7[%parallel_loop3A_808, %parallel_loop3A_809] {strides = array<i32>} : memref<16x768xf32, #tpu.memory_space<vmem>>, vector<1x16xf32>,
        %parallel_loop3A_811 = vector.shape_cast %parallel_loop3A_810 : vector<1x16xf32> to vector<16xf32>
        %parallel_loop3A_812 = vector.shape_cast %parallel_loop3A_807 : vector<16xf32> to vector<1x16xf32>
        tpu.vector_store %arg7[%parallel_loop3A_808, %parallel_loop3A_809], %parallel_loop3A_812 {strides = array<i32>} : memref<16x768xf32, #tpu.memory_space<vmem>>, vector<1x16xf32>,
        %parallel_loop3A_813 = arith.mulf %parallel_loop3A_804, %get3A_793 : vector<16xf32>
        %parallel_loop3A_814 = arith.index_cast %parallel_loop3A_796 : i32 to index
        %parallel_loop3A_815 = arith.index_cast %mul3A_779 : i32 to index
        %parallel_loop3A_816 = tpu.vector_load %arg8[%parallel_loop3A_814, %parallel_loop3A_815] {strides = array<i32>} : memref<16x768xf32, #tpu.memory_space<vmem>>, vector<1x16xf32>,
        %parallel_loop3A_817 = vector.shape_cast %parallel_loop3A_816 : vector<1x16xf32> to vector<16xf32>
        %parallel_loop3A_818 = vector.shape_cast %parallel_loop3A_813 : vector<16xf32> to vector<1x16xf32>
        tpu.vector_store %arg8[%parallel_loop3A_814, %parallel_loop3A_815], %parallel_loop3A_818 {strides = array<i32>} : memref<16x768xf32, #tpu.memory_space<vmem>>, vector<1x16xf32>,
      } {sc.loop_unroll_factor = 8 : i64, sc.parallel_access}
    }
    %scan3A_680 = arith.constant 48 : i32
    %add3A_681 = arith.constant 208 : i32
    %add3A_682 = arith.addi %add3A_25, %add3A_681 : i32
    %dma_start3A_683 = arith.constant 0 : i32
    %dma_start3A_684 = tpu.memref_slice %arg4[%add3A_682, %dma_start3A_683] : memref<16384x768xf32, #tpu.memory_space<hbm>> -> memref<16x768xf32, #tpu.memory_space<hbm>>
    %dma_start3A_685 = arith.constant 0 : i32
    %dma_start3A_686 = tpu.memref_slice %arg4[%add3A_682, %dma_start3A_685] : memref<16384x768xf32, #tpu.memory_space<hbm>> -> memref<16x768xf32, #tpu.memory_space<hbm>>
    tpu.enqueue_dma source(%arg7 : memref<16x768xf32, #tpu.memory_space<vmem>>) target(%dma_start3A_686 : memref<16x768xf32, #tpu.memory_space<hbm>>) target_semaphore(%arg19 : memref<!tpu.dma_semaphore, #tpu.memory_space<semaphore_mem>>)
    %add3A_687 = arith.constant 208 : i32
    %add3A_688 = arith.addi %add3A_27, %add3A_687 : i32
    %dma_start3A_689 = arith.constant 0 : i32
    %dma_start3A_690 = tpu.memref_slice %arg4[%add3A_688, %dma_start3A_689] : memref<16384x768xf32, #tpu.memory_space<hbm>> -> memref<16x768xf32, #tpu.memory_space<hbm>>
    %dma_start3A_691 = arith.constant 0 : i32
    %dma_start3A_692 = tpu.memref_slice %arg4[%add3A_688, %dma_start3A_691] : memref<16384x768xf32, #tpu.memory_space<hbm>> -> memref<16x768xf32, #tpu.memory_space<hbm>>
    tpu.enqueue_dma source(%arg8 : memref<16x768xf32, #tpu.memory_space<vmem>>) target(%dma_start3A_692 : memref<16x768xf32, #tpu.memory_space<hbm>>) target_semaphore(%arg19 : memref<!tpu.dma_semaphore, #tpu.memory_space<semaphore_mem>>)
    %dma_wait3A_693 = arith.constant 0 : i32
    %dma_wait3A_694 = tpu.memref_slice %arg2[%add3A_610, %dma_wait3A_693] : memref<16384x768xf32, #tpu.memory_space<hbm>> -> memref<16x768xf32, #tpu.memory_space<hbm>>
    %dma_wait3A_695 = arith.constant 0 : i32
    %dma_wait3A_696 = tpu.memref_slice %arg2[%add3A_610, %dma_wait3A_695] : memref<16384x768xf32, #tpu.memory_space<hbm>> -> memref<16x768xf32, #tpu.memory_space<hbm>>
    tpu.wait_dma2 semaphore(%arg16 : memref<!tpu.dma_semaphore, #tpu.memory_space<semaphore_mem>>) src(%dma_wait3A_696 : memref<16x768xf32, #tpu.memory_space<hbm>>) dst(%arg9 : memref<16x768xf32, #tpu.memory_space<vmem>>)
    %dma_wait3A_697 = arith.constant 0 : i32
    %dma_wait3A_698 = tpu.memref_slice %arg2[%add3A_616, %dma_wait3A_697] : memref<16384x768xf32, #tpu.memory_space<hbm>> -> memref<16x768xf32, #tpu.memory_space<hbm>>
    %dma_wait3A_699 = arith.constant 0 : i32
    %dma_wait3A_700 = tpu.memref_slice %arg2[%add3A_616, %dma_wait3A_699] : memref<16384x768xf32, #tpu.memory_space<hbm>> -> memref<16x768xf32, #tpu.memory_space<hbm>>
    tpu.wait_dma2 semaphore(%arg16 : memref<!tpu.dma_semaphore, #tpu.memory_space<semaphore_mem>>) src(%dma_wait3A_700 : memref<16x768xf32, #tpu.memory_space<hbm>>) dst(%arg10 : memref<16x768xf32, #tpu.memory_space<vmem>>)
    %scan3A_701 = arith.constant 0 : i32
    %scan3A_702 = arith.constant 0 : i32
    %scan3A_703 = arith.constant 48 : i32
    %scan3A_704 = arith.addi %scan3A_702, %scan3A_703 : i32
    %scan3A_705 = arith.constant 1 : i32
    scf.for %scan3A_777 = %scan3A_702 to %scan3A_704 step %scan3A_705  : i32 {
      %mul3A_778 = arith.constant 16 : i32
      %mul3A_779 = arith.muli %scan3A_777, %mul3A_778 : i32
      %get3A = arith.constant 0 : i32
      %get3A_780 = arith.index_cast %get3A : i32 to index
      %get3A_781 = arith.index_cast %mul3A_779 : i32 to index
      %get3A_782 = tpu.vector_load %arg13[%get3A_780, %get3A_781] {strides = array<i32>} : memref<3x768xf32, #tpu.memory_space<vmem>>, vector<1x16xf32>,
      %get3A_783 = vector.shape_cast %get3A_782 : vector<1x16xf32> to vector<16xf32>
      %get3A_784 = arith.constant 1 : i32
      %get3A_785 = arith.index_cast %get3A_784 : i32 to index
      %get3A_786 = arith.index_cast %mul3A_779 : i32 to index
      %get3A_787 = tpu.vector_load %arg13[%get3A_785, %get3A_786] {strides = array<i32>} : memref<3x768xf32, #tpu.memory_space<vmem>>, vector<1x16xf32>,
      %get3A_788 = vector.shape_cast %get3A_787 : vector<1x16xf32> to vector<16xf32>
      %get3A_789 = arith.constant 2 : i32
      %get3A_790 = arith.index_cast %get3A_789 : i32 to index
      %get3A_791 = arith.index_cast %mul3A_779 : i32 to index
      %get3A_792 = tpu.vector_load %arg13[%get3A_790, %get3A_791] {strides = array<i32>} : memref<3x768xf32, #tpu.memory_space<vmem>>, vector<1x16xf32>,
      %get3A_793 = vector.shape_cast %get3A_792 : vector<1x16xf32> to vector<16xf32>
      %parallel_loop3A = arith.constant 0 : i32
      %parallel_loop3A_794 = arith.constant 16 : i32
      %parallel_loop3A_795 = arith.constant 1 : i32
      scf.for %parallel_loop3A_796 = %parallel_loop3A to %parallel_loop3A_794 step %parallel_loop3A_795  : i32 {
        %parallel_loop3A_797 = arith.index_cast %parallel_loop3A_796 : i32 to index
        %parallel_loop3A_798 = arith.index_cast %mul3A_779 : i32 to index
        %parallel_loop3A_799 = tpu.vector_load %arg9[%parallel_loop3A_797, %parallel_loop3A_798] {strides = array<i32>} : memref<16x768xf32, #tpu.memory_space<vmem>>, vector<1x16xf32>,
        %parallel_loop3A_800 = vector.shape_cast %parallel_loop3A_799 : vector<1x16xf32> to vector<16xf32>
        %parallel_loop3A_801 = arith.index_cast %parallel_loop3A_796 : i32 to index
        %parallel_loop3A_802 = arith.index_cast %mul3A_779 : i32 to index
        %parallel_loop3A_803 = tpu.vector_load %arg10[%parallel_loop3A_801, %parallel_loop3A_802] {strides = array<i32>} : memref<16x768xf32, #tpu.memory_space<vmem>>, vector<1x16xf32>,
        %parallel_loop3A_804 = vector.shape_cast %parallel_loop3A_803 : vector<1x16xf32> to vector<16xf32>
        %parallel_loop3A_805 = arith.mulf %parallel_loop3A_800, %get3A_783 : vector<16xf32>
        %parallel_loop3A_806 = arith.mulf %parallel_loop3A_804, %get3A_788 : vector<16xf32>
        %parallel_loop3A_807 = arith.addf %parallel_loop3A_805, %parallel_loop3A_806 : vector<16xf32>
        %parallel_loop3A_808 = arith.index_cast %parallel_loop3A_796 : i32 to index
        %parallel_loop3A_809 = arith.index_cast %mul3A_779 : i32 to index
        %parallel_loop3A_810 = tpu.vector_load %arg9[%parallel_loop3A_808, %parallel_loop3A_809] {strides = array<i32>} : memref<16x768xf32, #tpu.memory_space<vmem>>, vector<1x16xf32>,
        %parallel_loop3A_811 = vector.shape_cast %parallel_loop3A_810 : vector<1x16xf32> to vector<16xf32>
        %parallel_loop3A_812 = vector.shape_cast %parallel_loop3A_807 : vector<16xf32> to vector<1x16xf32>
        tpu.vector_store %arg9[%parallel_loop3A_808, %parallel_loop3A_809], %parallel_loop3A_812 {strides = array<i32>} : memref<16x768xf32, #tpu.memory_space<vmem>>, vector<1x16xf32>,
        %parallel_loop3A_813 = arith.mulf %parallel_loop3A_804, %get3A_793 : vector<16xf32>
        %parallel_loop3A_814 = arith.index_cast %parallel_loop3A_796 : i32 to index
        %parallel_loop3A_815 = arith.index_cast %mul3A_779 : i32 to index
        %parallel_loop3A_816 = tpu.vector_load %arg10[%parallel_loop3A_814, %parallel_loop3A_815] {strides = array<i32>} : memref<16x768xf32, #tpu.memory_space<vmem>>, vector<1x16xf32>,
        %parallel_loop3A_817 = vector.shape_cast %parallel_loop3A_816 : vector<1x16xf32> to vector<16xf32>
        %parallel_loop3A_818 = vector.shape_cast %parallel_loop3A_813 : vector<16xf32> to vector<1x16xf32>
        tpu.vector_store %arg10[%parallel_loop3A_814, %parallel_loop3A_815], %parallel_loop3A_818 {strides = array<i32>} : memref<16x768xf32, #tpu.memory_space<vmem>>, vector<1x16xf32>,
      } {sc.loop_unroll_factor = 8 : i64, sc.parallel_access}
    }
    %scan3A_706 = arith.constant 48 : i32
    %add3A_707 = arith.constant 224 : i32
    %add3A_708 = arith.addi %add3A_25, %add3A_707 : i32
    %dma_start3A_709 = arith.constant 0 : i32
    %dma_start3A_710 = tpu.memref_slice %arg4[%add3A_708, %dma_start3A_709] : memref<16384x768xf32, #tpu.memory_space<hbm>> -> memref<16x768xf32, #tpu.memory_space<hbm>>
    %dma_start3A_711 = arith.constant 0 : i32
    %dma_start3A_712 = tpu.memref_slice %arg4[%add3A_708, %dma_start3A_711] : memref<16384x768xf32, #tpu.memory_space<hbm>> -> memref<16x768xf32, #tpu.memory_space<hbm>>
    tpu.enqueue_dma source(%arg9 : memref<16x768xf32, #tpu.memory_space<vmem>>) target(%dma_start3A_712 : memref<16x768xf32, #tpu.memory_space<hbm>>) target_semaphore(%arg20 : memref<!tpu.dma_semaphore, #tpu.memory_space<semaphore_mem>>)
    %add3A_713 = arith.constant 224 : i32
    %add3A_714 = arith.addi %add3A_27, %add3A_713 : i32
    %dma_start3A_715 = arith.constant 0 : i32
    %dma_start3A_716 = tpu.memref_slice %arg4[%add3A_714, %dma_start3A_715] : memref<16384x768xf32, #tpu.memory_space<hbm>> -> memref<16x768xf32, #tpu.memory_space<hbm>>
    %dma_start3A_717 = arith.constant 0 : i32
    %dma_start3A_718 = tpu.memref_slice %arg4[%add3A_714, %dma_start3A_717] : memref<16384x768xf32, #tpu.memory_space<hbm>> -> memref<16x768xf32, #tpu.memory_space<hbm>>
    tpu.enqueue_dma source(%arg10 : memref<16x768xf32, #tpu.memory_space<vmem>>) target(%dma_start3A_718 : memref<16x768xf32, #tpu.memory_space<hbm>>) target_semaphore(%arg20 : memref<!tpu.dma_semaphore, #tpu.memory_space<semaphore_mem>>)
    %dma_wait3A_719 = arith.constant 0 : i32
    %dma_wait3A_720 = tpu.memref_slice %arg2[%add3A_656, %dma_wait3A_719] : memref<16384x768xf32, #tpu.memory_space<hbm>> -> memref<16x768xf32, #tpu.memory_space<hbm>>
    %dma_wait3A_721 = arith.constant 0 : i32
    %dma_wait3A_722 = tpu.memref_slice %arg2[%add3A_656, %dma_wait3A_721] : memref<16384x768xf32, #tpu.memory_space<hbm>> -> memref<16x768xf32, #tpu.memory_space<hbm>>
    tpu.wait_dma2 semaphore(%arg17 : memref<!tpu.dma_semaphore, #tpu.memory_space<semaphore_mem>>) src(%dma_wait3A_722 : memref<16x768xf32, #tpu.memory_space<hbm>>) dst(%arg11 : memref<16x768xf32, #tpu.memory_space<vmem>>)
    %dma_wait3A_723 = arith.constant 0 : i32
    %dma_wait3A_724 = tpu.memref_slice %arg2[%add3A_662, %dma_wait3A_723] : memref<16384x768xf32, #tpu.memory_space<hbm>> -> memref<16x768xf32, #tpu.memory_space<hbm>>
    %dma_wait3A_725 = arith.constant 0 : i32
    %dma_wait3A_726 = tpu.memref_slice %arg2[%add3A_662, %dma_wait3A_725] : memref<16384x768xf32, #tpu.memory_space<hbm>> -> memref<16x768xf32, #tpu.memory_space<hbm>>
    tpu.wait_dma2 semaphore(%arg17 : memref<!tpu.dma_semaphore, #tpu.memory_space<semaphore_mem>>) src(%dma_wait3A_726 : memref<16x768xf32, #tpu.memory_space<hbm>>) dst(%arg12 : memref<16x768xf32, #tpu.memory_space<vmem>>)
    %scan3A_727 = arith.constant 0 : i32
    %scan3A_728 = arith.constant 0 : i32
    %scan3A_729 = arith.constant 48 : i32
    %scan3A_730 = arith.addi %scan3A_728, %scan3A_729 : i32
    %scan3A_731 = arith.constant 1 : i32
    scf.for %scan3A_777 = %scan3A_728 to %scan3A_730 step %scan3A_731  : i32 {
      %mul3A_778 = arith.constant 16 : i32
      %mul3A_779 = arith.muli %scan3A_777, %mul3A_778 : i32
      %get3A = arith.constant 0 : i32
      %get3A_780 = arith.index_cast %get3A : i32 to index
      %get3A_781 = arith.index_cast %mul3A_779 : i32 to index
      %get3A_782 = tpu.vector_load %arg13[%get3A_780, %get3A_781] {strides = array<i32>} : memref<3x768xf32, #tpu.memory_space<vmem>>, vector<1x16xf32>,
      %get3A_783 = vector.shape_cast %get3A_782 : vector<1x16xf32> to vector<16xf32>
      %get3A_784 = arith.constant 1 : i32
      %get3A_785 = arith.index_cast %get3A_784 : i32 to index
      %get3A_786 = arith.index_cast %mul3A_779 : i32 to index
      %get3A_787 = tpu.vector_load %arg13[%get3A_785, %get3A_786] {strides = array<i32>} : memref<3x768xf32, #tpu.memory_space<vmem>>, vector<1x16xf32>,
      %get3A_788 = vector.shape_cast %get3A_787 : vector<1x16xf32> to vector<16xf32>
      %get3A_789 = arith.constant 2 : i32
      %get3A_790 = arith.index_cast %get3A_789 : i32 to index
      %get3A_791 = arith.index_cast %mul3A_779 : i32 to index
      %get3A_792 = tpu.vector_load %arg13[%get3A_790, %get3A_791] {strides = array<i32>} : memref<3x768xf32, #tpu.memory_space<vmem>>, vector<1x16xf32>,
      %get3A_793 = vector.shape_cast %get3A_792 : vector<1x16xf32> to vector<16xf32>
      %parallel_loop3A = arith.constant 0 : i32
      %parallel_loop3A_794 = arith.constant 16 : i32
      %parallel_loop3A_795 = arith.constant 1 : i32
      scf.for %parallel_loop3A_796 = %parallel_loop3A to %parallel_loop3A_794 step %parallel_loop3A_795  : i32 {
        %parallel_loop3A_797 = arith.index_cast %parallel_loop3A_796 : i32 to index
        %parallel_loop3A_798 = arith.index_cast %mul3A_779 : i32 to index
        %parallel_loop3A_799 = tpu.vector_load %arg11[%parallel_loop3A_797, %parallel_loop3A_798] {strides = array<i32>} : memref<16x768xf32, #tpu.memory_space<vmem>>, vector<1x16xf32>,
        %parallel_loop3A_800 = vector.shape_cast %parallel_loop3A_799 : vector<1x16xf32> to vector<16xf32>
        %parallel_loop3A_801 = arith.index_cast %parallel_loop3A_796 : i32 to index
        %parallel_loop3A_802 = arith.index_cast %mul3A_779 : i32 to index
        %parallel_loop3A_803 = tpu.vector_load %arg12[%parallel_loop3A_801, %parallel_loop3A_802] {strides = array<i32>} : memref<16x768xf32, #tpu.memory_space<vmem>>, vector<1x16xf32>,
        %parallel_loop3A_804 = vector.shape_cast %parallel_loop3A_803 : vector<1x16xf32> to vector<16xf32>
        %parallel_loop3A_805 = arith.mulf %parallel_loop3A_800, %get3A_783 : vector<16xf32>
        %parallel_loop3A_806 = arith.mulf %parallel_loop3A_804, %get3A_788 : vector<16xf32>
        %parallel_loop3A_807 = arith.addf %parallel_loop3A_805, %parallel_loop3A_806 : vector<16xf32>
        %parallel_loop3A_808 = arith.index_cast %parallel_loop3A_796 : i32 to index
        %parallel_loop3A_809 = arith.index_cast %mul3A_779 : i32 to index
        %parallel_loop3A_810 = tpu.vector_load %arg11[%parallel_loop3A_808, %parallel_loop3A_809] {strides = array<i32>} : memref<16x768xf32, #tpu.memory_space<vmem>>, vector<1x16xf32>,
        %parallel_loop3A_811 = vector.shape_cast %parallel_loop3A_810 : vector<1x16xf32> to vector<16xf32>
        %parallel_loop3A_812 = vector.shape_cast %parallel_loop3A_807 : vector<16xf32> to vector<1x16xf32>
        tpu.vector_store %arg11[%parallel_loop3A_808, %parallel_loop3A_809], %parallel_loop3A_812 {strides = array<i32>} : memref<16x768xf32, #tpu.memory_space<vmem>>, vector<1x16xf32>,
        %parallel_loop3A_813 = arith.mulf %parallel_loop3A_804, %get3A_793 : vector<16xf32>
        %parallel_loop3A_814 = arith.index_cast %parallel_loop3A_796 : i32 to index
        %parallel_loop3A_815 = arith.index_cast %mul3A_779 : i32 to index
        %parallel_loop3A_816 = tpu.vector_load %arg12[%parallel_loop3A_814, %parallel_loop3A_815] {strides = array<i32>} : memref<16x768xf32, #tpu.memory_space<vmem>>, vector<1x16xf32>,
        %parallel_loop3A_817 = vector.shape_cast %parallel_loop3A_816 : vector<1x16xf32> to vector<16xf32>
        %parallel_loop3A_818 = vector.shape_cast %parallel_loop3A_813 : vector<16xf32> to vector<1x16xf32>
        tpu.vector_store %arg12[%parallel_loop3A_814, %parallel_loop3A_815], %parallel_loop3A_818 {strides = array<i32>} : memref<16x768xf32, #tpu.memory_space<vmem>>, vector<1x16xf32>,
      } {sc.loop_unroll_factor = 8 : i64, sc.parallel_access}
    }
    %scan3A_732 = arith.constant 48 : i32
    %add3A_733 = arith.constant 240 : i32
    %add3A_734 = arith.addi %add3A_25, %add3A_733 : i32
    %dma_start3A_735 = arith.constant 0 : i32
    %dma_start3A_736 = tpu.memref_slice %arg4[%add3A_734, %dma_start3A_735] : memref<16384x768xf32, #tpu.memory_space<hbm>> -> memref<16x768xf32, #tpu.memory_space<hbm>>
    %dma_start3A_737 = arith.constant 0 : i32
    %dma_start3A_738 = tpu.memref_slice %arg4[%add3A_734, %dma_start3A_737] : memref<16384x768xf32, #tpu.memory_space<hbm>> -> memref<16x768xf32, #tpu.memory_space<hbm>>
    tpu.enqueue_dma source(%arg11 : memref<16x768xf32, #tpu.memory_space<vmem>>) target(%dma_start3A_738 : memref<16x768xf32, #tpu.memory_space<hbm>>) target_semaphore(%arg21 : memref<!tpu.dma_semaphore, #tpu.memory_space<semaphore_mem>>)
    %add3A_739 = arith.constant 240 : i32
    %add3A_740 = arith.addi %add3A_27, %add3A_739 : i32
    %dma_start3A_741 = arith.constant 0 : i32
    %dma_start3A_742 = tpu.memref_slice %arg4[%add3A_740, %dma_start3A_741] : memref<16384x768xf32, #tpu.memory_space<hbm>> -> memref<16x768xf32, #tpu.memory_space<hbm>>
    %dma_start3A_743 = arith.constant 0 : i32
    %dma_start3A_744 = tpu.memref_slice %arg4[%add3A_740, %dma_start3A_743] : memref<16384x768xf32, #tpu.memory_space<hbm>> -> memref<16x768xf32, #tpu.memory_space<hbm>>
    tpu.enqueue_dma source(%arg12 : memref<16x768xf32, #tpu.memory_space<vmem>>) target(%dma_start3A_744 : memref<16x768xf32, #tpu.memory_space<hbm>>) target_semaphore(%arg21 : memref<!tpu.dma_semaphore, #tpu.memory_space<semaphore_mem>>)
    %dma_wait3A_745 = arith.constant 0 : i32
    %dma_wait3A_746 = tpu.memref_slice %arg4[%add3A_636, %dma_wait3A_745] : memref<16384x768xf32, #tpu.memory_space<hbm>> -> memref<16x768xf32, #tpu.memory_space<hbm>>
    %dma_wait3A_747 = arith.constant 0 : i32
    %dma_wait3A_748 = tpu.memref_slice %arg4[%add3A_636, %dma_wait3A_747] : memref<16384x768xf32, #tpu.memory_space<hbm>> -> memref<16x768xf32, #tpu.memory_space<hbm>>
    tpu.wait_dma2 semaphore(%arg18 : memref<!tpu.dma_semaphore, #tpu.memory_space<semaphore_mem>>) src(%arg5 : memref<16x768xf32, #tpu.memory_space<vmem>>) dst(%dma_wait3A_748 : memref<16x768xf32, #tpu.memory_space<hbm>>)
    %dma_wait3A_749 = arith.constant 0 : i32
    %dma_wait3A_750 = tpu.memref_slice %arg4[%add3A_642, %dma_wait3A_749] : memref<16384x768xf32, #tpu.memory_space<hbm>> -> memref<16x768xf32, #tpu.memory_space<hbm>>
    %dma_wait3A_751 = arith.constant 0 : i32
    %dma_wait3A_752 = tpu.memref_slice %arg4[%add3A_642, %dma_wait3A_751] : memref<16384x768xf32, #tpu.memory_space<hbm>> -> memref<16x768xf32, #tpu.memory_space<hbm>>
    tpu.wait_dma2 semaphore(%arg18 : memref<!tpu.dma_semaphore, #tpu.memory_space<semaphore_mem>>) src(%arg6 : memref<16x768xf32, #tpu.memory_space<vmem>>) dst(%dma_wait3A_752 : memref<16x768xf32, #tpu.memory_space<hbm>>)
    %dma_wait3A_753 = arith.constant 0 : i32
    %dma_wait3A_754 = tpu.memref_slice %arg4[%add3A_682, %dma_wait3A_753] : memref<16384x768xf32, #tpu.memory_space<hbm>> -> memref<16x768xf32, #tpu.memory_space<hbm>>
    %dma_wait3A_755 = arith.constant 0 : i32
    %dma_wait3A_756 = tpu.memref_slice %arg4[%add3A_682, %dma_wait3A_755] : memref<16384x768xf32, #tpu.memory_space<hbm>> -> memref<16x768xf32, #tpu.memory_space<hbm>>
    tpu.wait_dma2 semaphore(%arg19 : memref<!tpu.dma_semaphore, #tpu.memory_space<semaphore_mem>>) src(%arg7 : memref<16x768xf32, #tpu.memory_space<vmem>>) dst(%dma_wait3A_756 : memref<16x768xf32, #tpu.memory_space<hbm>>)
    %dma_wait3A_757 = arith.constant 0 : i32
    %dma_wait3A_758 = tpu.memref_slice %arg4[%add3A_688, %dma_wait3A_757] : memref<16384x768xf32, #tpu.memory_space<hbm>> -> memref<16x768xf32, #tpu.memory_space<hbm>>
    %dma_wait3A_759 = arith.constant 0 : i32
    %dma_wait3A_760 = tpu.memref_slice %arg4[%add3A_688, %dma_wait3A_759] : memref<16384x768xf32, #tpu.memory_space<hbm>> -> memref<16x768xf32, #tpu.memory_space<hbm>>
    tpu.wait_dma2 semaphore(%arg19 : memref<!tpu.dma_semaphore, #tpu.memory_space<semaphore_mem>>) src(%arg8 : memref<16x768xf32, #tpu.memory_space<vmem>>) dst(%dma_wait3A_760 : memref<16x768xf32, #tpu.memory_space<hbm>>)
    %dma_wait3A_761 = arith.constant 0 : i32
    %dma_wait3A_762 = tpu.memref_slice %arg4[%add3A_708, %dma_wait3A_761] : memref<16384x768xf32, #tpu.memory_space<hbm>> -> memref<16x768xf32, #tpu.memory_space<hbm>>
    %dma_wait3A_763 = arith.constant 0 : i32
    %dma_wait3A_764 = tpu.memref_slice %arg4[%add3A_708, %dma_wait3A_763] : memref<16384x768xf32, #tpu.memory_space<hbm>> -> memref<16x768xf32, #tpu.memory_space<hbm>>
    tpu.wait_dma2 semaphore(%arg20 : memref<!tpu.dma_semaphore, #tpu.memory_space<semaphore_mem>>) src(%arg9 : memref<16x768xf32, #tpu.memory_space<vmem>>) dst(%dma_wait3A_764 : memref<16x768xf32, #tpu.memory_space<hbm>>)
    %dma_wait3A_765 = arith.constant 0 : i32
    %dma_wait3A_766 = tpu.memref_slice %arg4[%add3A_714, %dma_wait3A_765] : memref<16384x768xf32, #tpu.memory_space<hbm>> -> memref<16x768xf32, #tpu.memory_space<hbm>>
    %dma_wait3A_767 = arith.constant 0 : i32
    %dma_wait3A_768 = tpu.memref_slice %arg4[%add3A_714, %dma_wait3A_767] : memref<16384x768xf32, #tpu.memory_space<hbm>> -> memref<16x768xf32, #tpu.memory_space<hbm>>
    tpu.wait_dma2 semaphore(%arg20 : memref<!tpu.dma_semaphore, #tpu.memory_space<semaphore_mem>>) src(%arg10 : memref<16x768xf32, #tpu.memory_space<vmem>>) dst(%dma_wait3A_768 : memref<16x768xf32, #tpu.memory_space<hbm>>)
    %dma_wait3A_769 = arith.constant 0 : i32
    %dma_wait3A_770 = tpu.memref_slice %arg4[%add3A_734, %dma_wait3A_769] : memref<16384x768xf32, #tpu.memory_space<hbm>> -> memref<16x768xf32, #tpu.memory_space<hbm>>
    %dma_wait3A_771 = arith.constant 0 : i32
    %dma_wait3A_772 = tpu.memref_slice %arg4[%add3A_734, %dma_wait3A_771] : memref<16384x768xf32, #tpu.memory_space<hbm>> -> memref<16x768xf32, #tpu.memory_space<hbm>>
    tpu.wait_dma2 semaphore(%arg21 : memref<!tpu.dma_semaphore, #tpu.memory_space<semaphore_mem>>) src(%arg11 : memref<16x768xf32, #tpu.memory_space<vmem>>) dst(%dma_wait3A_772 : memref<16x768xf32, #tpu.memory_space<hbm>>)
    %dma_wait3A_773 = arith.constant 0 : i32
    %dma_wait3A_774 = tpu.memref_slice %arg4[%add3A_740, %dma_wait3A_773] : memref<16384x768xf32, #tpu.memory_space<hbm>> -> memref<16x768xf32, #tpu.memory_space<hbm>>
    %dma_wait3A_775 = arith.constant 0 : i32
    %dma_wait3A_776 = tpu.memref_slice %arg4[%add3A_740, %dma_wait3A_775] : memref<16384x768xf32, #tpu.memory_space<hbm>> -> memref<16x768xf32, #tpu.memory_space<hbm>>
    tpu.wait_dma2 semaphore(%arg21 : memref<!tpu.dma_semaphore, #tpu.memory_space<semaphore_mem>>) src(%arg12 : memref<16x768xf32, #tpu.memory_space<vmem>>) dst(%dma_wait3A_776 : memref<16x768xf32, #tpu.memory_space<hbm>>)
    return
  }
}

</mosaic_0001>

<sc_bundles>
// kernel: kernel.3.cloned.1.call-start
scs
__scs_entry_jumppad:
0x0: {  	(pc) =	sbr.rel $0x88, $3  }
0x1: {  	(tag) =	ssettag $0x0;
	lr =	simm.s32 $0x1  }
0x2: {  	[smem:$0x3FA0] =	sst lr;
	_ =	strace $0xD0000000  }
0x3: {  	_ = 	snop  }
0x4: {  	_ = 	snop  }
0x5: {  	_ = 	snop  }
0x6: {  	_ = 	snop  }
0x7: {  	_ = 	snop  }
__scs_overlays_trampoline_lowered:
0x8: {  	[smem:$0x3FAF] =	sst s0  }
0x9: {  	[smem:$0x3FB0] =	sst s1  }
0xa: {  	[smem:$0x3FB1] =	sst s2  }
0xb: {  	[smem:$0x3FB2] =	sst s3  }
0xc: {  	[smem:$0x3FB3] =	sst s4  }
0xd: {  	[smem:$0x3FB4] =	sst s5  }
0xe: {  	[smem:$0x3FB5] =	sst s6  }
0xf: {  	[smem:$0x3FB6] =	sst s7  }
0x10: {  	[smem:$0x3FB7] =	sst s8  }
0x11: {  	[smem:$0x3FB8] =	sst s9;
	s0 =	simm.s32 @!p0 $0x0  }
0x12: {  	s1 =	sld [smem:$0x3F9E];
	s0 =	simm.s32 @p0 $0x1  }
0x13: {  	[smem:$0x3FB9] =	sst s0;
	s0 =	simm.s32 @!p1 $0x0  }
0x14: {  	s2 =	sld [smem:$0x3F9D];
	s0 =	simm.s32 @p1 $0x1  }
0x15: {  	[smem:$0x3FBA] =	sst s0;
	s0 =	simm.s32 @!p2 $0x0  }
0x16: {  	s3 =	sld [smem:$0x3FDB];
	s0 =	simm.s32 @p2 $0x1  }
0x17: {  	s4 =	simm.s32 $0x1BF5;
	[smem:$0x3FBC] =	sst s0  }
0x18: {  	s0 =	sld [smem:$0x3F9F];
	_ =	swait.ge [sflag:s4], $0x0  }
0x19: {  	s7 =	sld [smem:$0x3FA0]  }
0x1a: {  	s8 =	sadd.s32 $0xFFFFE003, lr  }
0x1b: {  	s9 =	sadd.s32 $0xFFFFFEF7, lr;
	s5 =	simm.s32 $0xFFFFFFFF;
	p2 =	slt.u32 s8, $0xFFFFF086  }
0x1c: {  	p1 =	slt.u32 s9, $0xF7A;
	s5 =	simm.s32 @!p2 $0x0  }
0x1d: {  	s5 =	simm.s32 @p1 $0x1;
	p0 =	seq.s32 s7, s2  }
0x1e: {  	s7 =	smul.u32 @!p0 $0xF7A, s2;
	p2 =	seq.s32 @!p0 s5, $0x0  }
0x1f: {  	s9 =	smul.u32 $0xF7A, s1;
	s8 =	simm.s32 @!p0 $0x1BF5;
	p2 =	por !p2, p0  }
0x20: {  	[sflag:s8] =	ssyncset.s32 @!p0 $0xFFFFF086;
	s6 =	sadd.s32 @!p0 s3, s7;
	s7 =	simm.s32 @!p0 $0x108  }
0x21: {  	s3 =	sadd.s32 s3, s9;
	s6 =	sadd.s32 @!p0 $0x88, s6;
	s7 =	simm.s32 @p2 $0x1082  }
0x22: {  	[simem:s7], [sflag:s8] =	dma.local @!p0 [hbm:s6], $0xF7A  }
0x23: {  	s9 =	sor.u32 $0xD0000000, s2;
	s6 =	simm.s32 $0x108;
	_ =	swait.ge @!p0 [sflag:s8], $0x0  }
0x24: {  	s3 =	sadd.s32 $0x88, s3;
	s6 =	simm.s32 @!p1 $0x1082;
	[sflag:s4] =	ssyncset.s32 $0xFFFFF086  }
0x25: {  	[simem:s6], [sflag:s4] =	dma.local [hbm:s3], $0xF7A  }
0x26: {  	[smem:$0x3FA0] =	sst s1;
	(tag) =	ssettag s2;
	_ =	strace s9  }
0x27: {  	s1 =	sld [smem:$0x3FB0]  }
0x28: {  	s2 =	sld [smem:$0x3FB1]  }
0x29: {  	s4 =	sld [smem:$0x3FB3]  }
0x2a: {  	p0 =	seq.s32 s5, $0x0;
	s5 =	sld [smem:$0x3FB4]  }
0x2b: {  	s6 =	sld [smem:$0x3FB5]  }
0x2c: {  	s7 =	sld [smem:$0x3FB6]  }
0x2d: {  	s3 =	simm.s32 $0x108;
	s8 =	sld [smem:$0x3FB7]  }
0x2e: {  	s3 =	simm.s32 @!p0 $0x1082;
	s9 =	sld [smem:$0x3FB8]  }
0x2f: {  	lr =	sadd.s32 s0, s3;
	s0 =	sld [smem:$0x3FAF]  }
0x30: {  	s3 =	sld [smem:$0x3FB2]  }
0x31: {  	[smem:$0x3FBB] =	sst s10  }
0x32: {  	s10 =	sld [smem:$0x3FB9];
	_ =	sdelay $0x3  }
0x33: {  	p0 =	seq.s32 s10, $0x1;
	s10 =	sld [smem:$0x3FBB];
	_ =	sdelay $0x3  }
0x34: {  	[smem:$0x3FBB] =	sst s10  }
0x35: {  	s10 =	sld [smem:$0x3FBA];
	_ =	sdelay $0x3  }
0x36: {  	p1 =	seq.s32 s10, $0x1;
	s10 =	sld [smem:$0x3FBB];
	_ =	sdelay $0x3  }
0x37: {  	[smem:$0x3FBB] =	sst s10  }
0x38: {  	s10 =	sld [smem:$0x3FBC]  }
0x39: {  	_ = 	snop;
	(pc) =	sbr.ind lr, $3  }
0x3a: {  	_ = 	snop  }
0x3b: {  	_ = 	snop  }
0x3c: {  	p2 =	seq.s32 s10, $0x1;
	s10 =	sld [smem:$0x3FBB]  }
0x3d: {  	_ =	shalt  }
0x3e: {  	_ =	shalt  }
0x3f: {  	_ =	shalt  }
0x40: {  	_ =	shalt  }
0x41: {  	_ =	shalt  }
0x42: {  	_ =	shalt  }
0x43: {  	_ =	shalt  }
0x44: {  	_ =	shalt  }
0x45: {  	_ =	shalt  }
0x46: {  	_ =	shalt  }
0x47: {  	_ =	shalt  }
0x48: {  	_ =	shalt  }
0x49: {  	_ =	shalt  }
0x4a: {  	_ =	shalt  }
0x4b: {  	_ =	shalt  }
0x4c: {  	_ =	shalt  }
0x4d: {  	_ =	shalt  }
0x4e: {  	_ =	shalt  }
0x4f: {  	_ =	shalt  }
0x50: {  	_ =	shalt  }
0x51: {  	_ =	shalt  }
0x52: {  	_ =	shalt  }
0x53: {  	_ =	shalt  }
0x54: {  	_ =	shalt  }
0x55: {  	_ =	shalt  }
0x56: {  	_ =	shalt  }
0x57: {  	_ =	shalt  }
0x58: {  	_ =	shalt  }
0x59: {  	_ =	shalt  }
0x5a: {  	_ =	shalt  }
0x5b: {  	_ =	shalt  }
0x5c: {  	_ =	shalt  }
0x5d: {  	_ =	shalt  }
0x5e: {  	_ =	shalt  }
0x5f: {  	_ =	shalt  }
0x60: {  	_ =	shalt  }
0x61: {  	_ =	shalt  }
0x62: {  	_ =	shalt  }
0x63: {  	_ =	shalt  }
0x64: {  	_ =	shalt  }
0x65: {  	_ =	shalt  }
0x66: {  	_ =	shalt  }
0x67: {  	_ =	shalt  }
0x68: {  	_ =	shalt  }
0x69: {  	_ =	shalt  }
0x6a: {  	_ =	shalt  }
0x6b: {  	_ =	shalt  }
0x6c: {  	_ =	shalt  }
0x6d: {  	_ =	shalt  }
0x6e: {  	_ =	shalt  }
0x6f: {  	_ =	shalt  }
0x70: {  	_ =	shalt  }
0x71: {  	_ =	shalt  }
0x72: {  	_ =	shalt  }
0x73: {  	_ =	shalt  }
0x74: {  	_ =	shalt  }
0x75: {  	_ =	shalt  }
0x76: {  	_ =	shalt  }
0x77: {  	_ =	shalt  }
0x78: {  	_ =	shalt  }
0x79: {  	_ =	shalt  }
0x7a: {  	_ =	shalt  }
0x7b: {  	_ =	shalt  }
0x7c: {  	_ =	shalt  }
0x7d: {  	_ =	shalt  }
0x7e: {  	_ =	shalt  }
0x7f: {  	_ =	shalt  }
0x80: {  	_ =	shalt  }
0x81: {  	_ =	shalt  }
0x82: {  	_ =	shalt  }
0x83: {  	_ =	shalt  }
0x84: {  	_ =	shalt  }
0x85: {  	_ =	shalt  }
0x86: {  	_ =	shalt  }
0x87: {  	_ =	shalt  }
.Lfunc_end0:
.L_simem_size_0:
called_computation_lowered:
.L_overlay_start_0:
0x88: {  	s2 =	sld [smem:$0x3FD9]  }
0x89: {  	s3 =	sld [smem:$0x3FFE];
	_ =	sdelay $0x1  }
0x8a: {  	s1 =	srdreg.scid  }
0x8b: {  	s0 =	sand.u32 $0x1, s1  }
0x8c: {  	s17 =	sshll.u32 s0, $0xA;
	s2 =	sadd.s32 s3, s2  }
0x8d: {  	s2 =	sadd.s32 s2, s17  }
0x8e: {  	[smem:$0x3FC7] =	sst s2  }
0x8f: {  	_ = 	snop  }
0x90: {  	s2 =	sld [smem:$0x3FC9]  }
0x91: {  	s18 =	sld [smem:$0x3FD0];
	(tm) =	ssettm $0x1  }
0x92: {  	s4 =	sld [smem:$0x3FFB];
	_ =	sdelay $0x3  }
0x93: {  	_ =	strace s4  }
0x94: {  	s4 =	sld [smem:$0x3FFC];
	_ =	sdelay $0x3  }
0x95: {  	_ =	strace s4  }
0x96: {  	s4 =	sld [smem:$0x3FFD];
	_ =	sdelay $0x3  }
0x97: {  	_ =	strace s4  }
0x98: {  	_ =	strace $0x8FFFFFFF  }
0x99: {  	s19 =	sld [smem:$0x3FDB];
	_ =	sdelay $0x1  }
0x9a: {  	s5 =	simm.s32 $_scs_section_size  }
0x9b: {  	s6 =	simm.s32 $_size__tile_overlayer_lowered;
	s7 =	simm.s32 $_tile_overlayer_lowered  }
0x9c: {  	s22 =	simm.s32 $0x1BFF;
	s21 =	sshll.u32 s7, $0x1;
	s4 =	sadd.s32 s5, s19  }
0x9d: {  	s8 =	simm.s32 $0x0;
	s20 =	sshll.u32 s6, $0x1;
	s6 =	sadd.s32 s21, s4  }
0x9e: {  	[timem:s8], [sflag:s22] =	dma.local [hbm:s6], s20  }
0x9f: {  	_ =	swait.ge [sflag:s22], s20  }
0xa0: {  	s5 =	ssub.s32 $0x0, s20;
	[sflag:s22] =	ssyncset.done $0x0  }
0xa1: {  	[sflag:s22] =	ssyncadd.s32 s5;
	_ =	sdelay $0x1  }
0xa2: {  	s23 =	simm.s32 $0x1B8B  }
0xa3: {  	_ =	swait.ge [sflag:s23], $0x1  }
0xa4: {  	[sflag:s23] =	ssyncset.done $0x0  }
0xa5: {  	s25 =	simm.s32 $0x1B8E;
	s24 =	sld [smem:$0x3FFE];
	[sflag:s23] =	ssyncadd.s32 $0xFFFFFFFF  }
0xa6: {  	s26 =	simm.s32 $execute0_lowered;
	[smem:$0x3FD2] =	sst s25  }
0xa7: {  	s6 =	sshll.u32 s26, $0x1;
	_ =	strace $0x80000046;
	[dreg:$0x1] =	wrdreg $0xFFFFFFFF  }
0xa8: {  	s28 =	simm.s32 $_size_execute0_lowered;
	s4 =	sadd.s32 s4, s6;
	[dreg:$0x0] =	wrdreg $0x0  }
0xa9: {  	s6 =	sshll.u32 s28, $0x1;
	[dreg:$0x2] =	wrdreg s4  }
0xaa: {  	[dreg:$0x3] =	wrdreg s6  }
0xab: {  	[dreg:$0x4] =	wrdreg $0xC0  }
0xac: {  	_ =	task [dreg:s8], $0x5FFFF  }
0xad: {  	[dreg:$0x1] =	wrdreg $0xFFFFFFFF  }
0xae: {  	[dreg:$0x0] =	wrdreg $0x60  }
0xaf: {  	[dreg:$0x2] =	wrdreg s2  }
0xb0: {  	[dreg:$0x3] =	wrdreg s24  }
0xb1: {  	[dreg:$0x4] =	wrdreg s18  }
0xb2: {  	[dreg:$0x5] =	wrdreg $0x9  }
0xb3: {  	_ =	task.clear_ibuf [dreg:s8], $0x6FFFF;
	_ =	strace $0x90000046  }
0xb4: {  	s29 =	simm.s32 $0x9;
	_ =	strace $0x80000048  }
0xb5: {  	_ =	swait.ge [sflag:s29], $0x1  }
0xb6: {  	[sflag:s29] =	ssyncadd.s32 $0xFFFFFFFF  }
0xb7: {  	_ =	strace $0x90000048  }
0xb8: {  	_ =	sfence  }
0xb9: {  	s30 =	sld [smem:$0x0];
	_ =	sdelay $0x2  }
0xba: {  	s31 =	sshll.u32 s1, $0xD;
	s1 =	sshrl.u32 s1, $0x2  }
0xbb: {  	s3 =	sand.u32 $0x4000, s31;
	s1 =	sadd.s32 s1, s30  }
0xbc: {  	s0 =	sor.u32 s3, s0;
	s1 =	sshll.u32 s1, $0x11  }
0xbd: {  	s0 =	sor.u32 s1, s0  }
0xbe: {  	s0 =	sadd.s32 $0x8F2B, s0  }
0xbf: {  	[sflag:s0] =	ssyncadd.remote.s32 $0x1  }
0xc0: {  	_ =	sfence.sel $0xFFFF  }
0xc1: {  	[dreg:$0x0] =	wrdreg $0xFFFFFFFF;
	(pc) =	sbr.abs _section_cstart, $3  }
0xc2: {  	[dreg:$0x1] =	wrdreg $0xFFFFFFFF  }
0xc3: {  	_ =	task.clear_ibuf [dreg:s8], $0x2FFFF;
	_ =	strace $0x9FFFFFFF  }
0xc4: {  	(tm) =	ssettm $0x7FFFFFFF  }
0xc5: {  	_ =	shalt  }
tec
execute0_lowered:
.L_overlay_start_1:
0x0: {  	(tag) =	ssettag $0x1  }
0x1: {  	s3 =	stileid.u32  }
0x2: {  	s0 =	srdreg.scid;
	s1 =	sshll.u32 s3, $0x1  }
0x3: {  	s2 =	sand.u32 $0x1, s0;
	s14 =	sand.u32 $0x2, s1  }
0x4: {  	s15 =	sshrl.u32 s3, $0x1;
	s16 =	sor.u32 s2, s14  }
0x5: {  	s4 =	sshll.u32 s15, $0x8;
	s3 =	sshll.u32 s16, $0x5  }
0x6: {  	s6 =	rddreg [dreg:$0x1];
	s3 =	sor.u32 s4, s3  }
0x7: {  	s5 =	rddreg [dreg:$0x2];
	s8 =	ssub.s32 $0x2, s2;
	s2 =	smul.u32 $0x300, s3  }
0x8: {  	s0 =	rddreg [dreg:$0x0];
	s1 =	simm.s32 $0x0  }
0x9: {  	[smem:$0x7FF] =	sst s1;
	s18 =	sadd.s32 $0x18000, s2  }
0xa: {  	s4 =	smul.u32 $0x1800, s3;
	s21 =	sadd.s32 $0x18600, s2;
	s9 =	sadd.s32 s0, s18  }
0xb: {  	s11 =	sadd.s32 $0x18C00, s2;
	s10 =	sadd.s32 s0, s21;
	[dreg:$0x4] =	wrdreg s9  }
0xc: {  	s3 =	sshrl.u32 s4, $0x3;
	s23 =	sadd.s32 s0, s11;
	[dreg:$0x6] =	wrdreg s10  }
0xd: {  	s26 =	sadd.s32 $0x19200, s2;
	s4 =	sadd.s32 s5, s18;
	[dreg:$0x8] =	wrdreg s23  }
0xe: {  	s30 =	sadd.s32 $0x19800, s2;
	s13 =	sadd.s32 s0, s26;
	[dreg:$0x9] =	wrdreg s4  }
0xf: {  	s7 =	smul.u32 $0x180, s15;
	s31 =	sadd.s32 s0, s30;
	[dreg:$0xb] =	wrdreg s13  }
0x10: {  	s17 =	sshrl.u32 s8, $0x1;
	s11 =	sadd.s32 s5, s11;
	[dreg:$0xf] =	wrdreg s31  }
0x11: {  	s19 =	sor.u32 $0x600, s3;
	s15 =	sadd.s32 s5, s30;
	[dreg:$0x11] =	wrdreg s11  }
0x12: {  	s22 =	sor.u32 $0xC00, s3;
	s20 =	sadd.s32 s0, s19;
	[dreg:$0x15] =	wrdreg s15  }
0x13: {  	s24 =	sor.u32 $0x1200, s3;
	s12 =	sadd.s32 s0, s22;
	[dreg:$0x5] =	wrdreg s20  }
0x14: {  	s6 =	sadd.s32 s7, s6;
	s25 =	sadd.s32 s0, s24;
	[dreg:$0x7] =	wrdreg s12  }
0x15: {  	s7 =	ssub.s32 s8, s17;
	s8 =	sadd.s32 s5, s19;
	[dreg:$0xa] =	wrdreg s25  }
0x16: {  	s28 =	sor.u32 $0x1800, s3;
	s9 =	sadd.s32 s5, s21;
	[dreg:$0xc] =	wrdreg s8  }
0x17: {  	s29 =	sadd.s32 s0, s28;
	[dreg:$0xd] =	wrdreg s9  }
0x18: {  	s10 =	sadd.s32 s5, s22;
	[dreg:$0xe] =	wrdreg s29  }
0x19: {  	s13 =	sadd.s32 s5, s24;
	[dreg:$0x10] =	wrdreg s10  }
0x1a: {  	s4 =	sadd.s32 s5, s26;
	[dreg:$0x12] =	wrdreg s13  }
0x1b: {  	s16 =	sor.u32 $0x1E00, s3;
	s14 =	sadd.s32 s5, s28;
	[dreg:$0x13] =	wrdreg s4  }
0x1c: {  	s17 =	sadd.s32 $0x19E00, s2;
	s18 =	sadd.s32 s0, s16;
	[dreg:$0x14] =	wrdreg s14  }
0x1d: {  	s19 =	sadd.s32 s0, s17;
	[dreg:$0x16] =	wrdreg s18  }
0x1e: {  	s4 =	sadd.s32 s5, s16;
	[dreg:$0x18] =	wrdreg s19  }
0x1f: {  	s21 =	sadd.s32 $0x2400, s3;
	s20 =	sadd.s32 s5, s17;
	[dreg:$0x17] =	wrdreg s4  }
0x20: {  	s22 =	sadd.s32 $0x1A400, s2;
	s23 =	sadd.s32 s0, s21;
	[dreg:$0x19] =	wrdreg s20  }
0x21: {  	s24 =	sadd.s32 s0, s22;
	[dreg:$0x1a] =	wrdreg s23  }
0x22: {  	s26 =	sadd.s32 $0x2A00, s3;
	s25 =	sadd.s32 s5, s22;
	[dreg:$0x1c] =	wrdreg s24  }
0x23: {  	s28 =	sadd.s32 $0x1AA00, s2;
	s29 =	sadd.s32 s0, s26;
	[dreg:$0x1d] =	wrdreg s25  }
0x24: {  	s30 =	sadd.s32 s0, s28;
	[dreg:$0x1e] =	wrdreg s29  }
0x25: {  	s15 =	sadd.s32 $0x1B600, s2;
	s31 =	sadd.s32 s5, s28;
	[smem:$0x7DB] =	sst s30  }
0x26: {  	s17 =	sadd.s32 s0, s15;
	[smem:$0x7DC] =	sst s31  }
0x27: {  	s18 =	sadd.s32 s5, s15;
	[smem:$0x7E3] =	sst s17  }
0x28: {  	s8 =	sadd.s32 $0x3000, s3;
	s4 =	sadd.s32 s5, s21;
	[smem:$0x7E4] =	sst s18  }
0x29: {  	s10 =	sadd.s32 $0x1B000, s2;
	s11 =	sadd.s32 s0, s8;
	[dreg:$0x1b] =	wrdreg s4  }
0x2a: {  	s12 =	sadd.s32 s0, s10;
	[smem:$0x7DD] =	sst s11  }
0x2b: {  	s14 =	sadd.s32 $0x3600, s3;
	s13 =	sadd.s32 s5, s10;
	[smem:$0x7DF] =	sst s12  }
0x2c: {  	s19 =	sadd.s32 $0x3C00, s3;
	s16 =	sadd.s32 s0, s14;
	[smem:$0x7E0] =	sst s13  }
0x2d: {  	s21 =	sadd.s32 s0, s19;
	[smem:$0x7E1] =	sst s16  }
0x2e: {  	s17 =	sadd.s32 s5, s2;
	[smem:$0x7E5] =	sst s21  }
0x2f: {  	s20 =	sadd.s32 $0x1BC00, s2;
	s4 =	sadd.s32 s5, s26;
	[smem:$0x7F2] =	sst s17  }
0x30: {  	s6 =	sadd.s32 $0x400, s6;
	s22 =	sadd.s32 s0, s20;
	[dreg:$0x1f] =	wrdreg s4  }
0x31: {  	s24 =	sadd.s32 $0x4200, s3;
	s23 =	sadd.s32 s5, s20;
	[smem:$0x7E7] =	sst s22  }
0x32: {  	s25 =	sadd.s32 $0x1C200, s2;
	s26 =	sadd.s32 s0, s24;
	[smem:$0x7E8] =	sst s23  }
0x33: {  	s7 =	smax.u32 s7, $0x1;
	s28 =	sadd.s32 s0, s25;
	[smem:$0x7E9] =	sst s26  }
0x34: {  	s30 =	sadd.s32 $0x4800, s3;
	s29 =	sadd.s32 s5, s25;
	[smem:$0x7EB] =	sst s28  }
0x35: {  	s31 =	sadd.s32 $0x1C800, s2;
	s10 =	sadd.s32 s0, s30;
	[smem:$0x7EC] =	sst s29  }
0x36: {  	s15 =	sadd.s32 $0x5A00, s3;
	s11 =	sadd.s32 s0, s31;
	[smem:$0x7ED] =	sst s10  }
0x37: {  	s9 =	simm.s32 $0x6000;
	s12 =	sadd.s32 s5, s31;
	[smem:$0x7EF] =	sst s11  }
0x38: {  	s18 =	sadd.s32 $0x1CE00, s2;
	s16 =	sadd.s32 s0, s2;
	[smem:$0x7F0] =	sst s12  }
0x39: {  	s13 =	sadd.s32 $0x4E00, s3;
	s25 =	sadd.s32 s0, s15;
	[smem:$0x7F1] =	sst s16  }
0x3a: {  	s20 =	sadd.s32 $0x1DA00, s2;
	s31 =	sadd.s32 s5, s15;
	[smem:$0x7F7] =	sst s25  }
0x3b: {  	s15 =	simm.s32 $0x12000;
	s4 =	sadd.s32 s5, s8;
	[smem:$0x7FD] =	sst s31  }
0x3c: {  	s17 =	simm.s32 $0x2;
	s21 =	sadd.s32 s0, s13;
	[smem:$0x7DE] =	sst s4  }
0x3d: {  	s22 =	sadd.s32 s0, s18;
	s26 =	sadd.s32 s5, s13;
	[smem:$0x7F3] =	sst s21  }
0x3e: {  	s28 =	sadd.s32 s5, s18;
	s8 =	simm.s32 $0x3000;
	[smem:$0x7F4] =	sst s22  }
0x3f: {  	s10 =	simm.s32 $0x9000;
	s11 =	simm.s32 $0xC000;
	[smem:$0x7F9] =	sst s26  }
0x40: {  	s12 =	simm.s32 $0xF000;
	s4 =	sadd.s32 s5, s14;
	[smem:$0x7FA] =	sst s28  }
0x41: {  	s14 =	sadd.s32 $0x5400, s3;
	[smem:$0x7E2] =	sst s4;
	s4 =	sadd.s32 s5, s19  }
0x42: {  	s13 =	simm.s32 $0x4;
	s23 =	sadd.s32 s0, s14;
	[smem:$0x7E6] =	sst s4  }
0x43: {  	s16 =	simm.s32 $0x15000;
	s29 =	sadd.s32 s5, s14;
	[smem:$0x7F5] =	sst s23  }
0x44: {  	s19 =	sadd.s32 $0x1D400, s2;
	s4 =	sadd.s32 s5, s24;
	[smem:$0x7FB] =	sst s29  }
0x45: {  	s18 =	simm.s32 $0x5;
	s24 =	sadd.s32 s0, s19;
	[smem:$0x7EA] =	sst s4  }
0x46: {  	s21 =	simm.s32 $0x7;
	s0 =	sadd.s32 s0, s20;
	[smem:$0x7F6] =	sst s24  }
0x47: {  	s22 =	simm.s32 $0x8;
	s4 =	sadd.s32 s5, s30;
	[smem:$0x7F8] =	sst s0  }
0x48: {  	s14 =	simm.s32 $0x1;
	s30 =	sadd.s32 s5, s19;
	[smem:$0x7EE] =	sst s4  }
0x49: {  	s23 =	simm.s32 $0x0;
	s5 =	sadd.s32 s5, s20;
	[smem:$0x7FC] =	sst s30  }
0x4a: {  	s19 =	simm.s32 $0x3;
	s20 =	simm.s32 $0x6;
	_ =	strace $0x80000047  }
.LBB2_1:
0x4b: {  	s0 =	simm.s32 $0x18000;
	s25 =	sld [smem:$0x7F1]  }
0x4c: {  	[tilespmem:s0], [sflag:$0x4] =	stream.linear.gather [hbm4b:s6+s1], $0xC00, $0x38;
	[tilespmem:$0x18C00] =	vst v63  }
0x4d: {  	_ = 	snop  }
0x4e: {  	[tilespmem:s1], [sflag:$0x1] =	stream.linear.gather [hbm4b:s25+s1], $0x3000, $0x38;
	[tilespmem:$0x18C00] =	vst v63  }
0x4f: {  	s26 =	rddreg [dreg:$0x4]  }
0x50: {  	[tilespmem:s8], [sflag:$0x1] =	stream.linear.gather [hbm4b:s26+s1], $0x3000, $0x38;
	[tilespmem:$0x18C00] =	vst v63  }
0x51: {  	s28 =	rddreg [dreg:$0x5]  }
0x52: {  	[tilespmem:s9], [sflag:$0x2] =	stream.linear.gather [hbm4b:s28+s1], $0x3000, $0x38;
	[tilespmem:$0x18C00] =	vst v63  }
0x53: {  	s29 =	rddreg [dreg:$0x6]  }
0x54: {  	[tilespmem:s10], [sflag:$0x2] =	stream.linear.gather [hbm4b:s29+s1], $0x3000, $0x38;
	[tilespmem:$0x18C00] =	vst v63  }
0x55: {  	s30 =	rddreg [dreg:$0x7]  }
0x56: {  	[tilespmem:s11], [sflag:$0x3] =	stream.linear.gather [hbm4b:s30+s1], $0x3000, $0x38;
	[tilespmem:$0x18C00] =	vst v63  }
0x57: {  	s31 =	rddreg [dreg:$0x8]  }
0x58: {  	[tilespmem:s12], [sflag:$0x3] =	stream.linear.gather [hbm4b:s31+s1], $0x3000, $0x38;
	[tilespmem:$0x18C00] =	vst v63  }
0x59: {  	_ =	swait.ge [sflag:s13], $0xC00  }
0x5a: {  	[sflag:s13] =	ssyncset.done $0x0  }
0x5b: {  	[sflag:s13] =	ssyncadd.s32 $0xFFFFF400  }
0x5c: {  	_ =	swait.ge [sflag:s14], $0x3000  }
0x5d: {  	[sflag:s14] =	ssyncset.done $0x0  }
0x5e: {  	[sflag:s14] =	ssyncadd.s32 $0xFFFFD000  }
0x5f: {  	_ =	swait.ge [sflag:s14], $0x3000  }
0x60: {  	[sflag:s14] =	ssyncset.done $0x0  }
0x61: {  	s24 =	simm.s32 $0x0;
	[sflag:s14] =	ssyncadd.s32 $0xFFFFD000  }
.LBB2_2:
0x62: {  	s28 =	sshll.u32 s24, $0x4;
	s26 =	sshll.u32 s24, $0x6  }
0x63: {  	s25 =	sand.u32 $0x70, s28;
	s26 =	sand.u32 $0x3FFFFE00, s26  }
0x64: {  	s26 =	sor.u32 s25, s26  }
0x65: {  	s29 =	sadd.s32 $0x18000, s26;
	v0 =	vld [tilespmem:s26+$0x18000]  }
0x66: {  	s31 =	sshll.u32 s24, $0x7;
	p0 =	por $0x1, $0x1;
	v1 =	vld [tilespmem:s29+$0x80]  }
0x67: {  	s28 =	sor.u32 $0x380, s28;
	s26 =	sand.u32 $0xFFFFFC00, s31;
	v2 =	vld [tilespmem:s29+$0x100];
	s29 =	simm.s32 $0x0  }
.LBB2_3:
0x68: {  	s30 =	sadd.s32 s26, s29  }
0x69: {  	s29 =	sor.u32 s25, s30  }
0x6a: {  	v3 =	vld [tilespmem:s29+$0x0]  }
0x6b: {  	v5 =	vld [tilespmem:s29+$0x3080]  }
0x6c: {  	v7 =	vld [tilespmem:s29+$0x3100]  }
0x6d: {  	v9 =	vld [tilespmem:s29+$0x3180]  }
0x6e: {  	v11 =	vld [tilespmem:s29+$0x3200]  }
0x6f: {  	v13 =	vld [tilespmem:s29+$0x3280]  }
0x70: {  	s0 =	sor.u32 $0x100, s29;
	v14 =	vld [tilespmem:s29+$0x3000]  }
0x71: {  	s31 =	sor.u32 $0x80, s29;
	v6 =	vld [tilespmem:s0+$0x0]  }
0x72: {  	s2 =	sor.u32 $0x180, s29;
	v4 =	vld [tilespmem:s31+$0x0]  }
0x73: {  	s3 =	sor.u32 $0x200, s29;
	v8 =	vld [tilespmem:s2+$0x0]  }
0x74: {  	s4 =	sor.u32 $0x280, s29;
	v10 =	vld [tilespmem:s3+$0x0];
	v16 =	vmul.f32 v7, v1  }
0x75: {  	v12 =	vld [tilespmem:s4+$0x0];
	v3 =	vmul.f32 v3, v0;
	v50 =	vmul.f32 v14, v1  }
0x76: {  	v54 =	vmul.f32 v14, v2;
	v6 =	vmul.f32 v6, v0  }
0x77: {  	v15 =	vmul.f32 v5, v1;
	v4 =	vmul.f32 v4, v0;
	v3 =	vadd.f32 v50, v3  }
0x78: {  	v44 =	vmul.f32 v9, v1;
	v8 =	vmul.f32 v8, v0;
	[tilespmem:s29+$0x3000] =	vst v54;
	v6 =	vadd.f32 v16, v6  }
0x79: {  	v45 =	vmul.f32 v11, v1;
	v10 =	vmul.f32 v10, v0;
	v4 =	vadd.f32 v15, v4;
	[tilespmem:s29+$0x0] =	vst v3  }
0x7a: {  	v53 =	vld [tilespmem:s29+$0x3300];
	v48 =	vmul.f32 v13, v1;
	v47 =	vmul.f32 v12, v0;
	v46 =	vadd.f32 v44, v8;
	[tilespmem:s0+$0x0] =	vst v6;
	s0 =	sor.u32 $0x300, s29  }
0x7b: {  	v49 =	vadd.f32 v45, v10;
	[tilespmem:s31+$0x0] =	vst v4;
	s31 =	sor.u32 s28, s30;
	v52 =	vld [tilespmem:s0+$0x0]  }
0x7c: {  	v51 =	vadd.f32 v48, v47;
	[tilespmem:s2+$0x0] =	vst v46;
	v55 =	vld [tilespmem:s31+$0x0]  }
0x7d: {  	v3 =	vmul.f32 v5, v2;
	[tilespmem:s3+$0x0] =	vst v49;
	v56 =	vld [tilespmem:s31+$0x3000]  }
0x7e: {  	v57 =	vmul.f32 v7, v2;
	[tilespmem:s4+$0x0] =	vst v51  }
0x7f: {  	v58 =	vmul.f32 v11, v2;
	[tilespmem:s29+$0x3080] =	vst v3;
	v3 =	vmul.f32 v9, v2  }
0x80: {  	v60 =	vmul.f32 v53, v1;
	[tilespmem:s29+$0x3100] =	vst v57;
	v59 =	vmul.f32 v52, v0  }
0x81: {  	[tilespmem:s29+$0x3180] =	vst v3;
	v3 =	vmul.f32 v13, v2  }
0x82: {  	p1 =	por p0, p0;
	[tilespmem:s29+$0x3200] =	vst v58;
	v61 =	vmul.f32 v55, v0;
	v62 =	vmul.f32 v56, v1;
	v4 =	vadd.f32 v60, v59  }
.Ltmp0:
0x83: {  	[tilespmem:s29+$0x3280] =	vst v3;
	v3 =	vmul.f32 v53, v2;
	(pc) =	sbr.rel @p1 .LBB2_3-.Ltmp0, $4  }
0x84: {  	v63 =	vadd.f32 v62, v61;
	[tilespmem:s0+$0x0] =	vst v4  }
0x85: {  	[tilespmem:s29+$0x3300] =	vst v3;
	v3 =	vmul.f32 v56, v2  }
0x86: {  	[tilespmem:s31+$0x0] =	vst v63  }
0x87: {  	p0 =	por $0x0, $0x0;
	s29 =	simm.s32 $0x1800;
	[tilespmem:s31+$0x3000] =	vst v3  }
0x88: {  	s24 =	sadd.s32 $0x1, s24  }
0x89: {  	p0 =	sne.s32 s24, $0x30  }
.Ltmp1:
0x8a: {  	_ = 	snop;
	(pc) =	sbr.rel @p0 .LBB2_2-.Ltmp1, $1  }
0x8b: {  	_ =	sdelay $0x3  }
0x8c: {  	s0 =	sld [smem:$0x7F2];
	_ =	sdelay $0x1  }
0x8d: {  	s24 =	simm.s32 $0x0  }
0x8e: {  	[hbm4b:s0+s24] =	stream.linear.scatter [tilespmem:s24], [sflag:$0x5], $0x3000, $0x38;
	[tilespmem:$0x18C00] =	vst v63  }
0x8f: {  	s29 =	rddreg [dreg:$0x9]  }
0x90: {  	[hbm4b:s29+s24] =	stream.linear.scatter [tilespmem:s8], [sflag:$0x5], $0x3000, $0x38;
	[tilespmem:$0x18C00] =	vst v63  }
0x91: {  	s30 =	rddreg [dreg:$0xa]  }
0x92: {  	[tilespmem:s15], [sflag:$0x4] =	stream.linear.gather [hbm4b:s30+s24], $0x3000, $0x38;
	[tilespmem:$0x18C00] =	vst v63  }
0x93: {  	s31 =	rddreg [dreg:$0xb]  }
0x94: {  	[tilespmem:s16], [sflag:$0x4] =	stream.linear.gather [hbm4b:s31+s24], $0x3000, $0x38;
	[tilespmem:$0x18C00] =	vst v63  }
0x95: {  	_ =	swait.ge [sflag:s17], $0x3000  }
0x96: {  	[sflag:s17] =	ssyncset.done $0x0  }
0x97: {  	[sflag:s17] =	ssyncadd.s32 $0xFFFFD000  }
0x98: {  	_ =	swait.ge [sflag:s17], $0x3000  }
0x99: {  	[sflag:s17] =	ssyncset.done $0x0  }
0x9a: {  	[sflag:s17] =	ssyncadd.s32 $0xFFFFD000  }
.LBB2_6:
0x9b: {  	s0 =	sshll.u32 s24, $0x4;
	s2 =	sshll.u32 s24, $0x6  }
0x9c: {  	s25 =	sand.u32 $0x70, s0;
	s2 =	sand.u32 $0x3FFFFE00, s2  }
0x9d: {  	s2 =	sor.u32 s25, s2  }
0x9e: {  	s3 =	sadd.s32 $0x18000, s2;
	v0 =	vld [tilespmem:s2+$0x18000]  }
0x9f: {  	s31 =	sshll.u32 s24, $0x7;
	p0 =	por $0x1, $0x1;
	v1 =	vld [tilespmem:s3+$0x80]  }
0xa0: {  	s29 =	simm.s32 $0x0;
	s26 =	sand.u32 $0xFFFFFC00, s31;
	s28 =	sor.u32 $0x380, s0;
	v2 =	vld [tilespmem:s3+$0x100]  }
.LBB2_7:
0xa1: {  	s0 =	sadd.s32 s26, s29  }
0xa2: {  	s2 =	sor.u32 s25, s0  }
0xa3: {  	v3 =	vld [tilespmem:s2+$0x6000]  }
0xa4: {  	v4 =	vld [tilespmem:s2+$0x9000]  }
0xa5: {  	v5 =	vld [tilespmem:s2+$0x6080]  }
0xa6: {  	v6 =	vld [tilespmem:s2+$0x9080]  }
0xa7: {  	v7 =	vld [tilespmem:s2+$0x6100]  }
0xa8: {  	v8 =	vld [tilespmem:s2+$0x9100]  }
0xa9: {  	v10 =	vld [tilespmem:s2+$0x6180];
	v3 =	vmul.f32 v3, v0;
	v9 =	vmul.f32 v4, v1  }
0xaa: {  	v11 =	vld [tilespmem:s2+$0x9180];
	v4 =	vmul.f32 v4, v2  }
0xab: {  	v12 =	vld [tilespmem:s2+$0x6200];
	v5 =	vmul.f32 v5, v0;
	v38 =	vmul.f32 v6, v1;
	v3 =	vadd.f32 v9, v3  }
0xac: {  	v13 =	vld [tilespmem:s2+$0x9200];
	v42 =	vmul.f32 v6, v2;
	[tilespmem:s2+$0x9000] =	vst v4  }
0xad: {  	v41 =	vld [tilespmem:s2+$0x6280];
	v39 =	vmul.f32 v7, v0;
	v40 =	vmul.f32 v8, v1;
	[tilespmem:s2+$0x6000] =	vst v3;
	v3 =	vadd.f32 v38, v5  }
0xae: {  	v43 =	vld [tilespmem:s2+$0x9280];
	v47 =	vmul.f32 v8, v2;
	[tilespmem:s2+$0x9080] =	vst v42  }
0xaf: {  	v46 =	vld [tilespmem:s2+$0x6300];
	v44 =	vmul.f32 v10, v0;
	v45 =	vmul.f32 v11, v1;
	[tilespmem:s2+$0x6080] =	vst v3;
	v3 =	vadd.f32 v40, v39  }
0xb0: {  	s0 =	sor.u32 s28, s0;
	v48 =	vld [tilespmem:s2+$0x9300];
	v52 =	vmul.f32 v11, v2;
	[tilespmem:s2+$0x9100] =	vst v47  }
0xb1: {  	v51 =	vld [tilespmem:s0+$0x6000];
	v49 =	vmul.f32 v12, v0;
	v50 =	vmul.f32 v13, v1;
	[tilespmem:s2+$0x6100] =	vst v3;
	v3 =	vadd.f32 v45, v44  }
0xb2: {  	v53 =	vld [tilespmem:s0+$0x9000];
	v56 =	vmul.f32 v13, v2;
	[tilespmem:s2+$0x9180] =	vst v52  }
0xb3: {  	v54 =	vmul.f32 v41, v0;
	v55 =	vmul.f32 v43, v1;
	[tilespmem:s2+$0x6180] =	vst v3;
	v3 =	vadd.f32 v50, v49  }
0xb4: {  	v59 =	vmul.f32 v43, v2;
	[tilespmem:s2+$0x9200] =	vst v56  }
0xb5: {  	v57 =	vmul.f32 v46, v0;
	v58 =	vmul.f32 v48, v1;
	[tilespmem:s2+$0x6200] =	vst v3;
	v3 =	vadd.f32 v55, v54  }
0xb6: {  	p1 =	por p0, p0;
	v62 =	vmul.f32 v48, v2;
	[tilespmem:s2+$0x9280] =	vst v59  }
.Ltmp2:
0xb7: {  	v60 =	vmul.f32 v51, v0;
	v61 =	vmul.f32 v53, v1;
	[tilespmem:s2+$0x6280] =	vst v3;
	v3 =	vadd.f32 v58, v57;
	(pc) =	sbr.rel @p1 .LBB2_7-.Ltmp2, $4  }
0xb8: {  	v63 =	vmul.f32 v53, v2;
	[tilespmem:s2+$0x9300] =	vst v62  }
0xb9: {  	[tilespmem:s2+$0x6300] =	vst v3;
	v3 =	vadd.f32 v61, v60  }
0xba: {  	[tilespmem:s0+$0x9000] =	vst v63  }
0xbb: {  	s29 =	simm.s32 $0x1800;
	p0 =	por $0x0, $0x0;
	[tilespmem:s0+$0x6000] =	vst v3  }
0xbc: {  	s24 =	sadd.s32 $0x1, s24  }
0xbd: {  	p0 =	sne.s32 s24, $0x30  }
.Ltmp3:
0xbe: {  	_ = 	snop;
	(pc) =	sbr.rel @p0 .LBB2_6-.Ltmp3, $1  }
0xbf: {  	_ =	sdelay $0x3  }
0xc0: {  	s24 =	simm.s32 $0x0;
	s0 =	rddreg [dreg:$0xc]  }
0xc1: {  	[hbm4b:s0+s24] =	stream.linear.scatter [tilespmem:s9], [sflag:$0x6], $0x3000, $0x38;
	[tilespmem:$0x18C00] =	vst v63  }
0xc2: {  	s29 =	rddreg [dreg:$0xd]  }
0xc3: {  	[hbm4b:s29+s24] =	stream.linear.scatter [tilespmem:s10], [sflag:$0x6], $0x3000, $0x38;
	[tilespmem:$0x18C00] =	vst v63  }
0xc4: {  	_ =	swait.ge [sflag:s18], $0x3000  }
0xc5: {  	[sflag:s18] =	ssyncset.done $0x0  }
0xc6: {  	[sflag:s18] =	ssyncadd.s32 $0xFFFFD000  }
0xc7: {  	_ =	swait.ge [sflag:s18], $0x3000  }
0xc8: {  	[sflag:s18] =	ssyncset.done $0x0  }
0xc9: {  	s30 =	rddreg [dreg:$0xe];
	[sflag:s18] =	ssyncadd.s32 $0xFFFFD000  }
0xca: {  	[tilespmem:s24], [sflag:$0x1] =	stream.linear.gather [hbm4b:s30+s24], $0x3000, $0x38;
	[tilespmem:$0x18C00] =	vst v63  }
0xcb: {  	s31 =	rddreg [dreg:$0xf]  }
0xcc: {  	[tilespmem:s8], [sflag:$0x1] =	stream.linear.gather [hbm4b:s31+s24], $0x3000, $0x38;
	[tilespmem:$0x18C00] =	vst v63  }
0xcd: {  	_ =	swait.ge [sflag:s19], $0x3000  }
0xce: {  	[sflag:s19] =	ssyncset.done $0x0  }
0xcf: {  	[sflag:s19] =	ssyncadd.s32 $0xFFFFD000  }
0xd0: {  	_ =	swait.ge [sflag:s19], $0x3000  }
0xd1: {  	[sflag:s19] =	ssyncset.done $0x0  }
0xd2: {  	[sflag:s19] =	ssyncadd.s32 $0xFFFFD000  }
.LBB2_10:
0xd3: {  	s0 =	sshll.u32 s24, $0x4;
	s2 =	sshll.u32 s24, $0x6  }
0xd4: {  	s25 =	sand.u32 $0x70, s0;
	s2 =	sand.u32 $0x3FFFFE00, s2  }
0xd5: {  	s2 =	sor.u32 s25, s2  }
0xd6: {  	s3 =	sadd.s32 $0x18000, s2;
	v0 =	vld [tilespmem:s2+$0x18000]  }
0xd7: {  	s31 =	sshll.u32 s24, $0x7;
	p0 =	por $0x1, $0x1;
	v1 =	vld [tilespmem:s3+$0x80]  }
0xd8: {  	s29 =	simm.s32 $0x0;
	s26 =	sand.u32 $0xFFFFFC00, s31;
	s28 =	sor.u32 $0x380, s0;
	v2 =	vld [tilespmem:s3+$0x100]  }
.LBB2_11:
0xd9: {  	s0 =	sadd.s32 s26, s29  }
0xda: {  	s2 =	sor.u32 s25, s0  }
0xdb: {  	v3 =	vld [tilespmem:s2+$0xC000]  }
0xdc: {  	v4 =	vld [tilespmem:s2+$0xF000]  }
0xdd: {  	v5 =	vld [tilespmem:s2+$0xC080]  }
0xde: {  	v6 =	vld [tilespmem:s2+$0xF080]  }
0xdf: {  	v7 =	vld [tilespmem:s2+$0xC100]  }
0xe0: {  	v8 =	vld [tilespmem:s2+$0xF100]  }
0xe1: {  	v10 =	vld [tilespmem:s2+$0xC180];
	v3 =	vmul.f32 v3, v0;
	v9 =	vmul.f32 v4, v1  }
0xe2: {  	v11 =	vld [tilespmem:s2+$0xF180];
	v4 =	vmul.f32 v4, v2  }
0xe3: {  	v12 =	vld [tilespmem:s2+$0xC200];
	v5 =	vmul.f32 v5, v0;
	v38 =	vmul.f32 v6, v1;
	v3 =	vadd.f32 v9, v3  }
0xe4: {  	v13 =	vld [tilespmem:s2+$0xF200];
	v42 =	vmul.f32 v6, v2;
	[tilespmem:s2+$0xF000] =	vst v4  }
0xe5: {  	v41 =	vld [tilespmem:s2+$0xC280];
	v39 =	vmul.f32 v7, v0;
	v40 =	vmul.f32 v8, v1;
	[tilespmem:s2+$0xC000] =	vst v3;
	v3 =	vadd.f32 v38, v5  }
0xe6: {  	v43 =	vld [tilespmem:s2+$0xF280];
	v47 =	vmul.f32 v8, v2;
	[tilespmem:s2+$0xF080] =	vst v42  }
0xe7: {  	v46 =	vld [tilespmem:s2+$0xC300];
	v44 =	vmul.f32 v10, v0;
	v45 =	vmul.f32 v11, v1;
	[tilespmem:s2+$0xC080] =	vst v3;
	v3 =	vadd.f32 v40, v39  }
0xe8: {  	s0 =	sor.u32 s28, s0;
	v48 =	vld [tilespmem:s2+$0xF300];
	v52 =	vmul.f32 v11, v2;
	[tilespmem:s2+$0xF100] =	vst v47  }
0xe9: {  	v51 =	vld [tilespmem:s0+$0xC000];
	v49 =	vmul.f32 v12, v0;
	v50 =	vmul.f32 v13, v1;
	[tilespmem:s2+$0xC100] =	vst v3;
	v3 =	vadd.f32 v45, v44  }
0xea: {  	v53 =	vld [tilespmem:s0+$0xF000];
	v56 =	vmul.f32 v13, v2;
	[tilespmem:s2+$0xF180] =	vst v52  }
0xeb: {  	v54 =	vmul.f32 v41, v0;
	v55 =	vmul.f32 v43, v1;
	[tilespmem:s2+$0xC180] =	vst v3;
	v3 =	vadd.f32 v50, v49  }
0xec: {  	v59 =	vmul.f32 v43, v2;
	[tilespmem:s2+$0xF200] =	vst v56  }
0xed: {  	v57 =	vmul.f32 v46, v0;
	v58 =	vmul.f32 v48, v1;
	[tilespmem:s2+$0xC200] =	vst v3;
	v3 =	vadd.f32 v55, v54  }
0xee: {  	p1 =	por p0, p0;
	v62 =	vmul.f32 v48, v2;
	[tilespmem:s2+$0xF280] =	vst v59  }
.Ltmp4:
0xef: {  	v60 =	vmul.f32 v51, v0;
	v61 =	vmul.f32 v53, v1;
	[tilespmem:s2+$0xC280] =	vst v3;
	v3 =	vadd.f32 v58, v57;
	(pc) =	sbr.rel @p1 .LBB2_11-.Ltmp4, $4  }
0xf0: {  	v63 =	vmul.f32 v53, v2;
	[tilespmem:s2+$0xF300] =	vst v62  }
0xf1: {  	[tilespmem:s2+$0xC300] =	vst v3;
	v3 =	vadd.f32 v61, v60  }
0xf2: {  	[tilespmem:s0+$0xF000] =	vst v63  }
0xf3: {  	s29 =	simm.s32 $0x1800;
	p0 =	por $0x0, $0x0;
	[tilespmem:s0+$0xC000] =	vst v3  }
0xf4: {  	s24 =	sadd.s32 $0x1, s24  }
0xf5: {  	p0 =	sne.s32 s24, $0x30  }
.Ltmp5:
0xf6: {  	_ = 	snop;
	(pc) =	sbr.rel @p0 .LBB2_10-.Ltmp5, $1  }
0xf7: {  	_ =	sdelay $0x3  }
0xf8: {  	s24 =	simm.s32 $0x0;
	s0 =	rddreg [dreg:$0x10]  }
0xf9: {  	[hbm4b:s0+s24] =	stream.linear.scatter [tilespmem:s11], [sflag:$0x7], $0x3000, $0x38;
	[tilespmem:$0x18C00] =	vst v63  }
0xfa: {  	s29 =	rddreg [dreg:$0x11]  }
0xfb: {  	[hbm4b:s29+s24] =	stream.linear.scatter [tilespmem:s12], [sflag:$0x7], $0x3000, $0x38;
	[tilespmem:$0x18C00] =	vst v63  }
0xfc: {  	_ =	swait.ge [sflag:s20], $0x3000  }
0xfd: {  	[sflag:s20] =	ssyncset.done $0x0  }
0xfe: {  	[sflag:s20] =	ssyncadd.s32 $0xFFFFD000  }
0xff: {  	_ =	swait.ge [sflag:s20], $0x3000  }
0x100: {  	[sflag:s20] =	ssyncset.done $0x0  }
0x101: {  	s30 =	rddreg [dreg:$0x16];
	[sflag:s20] =	ssyncadd.s32 $0xFFFFD000  }
0x102: {  	[tilespmem:s9], [sflag:$0x2] =	stream.linear.gather [hbm4b:s30+s24], $0x3000, $0x38;
	[tilespmem:$0x18C00] =	vst v63  }
0x103: {  	s31 =	rddreg [dreg:$0x18]  }
0x104: {  	[tilespmem:s10], [sflag:$0x2] =	stream.linear.gather [hbm4b:s31+s24], $0x3000, $0x38;
	[tilespmem:$0x18C00] =	vst v63  }
0x105: {  	_ =	swait.ge [sflag:s13], $0x3000  }
0x106: {  	[sflag:s13] =	ssyncset.done $0x0  }
0x107: {  	[sflag:s13] =	ssyncadd.s32 $0xFFFFD000  }
0x108: {  	_ =	swait.ge [sflag:s13], $0x3000  }
0x109: {  	[sflag:s13] =	ssyncset.done $0x0  }
0x10a: {  	[sflag:s13] =	ssyncadd.s32 $0xFFFFD000  }
.LBB2_14:
0x10b: {  	s0 =	sshll.u32 s24, $0x4;
	s2 =	sshll.u32 s24, $0x6  }
0x10c: {  	s25 =	sand.u32 $0x70, s0;
	s2 =	sand.u32 $0x3FFFFE00, s2  }
0x10d: {  	s2 =	sor.u32 s25, s2  }
0x10e: {  	s3 =	sadd.s32 $0x18000, s2;
	v0 =	vld [tilespmem:s2+$0x18000]  }
0x10f: {  	s31 =	sshll.u32 s24, $0x7;
	p0 =	por $0x1, $0x1;
	v1 =	vld [tilespmem:s3+$0x80]  }
0x110: {  	s29 =	simm.s32 $0x0;
	s26 =	sand.u32 $0xFFFFFC00, s31;
	s28 =	sor.u32 $0x380, s0;
	v2 =	vld [tilespmem:s3+$0x100]  }
.LBB2_15:
0x111: {  	s0 =	sadd.s32 s26, s29  }
0x112: {  	s2 =	sor.u32 s25, s0  }
0x113: {  	v3 =	vld [tilespmem:s2+$0x12000]  }
0x114: {  	v4 =	vld [tilespmem:s2+$0x15000]  }
0x115: {  	v5 =	vld [tilespmem:s2+$0x12080]  }
0x116: {  	v6 =	vld [tilespmem:s2+$0x15080]  }
0x117: {  	v7 =	vld [tilespmem:s2+$0x12100]  }
0x118: {  	v8 =	vld [tilespmem:s2+$0x15100]  }
0x119: {  	v10 =	vld [tilespmem:s2+$0x12180];
	v3 =	vmul.f32 v3, v0;
	v9 =	vmul.f32 v4, v1  }
0x11a: {  	v11 =	vld [tilespmem:s2+$0x15180];
	v4 =	vmul.f32 v4, v2  }
0x11b: {  	v12 =	vld [tilespmem:s2+$0x12200];
	v5 =	vmul.f32 v5, v0;
	v38 =	vmul.f32 v6, v1;
	v3 =	vadd.f32 v9, v3  }
0x11c: {  	v13 =	vld [tilespmem:s2+$0x15200];
	v42 =	vmul.f32 v6, v2;
	[tilespmem:s2+$0x15000] =	vst v4  }
0x11d: {  	v41 =	vld [tilespmem:s2+$0x12280];
	v39 =	vmul.f32 v7, v0;
	v40 =	vmul.f32 v8, v1;
	[tilespmem:s2+$0x12000] =	vst v3;
	v3 =	vadd.f32 v38, v5  }
0x11e: {  	v43 =	vld [tilespmem:s2+$0x15280];
	v47 =	vmul.f32 v8, v2;
	[tilespmem:s2+$0x15080] =	vst v42  }
0x11f: {  	v46 =	vld [tilespmem:s2+$0x12300];
	v44 =	vmul.f32 v10, v0;
	v45 =	vmul.f32 v11, v1;
	[tilespmem:s2+$0x12080] =	vst v3;
	v3 =	vadd.f32 v40, v39  }
0x120: {  	s0 =	sor.u32 s28, s0;
	v48 =	vld [tilespmem:s2+$0x15300];
	v52 =	vmul.f32 v11, v2;
	[tilespmem:s2+$0x15100] =	vst v47  }
0x121: {  	v51 =	vld [tilespmem:s0+$0x12000];
	v49 =	vmul.f32 v12, v0;
	v50 =	vmul.f32 v13, v1;
	[tilespmem:s2+$0x12100] =	vst v3;
	v3 =	vadd.f32 v45, v44  }
0x122: {  	v53 =	vld [tilespmem:s0+$0x15000];
	v56 =	vmul.f32 v13, v2;
	[tilespmem:s2+$0x15180] =	vst v52  }
0x123: {  	v54 =	vmul.f32 v41, v0;
	v55 =	vmul.f32 v43, v1;
	[tilespmem:s2+$0x12180] =	vst v3;
	v3 =	vadd.f32 v50, v49  }
0x124: {  	v59 =	vmul.f32 v43, v2;
	[tilespmem:s2+$0x15200] =	vst v56  }
0x125: {  	v57 =	vmul.f32 v46, v0;
	v58 =	vmul.f32 v48, v1;
	[tilespmem:s2+$0x12200] =	vst v3;
	v3 =	vadd.f32 v55, v54  }
0x126: {  	p1 =	por p0, p0;
	v62 =	vmul.f32 v48, v2;
	[tilespmem:s2+$0x15280] =	vst v59  }
.Ltmp6:
0x127: {  	v60 =	vmul.f32 v51, v0;
	v61 =	vmul.f32 v53, v1;
	[tilespmem:s2+$0x12280] =	vst v3;
	v3 =	vadd.f32 v58, v57;
	(pc) =	sbr.rel @p1 .LBB2_15-.Ltmp6, $4  }
0x128: {  	v63 =	vmul.f32 v53, v2;
	[tilespmem:s2+$0x15300] =	vst v62  }
0x129: {  	[tilespmem:s2+$0x12300] =	vst v3;
	v3 =	vadd.f32 v61, v60  }
0x12a: {  	[tilespmem:s0+$0x15000] =	vst v63  }
0x12b: {  	s29 =	simm.s32 $0x1800;
	p0 =	por $0x0, $0x0;
	[tilespmem:s0+$0x12000] =	vst v3  }
0x12c: {  	s24 =	sadd.s32 $0x1, s24  }
0x12d: {  	p0 =	sne.s32 s24, $0x30  }
.Ltmp7:
0x12e: {  	_ = 	snop;
	(pc) =	sbr.rel @p0 .LBB2_14-.Ltmp7, $1  }
0x12f: {  	_ =	sdelay $0x3  }
0x130: {  	s24 =	simm.s32 $0x0;
	s0 =	rddreg [dreg:$0x12]  }
0x131: {  	[hbm4b:s0+s24] =	stream.linear.scatter [tilespmem:s15], [sflag:$0x8], $0x3000, $0x38;
	[tilespmem:$0x18C00] =	vst v63  }
0x132: {  	s29 =	rddreg [dreg:$0x13]  }
0x133: {  	[hbm4b:s29+s24] =	stream.linear.scatter [tilespmem:s16], [sflag:$0x8], $0x3000, $0x38;
	[tilespmem:$0x18C00] =	vst v63  }
0x134: {  	_ =	swait.ge [sflag:s21], $0x3000  }
0x135: {  	[sflag:s21] =	ssyncset.done $0x0  }
0x136: {  	[sflag:s21] =	ssyncadd.s32 $0xFFFFD000  }
0x137: {  	_ =	swait.ge [sflag:s21], $0x3000  }
0x138: {  	[sflag:s21] =	ssyncset.done $0x0  }
0x139: {  	s30 =	rddreg [dreg:$0x1a];
	[sflag:s21] =	ssyncadd.s32 $0xFFFFD000  }
0x13a: {  	[tilespmem:s11], [sflag:$0x3] =	stream.linear.gather [hbm4b:s30+s24], $0x3000, $0x38;
	[tilespmem:$0x18C00] =	vst v63  }
0x13b: {  	s31 =	rddreg [dreg:$0x1c]  }
0x13c: {  	[tilespmem:s12], [sflag:$0x3] =	stream.linear.gather [hbm4b:s31+s24], $0x3000, $0x38;
	[tilespmem:$0x18C00] =	vst v63  }
0x13d: {  	_ =	swait.ge [sflag:s14], $0x3000  }
0x13e: {  	[sflag:s14] =	ssyncset.done $0x0  }
0x13f: {  	[sflag:s14] =	ssyncadd.s32 $0xFFFFD000  }
0x140: {  	_ =	swait.ge [sflag:s14], $0x3000  }
0x141: {  	[sflag:s14] =	ssyncset.done $0x0  }
0x142: {  	[sflag:s14] =	ssyncadd.s32 $0xFFFFD000  }
.LBB2_18:
0x143: {  	s0 =	sshll.u32 s24, $0x4;
	s2 =	sshll.u32 s24, $0x6  }
0x144: {  	s25 =	sand.u32 $0x70, s0;
	s2 =	sand.u32 $0x3FFFFE00, s2  }
0x145: {  	s2 =	sor.u32 s25, s2  }
0x146: {  	s3 =	sadd.s32 $0x18000, s2;
	v0 =	vld [tilespmem:s2+$0x18000]  }
0x147: {  	s31 =	sshll.u32 s24, $0x7;
	p0 =	por $0x1, $0x1;
	v1 =	vld [tilespmem:s3+$0x80]  }
0x148: {  	s29 =	simm.s32 $0x0;
	s26 =	sand.u32 $0xFFFFFC00, s31;
	s28 =	sor.u32 $0x380, s0;
	v2 =	vld [tilespmem:s3+$0x100]  }
.LBB2_19:
0x149: {  	s0 =	sadd.s32 s26, s29  }
0x14a: {  	s29 =	sor.u32 s25, s0  }
0x14b: {  	v3 =	vld [tilespmem:s29+$0x0]  }
0x14c: {  	v5 =	vld [tilespmem:s29+$0x3080]  }
0x14d: {  	v7 =	vld [tilespmem:s29+$0x3100]  }
0x14e: {  	v9 =	vld [tilespmem:s29+$0x3180]  }
0x14f: {  	v11 =	vld [tilespmem:s29+$0x3200]  }
0x150: {  	s0 =	sor.u32 s28, s0;
	v14 =	vld [tilespmem:s29+$0x3000]  }
0x151: {  	s3 =	sor.u32 $0x100, s29;
	v55 =	vld [tilespmem:s0+$0x0]  }
0x152: {  	v6 =	vld [tilespmem:s3+$0x0]  }
0x153: {  	s2 =	sor.u32 $0x80, s29;
	v56 =	vld [tilespmem:s0+$0x3000]  }
0x154: {  	s4 =	sor.u32 $0x180, s29;
	v4 =	vld [tilespmem:s2+$0x0]  }
0x155: {  	s30 =	sor.u32 $0x200, s29;
	v8 =	vld [tilespmem:s4+$0x0];
	v16 =	vmul.f32 v7, v1  }
0x156: {  	v10 =	vld [tilespmem:s30+$0x0];
	v3 =	vmul.f32 v3, v0;
	v50 =	vmul.f32 v14, v1  }
0x157: {  	s31 =	sor.u32 $0x280, s29;
	v13 =	vld [tilespmem:s29+$0x3280];
	v54 =	vmul.f32 v14, v2;
	v6 =	vmul.f32 v6, v0  }
0x158: {  	v12 =	vld [tilespmem:s31+$0x0];
	v61 =	vmul.f32 v55, v0;
	v62 =	vmul.f32 v56, v1;
	v3 =	vadd.f32 v50, v3  }
0x159: {  	v15 =	vmul.f32 v5, v1;
	v4 =	vmul.f32 v4, v0;
	[tilespmem:s29+$0x3000] =	vst v54;
	v6 =	vadd.f32 v16, v6  }
0x15a: {  	v44 =	vmul.f32 v9, v1;
	v8 =	vmul.f32 v8, v0;
	v63 =	vadd.f32 v62, v61;
	[tilespmem:s29+$0x0] =	vst v3  }
0x15b: {  	v53 =	vld [tilespmem:s29+$0x3300];
	v45 =	vmul.f32 v11, v1;
	v10 =	vmul.f32 v10, v0;
	v4 =	vadd.f32 v15, v4;
	[tilespmem:s3+$0x0] =	vst v6;
	s3 =	sor.u32 $0x300, s29  }
0x15c: {  	v46 =	vadd.f32 v44, v8;
	[tilespmem:s0+$0x0] =	vst v63;
	v52 =	vld [tilespmem:s3+$0x0]  }
0x15d: {  	v48 =	vmul.f32 v13, v1;
	v47 =	vmul.f32 v12, v0;
	v49 =	vadd.f32 v45, v10;
	[tilespmem:s2+$0x0] =	vst v4  }
0x15e: {  	v3 =	vmul.f32 v5, v2;
	[tilespmem:s4+$0x0] =	vst v46  }
0x15f: {  	v51 =	vadd.f32 v48, v47;
	[tilespmem:s30+$0x0] =	vst v49  }
0x160: {  	v57 =	vmul.f32 v7, v2;
	[tilespmem:s29+$0x3080] =	vst v3;
	v3 =	vmul.f32 v9, v2  }
0x161: {  	v60 =	vmul.f32 v53, v1;
	[tilespmem:s31+$0x0] =	vst v51;
	v59 =	vmul.f32 v52, v0  }
0x162: {  	[tilespmem:s29+$0x3180] =	vst v3;
	v3 =	vmul.f32 v13, v2  }
0x163: {  	p1 =	por p0, p0;
	[tilespmem:s29+$0x3100] =	vst v57;
	v4 =	vadd.f32 v60, v59  }
.Ltmp8:
0x164: {  	[tilespmem:s29+$0x3280] =	vst v3;
	v3 =	vmul.f32 v53, v2;
	(pc) =	sbr.rel @p1 .LBB2_19-.Ltmp8, $4  }
0x165: {  	v58 =	vmul.f32 v11, v2;
	[tilespmem:s3+$0x0] =	vst v4  }
0x166: {  	[tilespmem:s29+$0x3300] =	vst v3;
	v3 =	vmul.f32 v56, v2  }
0x167: {  	[tilespmem:s29+$0x3200] =	vst v58  }
0x168: {  	p0 =	por $0x0, $0x0;
	s29 =	simm.s32 $0x1800;
	[tilespmem:s0+$0x3000] =	vst v3  }
0x169: {  	s24 =	sadd.s32 $0x1, s24  }
0x16a: {  	p0 =	sne.s32 s24, $0x30  }
.Ltmp9:
0x16b: {  	_ = 	snop;
	(pc) =	sbr.rel @p0 .LBB2_18-.Ltmp9, $1  }
0x16c: {  	_ =	sdelay $0x3  }
0x16d: {  	s24 =	simm.s32 $0x0;
	s0 =	rddreg [dreg:$0x14]  }
0x16e: {  	[hbm4b:s0+s24] =	stream.linear.scatter [tilespmem:s24], [sflag:$0x5], $0x3000, $0x38;
	[tilespmem:$0x18C00] =	vst v63  }
0x16f: {  	s29 =	rddreg [dreg:$0x15]  }
0x170: {  	[hbm4b:s29+s24] =	stream.linear.scatter [tilespmem:s8], [sflag:$0x5], $0x3000, $0x38;
	[tilespmem:$0x18C00] =	vst v63  }
0x171: {  	_ =	swait.ge [sflag:s22], $0x3000  }
0x172: {  	[sflag:s22] =	ssyncset.done $0x0  }
0x173: {  	[sflag:s22] =	ssyncadd.s32 $0xFFFFD000  }
0x174: {  	_ =	swait.ge [sflag:s22], $0x3000  }
0x175: {  	[sflag:s22] =	ssyncset.done $0x0;
	s30 =	rddreg [dreg:$0x1e]  }
0x176: {  	s31 =	sld [smem:$0x7DB];
	[sflag:s22] =	ssyncadd.s32 $0xFFFFD000  }
0x177: {  	[tilespmem:s15], [sflag:$0x4] =	stream.linear.gather [hbm4b:s30+s24], $0x3000, $0x38;
	[tilespmem:$0x18C00] =	vst v63  }
0x178: {  	_ = 	snop  }
0x179: {  	[tilespmem:s16], [sflag:$0x4] =	stream.linear.gather [hbm4b:s31+s24], $0x3000, $0x38;
	[tilespmem:$0x18C00] =	vst v63  }
0x17a: {  	_ =	swait.ge [sflag:s17], $0x3000  }
0x17b: {  	[sflag:s17] =	ssyncset.done $0x0  }
0x17c: {  	[sflag:s17] =	ssyncadd.s32 $0xFFFFD000  }
0x17d: {  	_ =	swait.ge [sflag:s17], $0x3000  }
0x17e: {  	[sflag:s17] =	ssyncset.done $0x0  }
0x17f: {  	[sflag:s17] =	ssyncadd.s32 $0xFFFFD000  }
.LBB2_22:
0x180: {  	s0 =	sshll.u32 s24, $0x4;
	s2 =	sshll.u32 s24, $0x6  }
0x181: {  	s25 =	sand.u32 $0x70, s0;
	s2 =	sand.u32 $0x3FFFFE00, s2  }
0x182: {  	s2 =	sor.u32 s25, s2  }
0x183: {  	s3 =	sadd.s32 $0x18000, s2;
	v0 =	vld [tilespmem:s2+$0x18000]  }
0x184: {  	s31 =	sshll.u32 s24, $0x7;
	p0 =	por $0x1, $0x1;
	v1 =	vld [tilespmem:s3+$0x80]  }
0x185: {  	s29 =	simm.s32 $0x0;
	s26 =	sand.u32 $0xFFFFFC00, s31;
	s28 =	sor.u32 $0x380, s0;
	v2 =	vld [tilespmem:s3+$0x100]  }
.LBB2_23:
0x186: {  	s0 =	sadd.s32 s26, s29  }
0x187: {  	s2 =	sor.u32 s25, s0  }
0x188: {  	v3 =	vld [tilespmem:s2+$0x6000]  }
0x189: {  	v4 =	vld [tilespmem:s2+$0x9000]  }
0x18a: {  	v5 =	vld [tilespmem:s2+$0x6080]  }
0x18b: {  	v6 =	vld [tilespmem:s2+$0x9080]  }
0x18c: {  	v7 =	vld [tilespmem:s2+$0x6100]  }
0x18d: {  	v8 =	vld [tilespmem:s2+$0x9100]  }
0x18e: {  	v10 =	vld [tilespmem:s2+$0x6180];
	v3 =	vmul.f32 v3, v0;
	v9 =	vmul.f32 v4, v1  }
0x18f: {  	v11 =	vld [tilespmem:s2+$0x9180];
	v4 =	vmul.f32 v4, v2  }
0x190: {  	v12 =	vld [tilespmem:s2+$0x6200];
	v5 =	vmul.f32 v5, v0;
	v38 =	vmul.f32 v6, v1;
	v3 =	vadd.f32 v9, v3  }
0x191: {  	v13 =	vld [tilespmem:s2+$0x9200];
	v42 =	vmul.f32 v6, v2;
	[tilespmem:s2+$0x9000] =	vst v4  }
0x192: {  	v41 =	vld [tilespmem:s2+$0x6280];
	v39 =	vmul.f32 v7, v0;
	v40 =	vmul.f32 v8, v1;
	[tilespmem:s2+$0x6000] =	vst v3;
	v3 =	vadd.f32 v38, v5  }
0x193: {  	v43 =	vld [tilespmem:s2+$0x9280];
	v47 =	vmul.f32 v8, v2;
	[tilespmem:s2+$0x9080] =	vst v42  }
0x194: {  	v46 =	vld [tilespmem:s2+$0x6300];
	v44 =	vmul.f32 v10, v0;
	v45 =	vmul.f32 v11, v1;
	[tilespmem:s2+$0x6080] =	vst v3;
	v3 =	vadd.f32 v40, v39  }
0x195: {  	s0 =	sor.u32 s28, s0;
	v48 =	vld [tilespmem:s2+$0x9300];
	v52 =	vmul.f32 v11, v2;
	[tilespmem:s2+$0x9100] =	vst v47  }
0x196: {  	v51 =	vld [tilespmem:s0+$0x6000];
	v49 =	vmul.f32 v12, v0;
	v50 =	vmul.f32 v13, v1;
	[tilespmem:s2+$0x6100] =	vst v3;
	v3 =	vadd.f32 v45, v44  }
0x197: {  	v53 =	vld [tilespmem:s0+$0x9000];
	v56 =	vmul.f32 v13, v2;
	[tilespmem:s2+$0x9180] =	vst v52  }
0x198: {  	v54 =	vmul.f32 v41, v0;
	v55 =	vmul.f32 v43, v1;
	[tilespmem:s2+$0x6180] =	vst v3;
	v3 =	vadd.f32 v50, v49  }
0x199: {  	v59 =	vmul.f32 v43, v2;
	[tilespmem:s2+$0x9200] =	vst v56  }
0x19a: {  	v57 =	vmul.f32 v46, v0;
	v58 =	vmul.f32 v48, v1;
	[tilespmem:s2+$0x6200] =	vst v3;
	v3 =	vadd.f32 v55, v54  }
0x19b: {  	p1 =	por p0, p0;
	v62 =	vmul.f32 v48, v2;
	[tilespmem:s2+$0x9280] =	vst v59  }
.Ltmp10:
0x19c: {  	v60 =	vmul.f32 v51, v0;
	v61 =	vmul.f32 v53, v1;
	[tilespmem:s2+$0x6280] =	vst v3;
	v3 =	vadd.f32 v58, v57;
	(pc) =	sbr.rel @p1 .LBB2_23-.Ltmp10, $4  }
0x19d: {  	v63 =	vmul.f32 v53, v2;
	[tilespmem:s2+$0x9300] =	vst v62  }
0x19e: {  	[tilespmem:s2+$0x6300] =	vst v3;
	v3 =	vadd.f32 v61, v60  }
0x19f: {  	[tilespmem:s0+$0x9000] =	vst v63  }
0x1a0: {  	s29 =	simm.s32 $0x1800;
	p0 =	por $0x0, $0x0;
	[tilespmem:s0+$0x6000] =	vst v3  }
0x1a1: {  	s24 =	sadd.s32 $0x1, s24  }
0x1a2: {  	p0 =	sne.s32 s24, $0x30  }
.Ltmp11:
0x1a3: {  	_ = 	snop;
	(pc) =	sbr.rel @p0 .LBB2_22-.Ltmp11, $1  }
0x1a4: {  	_ =	sdelay $0x3  }
0x1a5: {  	s24 =	simm.s32 $0x0;
	s0 =	rddreg [dreg:$0x17]  }
0x1a6: {  	[hbm4b:s0+s24] =	stream.linear.scatter [tilespmem:s9], [sflag:$0x6], $0x3000, $0x38;
	[tilespmem:$0x18C00] =	vst v63  }
0x1a7: {  	s29 =	rddreg [dreg:$0x19]  }
0x1a8: {  	[hbm4b:s29+s24] =	stream.linear.scatter [tilespmem:s10], [sflag:$0x6], $0x3000, $0x38;
	[tilespmem:$0x18C00] =	vst v63  }
0x1a9: {  	_ =	swait.ge [sflag:s18], $0x3000  }
0x1aa: {  	[sflag:s18] =	ssyncset.done $0x0  }
0x1ab: {  	[sflag:s18] =	ssyncadd.s32 $0xFFFFD000  }
0x1ac: {  	_ =	swait.ge [sflag:s18], $0x3000  }
0x1ad: {  	s30 =	sld [smem:$0x7DD]  }
0x1ae: {  	[sflag:s18] =	ssyncset.done $0x0  }
0x1af: {  	s31 =	sld [smem:$0x7DF];
	[sflag:s18] =	ssyncadd.s32 $0xFFFFD000  }
0x1b0: {  	[tilespmem:s24], [sflag:$0x1] =	stream.linear.gather [hbm4b:s30+s24], $0x3000, $0x38;
	[tilespmem:$0x18C00] =	vst v63  }
0x1b1: {  	_ = 	snop  }
0x1b2: {  	[tilespmem:s8], [sflag:$0x1] =	stream.linear.gather [hbm4b:s31+s24], $0x3000, $0x38;
	[tilespmem:$0x18C00] =	vst v63  }
0x1b3: {  	_ =	swait.ge [sflag:s19], $0x3000  }
0x1b4: {  	[sflag:s19] =	ssyncset.done $0x0  }
0x1b5: {  	[sflag:s19] =	ssyncadd.s32 $0xFFFFD000  }
0x1b6: {  	_ =	swait.ge [sflag:s19], $0x3000  }
0x1b7: {  	[sflag:s19] =	ssyncset.done $0x0  }
0x1b8: {  	[sflag:s19] =	ssyncadd.s32 $0xFFFFD000  }
.LBB2_26:
0x1b9: {  	s0 =	sshll.u32 s24, $0x4;
	s2 =	sshll.u32 s24, $0x6  }
0x1ba: {  	s25 =	sand.u32 $0x70, s0;
	s2 =	sand.u32 $0x3FFFFE00, s2  }
0x1bb: {  	s2 =	sor.u32 s25, s2  }
0x1bc: {  	s3 =	sadd.s32 $0x18000, s2;
	v0 =	vld [tilespmem:s2+$0x18000]  }
0x1bd: {  	s31 =	sshll.u32 s24, $0x7;
	p0 =	por $0x1, $0x1;
	v1 =	vld [tilespmem:s3+$0x80]  }
0x1be: {  	s29 =	simm.s32 $0x0;
	s26 =	sand.u32 $0xFFFFFC00, s31;
	s28 =	sor.u32 $0x380, s0;
	v2 =	vld [tilespmem:s3+$0x100]  }
.LBB2_27:
0x1bf: {  	s0 =	sadd.s32 s26, s29  }
0x1c0: {  	s2 =	sor.u32 s25, s0  }
0x1c1: {  	v3 =	vld [tilespmem:s2+$0xC000]  }
0x1c2: {  	v4 =	vld [tilespmem:s2+$0xF000]  }
0x1c3: {  	v5 =	vld [tilespmem:s2+$0xC080]  }
0x1c4: {  	v6 =	vld [tilespmem:s2+$0xF080]  }
0x1c5: {  	v7 =	vld [tilespmem:s2+$0xC100]  }
0x1c6: {  	v8 =	vld [tilespmem:s2+$0xF100]  }
0x1c7: {  	v10 =	vld [tilespmem:s2+$0xC180];
	v3 =	vmul.f32 v3, v0;
	v9 =	vmul.f32 v4, v1  }
0x1c8: {  	v11 =	vld [tilespmem:s2+$0xF180];
	v4 =	vmul.f32 v4, v2  }
0x1c9: {  	v12 =	vld [tilespmem:s2+$0xC200];
	v5 =	vmul.f32 v5, v0;
	v38 =	vmul.f32 v6, v1;
	v3 =	vadd.f32 v9, v3  }
0x1ca: {  	v13 =	vld [tilespmem:s2+$0xF200];
	v42 =	vmul.f32 v6, v2;
	[tilespmem:s2+$0xF000] =	vst v4  }
0x1cb: {  	v41 =	vld [tilespmem:s2+$0xC280];
	v39 =	vmul.f32 v7, v0;
	v40 =	vmul.f32 v8, v1;
	[tilespmem:s2+$0xC000] =	vst v3;
	v3 =	vadd.f32 v38, v5  }
0x1cc: {  	v43 =	vld [tilespmem:s2+$0xF280];
	v47 =	vmul.f32 v8, v2;
	[tilespmem:s2+$0xF080] =	vst v42  }
0x1cd: {  	v46 =	vld [tilespmem:s2+$0xC300];
	v44 =	vmul.f32 v10, v0;
	v45 =	vmul.f32 v11, v1;
	[tilespmem:s2+$0xC080] =	vst v3;
	v3 =	vadd.f32 v40, v39  }
0x1ce: {  	s0 =	sor.u32 s28, s0;
	v48 =	vld [tilespmem:s2+$0xF300];
	v52 =	vmul.f32 v11, v2;
	[tilespmem:s2+$0xF100] =	vst v47  }
0x1cf: {  	v51 =	vld [tilespmem:s0+$0xC000];
	v49 =	vmul.f32 v12, v0;
	v50 =	vmul.f32 v13, v1;
	[tilespmem:s2+$0xC100] =	vst v3;
	v3 =	vadd.f32 v45, v44  }
0x1d0: {  	v53 =	vld [tilespmem:s0+$0xF000];
	v56 =	vmul.f32 v13, v2;
	[tilespmem:s2+$0xF180] =	vst v52  }
0x1d1: {  	v54 =	vmul.f32 v41, v0;
	v55 =	vmul.f32 v43, v1;
	[tilespmem:s2+$0xC180] =	vst v3;
	v3 =	vadd.f32 v50, v49  }
0x1d2: {  	v59 =	vmul.f32 v43, v2;
	[tilespmem:s2+$0xF200] =	vst v56  }
0x1d3: {  	v57 =	vmul.f32 v46, v0;
	v58 =	vmul.f32 v48, v1;
	[tilespmem:s2+$0xC200] =	vst v3;
	v3 =	vadd.f32 v55, v54  }
0x1d4: {  	p1 =	por p0, p0;
	v62 =	vmul.f32 v48, v2;
	[tilespmem:s2+$0xF280] =	vst v59  }
.Ltmp12:
0x1d5: {  	v60 =	vmul.f32 v51, v0;
	v61 =	vmul.f32 v53, v1;
	[tilespmem:s2+$0xC280] =	vst v3;
	v3 =	vadd.f32 v58, v57;
	(pc) =	sbr.rel @p1 .LBB2_27-.Ltmp12, $4  }
0x1d6: {  	v63 =	vmul.f32 v53, v2;
	[tilespmem:s2+$0xF300] =	vst v62  }
0x1d7: {  	[tilespmem:s2+$0xC300] =	vst v3;
	v3 =	vadd.f32 v61, v60  }
0x1d8: {  	[tilespmem:s0+$0xF000] =	vst v63  }
0x1d9: {  	s29 =	simm.s32 $0x1800;
	p0 =	por $0x0, $0x0;
	[tilespmem:s0+$0xC000] =	vst v3  }
0x1da: {  	s24 =	sadd.s32 $0x1, s24  }
0x1db: {  	p0 =	sne.s32 s24, $0x30  }
.Ltmp13:
0x1dc: {  	_ = 	snop;
	(pc) =	sbr.rel @p0 .LBB2_26-.Ltmp13, $1  }
0x1dd: {  	_ =	sdelay $0x3  }
0x1de: {  	s24 =	simm.s32 $0x0;
	s0 =	rddreg [dreg:$0x1b]  }
0x1df: {  	[hbm4b:s0+s24] =	stream.linear.scatter [tilespmem:s11], [sflag:$0x7], $0x3000, $0x38;
	[tilespmem:$0x18C00] =	vst v63  }
0x1e0: {  	s29 =	rddreg [dreg:$0x1d]  }
0x1e1: {  	[hbm4b:s29+s24] =	stream.linear.scatter [tilespmem:s12], [sflag:$0x7], $0x3000, $0x38;
	[tilespmem:$0x18C00] =	vst v63  }
0x1e2: {  	_ =	swait.ge [sflag:s20], $0x3000  }
0x1e3: {  	[sflag:s20] =	ssyncset.done $0x0  }
0x1e4: {  	[sflag:s20] =	ssyncadd.s32 $0xFFFFD000  }
0x1e5: {  	_ =	swait.ge [sflag:s20], $0x3000  }
0x1e6: {  	s30 =	sld [smem:$0x7E1]  }
0x1e7: {  	[sflag:s20] =	ssyncset.done $0x0  }
0x1e8: {  	s31 =	sld [smem:$0x7E3];
	[sflag:s20] =	ssyncadd.s32 $0xFFFFD000  }
0x1e9: {  	[tilespmem:s9], [sflag:$0x2] =	stream.linear.gather [hbm4b:s30+s24], $0x3000, $0x38;
	[tilespmem:$0x18C00] =	vst v63  }
0x1ea: {  	_ = 	snop  }
0x1eb: {  	[tilespmem:s10], [sflag:$0x2] =	stream.linear.gather [hbm4b:s31+s24], $0x3000, $0x38;
	[tilespmem:$0x18C00] =	vst v63  }
0x1ec: {  	_ =	swait.ge [sflag:s13], $0x3000  }
0x1ed: {  	[sflag:s13] =	ssyncset.done $0x0  }
0x1ee: {  	[sflag:s13] =	ssyncadd.s32 $0xFFFFD000  }
0x1ef: {  	_ =	swait.ge [sflag:s13], $0x3000  }
0x1f0: {  	[sflag:s13] =	ssyncset.done $0x0  }
0x1f1: {  	[sflag:s13] =	ssyncadd.s32 $0xFFFFD000  }
.LBB2_30:
0x1f2: {  	s0 =	sshll.u32 s24, $0x4;
	s2 =	sshll.u32 s24, $0x6  }
0x1f3: {  	s25 =	sand.u32 $0x70, s0;
	s2 =	sand.u32 $0x3FFFFE00, s2  }
0x1f4: {  	s2 =	sor.u32 s25, s2  }
0x1f5: {  	s3 =	sadd.s32 $0x18000, s2;
	v0 =	vld [tilespmem:s2+$0x18000]  }
0x1f6: {  	s31 =	sshll.u32 s24, $0x7;
	p0 =	por $0x1, $0x1;
	v1 =	vld [tilespmem:s3+$0x80]  }
0x1f7: {  	s29 =	simm.s32 $0x0;
	s26 =	sand.u32 $0xFFFFFC00, s31;
	s28 =	sor.u32 $0x380, s0;
	v2 =	vld [tilespmem:s3+$0x100]  }
.LBB2_31:
0x1f8: {  	s0 =	sadd.s32 s26, s29  }
0x1f9: {  	s2 =	sor.u32 s25, s0  }
0x1fa: {  	v3 =	vld [tilespmem:s2+$0x12000]  }
0x1fb: {  	v4 =	vld [tilespmem:s2+$0x15000]  }
0x1fc: {  	v5 =	vld [tilespmem:s2+$0x12080]  }
0x1fd: {  	v6 =	vld [tilespmem:s2+$0x15080]  }
0x1fe: {  	v7 =	vld [tilespmem:s2+$0x12100]  }
0x1ff: {  	v8 =	vld [tilespmem:s2+$0x15100]  }
0x200: {  	v10 =	vld [tilespmem:s2+$0x12180];
	v3 =	vmul.f32 v3, v0;
	v9 =	vmul.f32 v4, v1  }
0x201: {  	v11 =	vld [tilespmem:s2+$0x15180];
	v4 =	vmul.f32 v4, v2  }
0x202: {  	v12 =	vld [tilespmem:s2+$0x12200];
	v5 =	vmul.f32 v5, v0;
	v38 =	vmul.f32 v6, v1;
	v3 =	vadd.f32 v9, v3  }
0x203: {  	v13 =	vld [tilespmem:s2+$0x15200];
	v42 =	vmul.f32 v6, v2;
	[tilespmem:s2+$0x15000] =	vst v4  }
0x204: {  	v41 =	vld [tilespmem:s2+$0x12280];
	v39 =	vmul.f32 v7, v0;
	v40 =	vmul.f32 v8, v1;
	[tilespmem:s2+$0x12000] =	vst v3;
	v3 =	vadd.f32 v38, v5  }
0x205: {  	v43 =	vld [tilespmem:s2+$0x15280];
	v47 =	vmul.f32 v8, v2;
	[tilespmem:s2+$0x15080] =	vst v42  }
0x206: {  	v46 =	vld [tilespmem:s2+$0x12300];
	v44 =	vmul.f32 v10, v0;
	v45 =	vmul.f32 v11, v1;
	[tilespmem:s2+$0x12080] =	vst v3;
	v3 =	vadd.f32 v40, v39  }
0x207: {  	s0 =	sor.u32 s28, s0;
	v48 =	vld [tilespmem:s2+$0x15300];
	v52 =	vmul.f32 v11, v2;
	[tilespmem:s2+$0x15100] =	vst v47  }
0x208: {  	v51 =	vld [tilespmem:s0+$0x12000];
	v49 =	vmul.f32 v12, v0;
	v50 =	vmul.f32 v13, v1;
	[tilespmem:s2+$0x12100] =	vst v3;
	v3 =	vadd.f32 v45, v44  }
0x209: {  	v53 =	vld [tilespmem:s0+$0x15000];
	v56 =	vmul.f32 v13, v2;
	[tilespmem:s2+$0x15180] =	vst v52  }
0x20a: {  	v54 =	vmul.f32 v41, v0;
	v55 =	vmul.f32 v43, v1;
	[tilespmem:s2+$0x12180] =	vst v3;
	v3 =	vadd.f32 v50, v49  }
0x20b: {  	v59 =	vmul.f32 v43, v2;
	[tilespmem:s2+$0x15200] =	vst v56  }
0x20c: {  	v57 =	vmul.f32 v46, v0;
	v58 =	vmul.f32 v48, v1;
	[tilespmem:s2+$0x12200] =	vst v3;
	v3 =	vadd.f32 v55, v54  }
0x20d: {  	p1 =	por p0, p0;
	v62 =	vmul.f32 v48, v2;
	[tilespmem:s2+$0x15280] =	vst v59  }
.Ltmp14:
0x20e: {  	v60 =	vmul.f32 v51, v0;
	v61 =	vmul.f32 v53, v1;
	[tilespmem:s2+$0x12280] =	vst v3;
	v3 =	vadd.f32 v58, v57;
	(pc) =	sbr.rel @p1 .LBB2_31-.Ltmp14, $4  }
0x20f: {  	v63 =	vmul.f32 v53, v2;
	[tilespmem:s2+$0x15300] =	vst v62  }
0x210: {  	[tilespmem:s2+$0x12300] =	vst v3;
	v3 =	vadd.f32 v61, v60  }
0x211: {  	[tilespmem:s0+$0x15000] =	vst v63  }
0x212: {  	s29 =	simm.s32 $0x1800;
	p0 =	por $0x0, $0x0;
	[tilespmem:s0+$0x12000] =	vst v3  }
0x213: {  	s24 =	sadd.s32 $0x1, s24  }
0x214: {  	p0 =	sne.s32 s24, $0x30  }
.Ltmp15:
0x215: {  	_ = 	snop;
	(pc) =	sbr.rel @p0 .LBB2_30-.Ltmp15, $1  }
0x216: {  	_ =	sdelay $0x3  }
0x217: {  	s0 =	rddreg [dreg:$0x1f]  }
0x218: {  	s24 =	simm.s32 $0x0;
	s29 =	sld [smem:$0x7DC]  }
0x219: {  	[hbm4b:s0+s24] =	stream.linear.scatter [tilespmem:s15], [sflag:$0x8], $0x3000, $0x38;
	[tilespmem:$0x18C00] =	vst v63  }
0x21a: {  	_ = 	snop  }
0x21b: {  	[hbm4b:s29+s24] =	stream.linear.scatter [tilespmem:s16], [sflag:$0x8], $0x3000, $0x38;
	[tilespmem:$0x18C00] =	vst v63  }
0x21c: {  	_ =	swait.ge [sflag:s21], $0x3000  }
0x21d: {  	[sflag:s21] =	ssyncset.done $0x0  }
0x21e: {  	[sflag:s21] =	ssyncadd.s32 $0xFFFFD000  }
0x21f: {  	_ =	swait.ge [sflag:s21], $0x3000  }
0x220: {  	s30 =	sld [smem:$0x7E5]  }
0x221: {  	[sflag:s21] =	ssyncset.done $0x0  }
0x222: {  	s31 =	sld [smem:$0x7E7];
	[sflag:s21] =	ssyncadd.s32 $0xFFFFD000  }
0x223: {  	[tilespmem:s11], [sflag:$0x3] =	stream.linear.gather [hbm4b:s30+s24], $0x3000, $0x38;
	[tilespmem:$0x18C00] =	vst v63  }
0x224: {  	_ = 	snop  }
0x225: {  	[tilespmem:s12], [sflag:$0x3] =	stream.linear.gather [hbm4b:s31+s24], $0x3000, $0x38;
	[tilespmem:$0x18C00] =	vst v63  }
0x226: {  	_ =	swait.ge [sflag:s14], $0x3000  }
0x227: {  	[sflag:s14] =	ssyncset.done $0x0  }
0x228: {  	[sflag:s14] =	ssyncadd.s32 $0xFFFFD000  }
0x229: {  	_ =	swait.ge [sflag:s14], $0x3000  }
0x22a: {  	[sflag:s14] =	ssyncset.done $0x0  }
0x22b: {  	[sflag:s14] =	ssyncadd.s32 $0xFFFFD000  }
.LBB2_34:
0x22c: {  	s0 =	sshll.u32 s24, $0x4;
	s2 =	sshll.u32 s24, $0x6  }
0x22d: {  	s25 =	sand.u32 $0x70, s0;
	s2 =	sand.u32 $0x3FFFFE00, s2  }
0x22e: {  	s2 =	sor.u32 s25, s2  }
0x22f: {  	s3 =	sadd.s32 $0x18000, s2;
	v0 =	vld [tilespmem:s2+$0x18000]  }
0x230: {  	s31 =	sshll.u32 s24, $0x7;
	p0 =	por $0x1, $0x1;
	v1 =	vld [tilespmem:s3+$0x80]  }
0x231: {  	s29 =	simm.s32 $0x0;
	s26 =	sand.u32 $0xFFFFFC00, s31;
	s28 =	sor.u32 $0x380, s0;
	v2 =	vld [tilespmem:s3+$0x100]  }
.LBB2_35:
0x232: {  	s0 =	sadd.s32 s26, s29  }
0x233: {  	s29 =	sor.u32 s25, s0  }
0x234: {  	v3 =	vld [tilespmem:s29+$0x0]  }
0x235: {  	v5 =	vld [tilespmem:s29+$0x3080]  }
0x236: {  	v7 =	vld [tilespmem:s29+$0x3100]  }
0x237: {  	v9 =	vld [tilespmem:s29+$0x3180]  }
0x238: {  	v11 =	vld [tilespmem:s29+$0x3200]  }
0x239: {  	s0 =	sor.u32 s28, s0;
	v14 =	vld [tilespmem:s29+$0x3000]  }
0x23a: {  	s3 =	sor.u32 $0x100, s29;
	v55 =	vld [tilespmem:s0+$0x0]  }
0x23b: {  	v6 =	vld [tilespmem:s3+$0x0]  }
0x23c: {  	s2 =	sor.u32 $0x80, s29;
	v56 =	vld [tilespmem:s0+$0x3000]  }
0x23d: {  	s4 =	sor.u32 $0x180, s29;
	v4 =	vld [tilespmem:s2+$0x0]  }
0x23e: {  	s30 =	sor.u32 $0x200, s29;
	v8 =	vld [tilespmem:s4+$0x0];
	v16 =	vmul.f32 v7, v1  }
0x23f: {  	v10 =	vld [tilespmem:s30+$0x0];
	v3 =	vmul.f32 v3, v0;
	v50 =	vmul.f32 v14, v1  }
0x240: {  	s31 =	sor.u32 $0x280, s29;
	v13 =	vld [tilespmem:s29+$0x3280];
	v54 =	vmul.f32 v14, v2;
	v6 =	vmul.f32 v6, v0  }
0x241: {  	v12 =	vld [tilespmem:s31+$0x0];
	v61 =	vmul.f32 v55, v0;
	v62 =	vmul.f32 v56, v1;
	v3 =	vadd.f32 v50, v3  }
0x242: {  	v15 =	vmul.f32 v5, v1;
	v4 =	vmul.f32 v4, v0;
	[tilespmem:s29+$0x3000] =	vst v54;
	v6 =	vadd.f32 v16, v6  }
0x243: {  	v44 =	vmul.f32 v9, v1;
	v8 =	vmul.f32 v8, v0;
	v63 =	vadd.f32 v62, v61;
	[tilespmem:s29+$0x0] =	vst v3  }
0x244: {  	v53 =	vld [tilespmem:s29+$0x3300];
	v45 =	vmul.f32 v11, v1;
	v10 =	vmul.f32 v10, v0;
	v4 =	vadd.f32 v15, v4;
	[tilespmem:s3+$0x0] =	vst v6;
	s3 =	sor.u32 $0x300, s29  }
0x245: {  	v46 =	vadd.f32 v44, v8;
	[tilespmem:s0+$0x0] =	vst v63;
	v52 =	vld [tilespmem:s3+$0x0]  }
0x246: {  	v48 =	vmul.f32 v13, v1;
	v47 =	vmul.f32 v12, v0;
	v49 =	vadd.f32 v45, v10;
	[tilespmem:s2+$0x0] =	vst v4  }
0x247: {  	v3 =	vmul.f32 v5, v2;
	[tilespmem:s4+$0x0] =	vst v46  }
0x248: {  	v51 =	vadd.f32 v48, v47;
	[tilespmem:s30+$0x0] =	vst v49  }
0x249: {  	v57 =	vmul.f32 v7, v2;
	[tilespmem:s29+$0x3080] =	vst v3;
	v3 =	vmul.f32 v9, v2  }
0x24a: {  	v60 =	vmul.f32 v53, v1;
	[tilespmem:s31+$0x0] =	vst v51;
	v59 =	vmul.f32 v52, v0  }
0x24b: {  	[tilespmem:s29+$0x3180] =	vst v3;
	v3 =	vmul.f32 v13, v2  }
0x24c: {  	p1 =	por p0, p0;
	[tilespmem:s29+$0x3100] =	vst v57;
	v4 =	vadd.f32 v60, v59  }
.Ltmp16:
0x24d: {  	[tilespmem:s29+$0x3280] =	vst v3;
	v3 =	vmul.f32 v53, v2;
	(pc) =	sbr.rel @p1 .LBB2_35-.Ltmp16, $4  }
0x24e: {  	v58 =	vmul.f32 v11, v2;
	[tilespmem:s3+$0x0] =	vst v4  }
0x24f: {  	[tilespmem:s29+$0x3300] =	vst v3;
	v3 =	vmul.f32 v56, v2  }
0x250: {  	[tilespmem:s29+$0x3200] =	vst v58  }
0x251: {  	p0 =	por $0x0, $0x0;
	s29 =	simm.s32 $0x1800;
	[tilespmem:s0+$0x3000] =	vst v3  }
0x252: {  	s24 =	sadd.s32 $0x1, s24  }
0x253: {  	p0 =	sne.s32 s24, $0x30  }
.Ltmp17:
0x254: {  	_ = 	snop;
	(pc) =	sbr.rel @p0 .LBB2_34-.Ltmp17, $1  }
0x255: {  	_ =	sdelay $0x3  }
0x256: {  	s0 =	sld [smem:$0x7DE];
	_ =	sdelay $0x1  }
0x257: {  	s24 =	simm.s32 $0x0;
	s29 =	sld [smem:$0x7E0]  }
0x258: {  	[hbm4b:s0+s24] =	stream.linear.scatter [tilespmem:s24], [sflag:$0x5], $0x3000, $0x38;
	[tilespmem:$0x18C00] =	vst v63  }
0x259: {  	_ = 	snop  }
0x25a: {  	[hbm4b:s29+s24] =	stream.linear.scatter [tilespmem:s8], [sflag:$0x5], $0x3000, $0x38;
	[tilespmem:$0x18C00] =	vst v63  }
0x25b: {  	_ =	swait.ge [sflag:s22], $0x3000  }
0x25c: {  	[sflag:s22] =	ssyncset.done $0x0  }
0x25d: {  	[sflag:s22] =	ssyncadd.s32 $0xFFFFD000  }
0x25e: {  	_ =	swait.ge [sflag:s22], $0x3000  }
0x25f: {  	s30 =	sld [smem:$0x7E9]  }
0x260: {  	[sflag:s22] =	ssyncset.done $0x0  }
0x261: {  	s31 =	sld [smem:$0x7EB];
	[sflag:s22] =	ssyncadd.s32 $0xFFFFD000  }
0x262: {  	[tilespmem:s15], [sflag:$0x4] =	stream.linear.gather [hbm4b:s30+s24], $0x3000, $0x38;
	[tilespmem:$0x18C00] =	vst v63  }
0x263: {  	_ = 	snop  }
0x264: {  	[tilespmem:s16], [sflag:$0x4] =	stream.linear.gather [hbm4b:s31+s24], $0x3000, $0x38;
	[tilespmem:$0x18C00] =	vst v63  }
0x265: {  	_ =	swait.ge [sflag:s17], $0x3000  }
0x266: {  	[sflag:s17] =	ssyncset.done $0x0  }
0x267: {  	[sflag:s17] =	ssyncadd.s32 $0xFFFFD000  }
0x268: {  	_ =	swait.ge [sflag:s17], $0x3000  }
0x269: {  	[sflag:s17] =	ssyncset.done $0x0  }
0x26a: {  	[sflag:s17] =	ssyncadd.s32 $0xFFFFD000  }
.LBB2_38:
0x26b: {  	s0 =	sshll.u32 s24, $0x4;
	s2 =	sshll.u32 s24, $0x6  }
0x26c: {  	s25 =	sand.u32 $0x70, s0;
	s2 =	sand.u32 $0x3FFFFE00, s2  }
0x26d: {  	s2 =	sor.u32 s25, s2  }
0x26e: {  	s3 =	sadd.s32 $0x18000, s2;
	v0 =	vld [tilespmem:s2+$0x18000]  }
0x26f: {  	s31 =	sshll.u32 s24, $0x7;
	p0 =	por $0x1, $0x1;
	v1 =	vld [tilespmem:s3+$0x80]  }
0x270: {  	s29 =	simm.s32 $0x0;
	s26 =	sand.u32 $0xFFFFFC00, s31;
	s28 =	sor.u32 $0x380, s0;
	v2 =	vld [tilespmem:s3+$0x100]  }
.LBB2_39:
0x271: {  	s0 =	sadd.s32 s26, s29  }
0x272: {  	s2 =	sor.u32 s25, s0  }
0x273: {  	v3 =	vld [tilespmem:s2+$0x6000]  }
0x274: {  	v4 =	vld [tilespmem:s2+$0x9000]  }
0x275: {  	v5 =	vld [tilespmem:s2+$0x6080]  }
0x276: {  	v6 =	vld [tilespmem:s2+$0x9080]  }
0x277: {  	v7 =	vld [tilespmem:s2+$0x6100]  }
0x278: {  	v8 =	vld [tilespmem:s2+$0x9100]  }
0x279: {  	v10 =	vld [tilespmem:s2+$0x6180];
	v3 =	vmul.f32 v3, v0;
	v9 =	vmul.f32 v4, v1  }
0x27a: {  	v11 =	vld [tilespmem:s2+$0x9180];
	v4 =	vmul.f32 v4, v2  }
0x27b: {  	v12 =	vld [tilespmem:s2+$0x6200];
	v5 =	vmul.f32 v5, v0;
	v38 =	vmul.f32 v6, v1;
	v3 =	vadd.f32 v9, v3  }
0x27c: {  	v13 =	vld [tilespmem:s2+$0x9200];
	v42 =	vmul.f32 v6, v2;
	[tilespmem:s2+$0x9000] =	vst v4  }
0x27d: {  	v41 =	vld [tilespmem:s2+$0x6280];
	v39 =	vmul.f32 v7, v0;
	v40 =	vmul.f32 v8, v1;
	[tilespmem:s2+$0x6000] =	vst v3;
	v3 =	vadd.f32 v38, v5  }
0x27e: {  	v43 =	vld [tilespmem:s2+$0x9280];
	v47 =	vmul.f32 v8, v2;
	[tilespmem:s2+$0x9080] =	vst v42  }
0x27f: {  	v46 =	vld [tilespmem:s2+$0x6300];
	v44 =	vmul.f32 v10, v0;
	v45 =	vmul.f32 v11, v1;
	[tilespmem:s2+$0x6080] =	vst v3;
	v3 =	vadd.f32 v40, v39  }
0x280: {  	s0 =	sor.u32 s28, s0;
	v48 =	vld [tilespmem:s2+$0x9300];
	v52 =	vmul.f32 v11, v2;
	[tilespmem:s2+$0x9100] =	vst v47  }
0x281: {  	v51 =	vld [tilespmem:s0+$0x6000];
	v49 =	vmul.f32 v12, v0;
	v50 =	vmul.f32 v13, v1;
	[tilespmem:s2+$0x6100] =	vst v3;
	v3 =	vadd.f32 v45, v44  }
0x282: {  	v53 =	vld [tilespmem:s0+$0x9000];
	v56 =	vmul.f32 v13, v2;
	[tilespmem:s2+$0x9180] =	vst v52  }
0x283: {  	v54 =	vmul.f32 v41, v0;
	v55 =	vmul.f32 v43, v1;
	[tilespmem:s2+$0x6180] =	vst v3;
	v3 =	vadd.f32 v50, v49  }
0x284: {  	v59 =	vmul.f32 v43, v2;
	[tilespmem:s2+$0x9200] =	vst v56  }
0x285: {  	v57 =	vmul.f32 v46, v0;
	v58 =	vmul.f32 v48, v1;
	[tilespmem:s2+$0x6200] =	vst v3;
	v3 =	vadd.f32 v55, v54  }
0x286: {  	p1 =	por p0, p0;
	v62 =	vmul.f32 v48, v2;
	[tilespmem:s2+$0x9280] =	vst v59  }
.Ltmp18:
0x287: {  	v60 =	vmul.f32 v51, v0;
	v61 =	vmul.f32 v53, v1;
	[tilespmem:s2+$0x6280] =	vst v3;
	v3 =	vadd.f32 v58, v57;
	(pc) =	sbr.rel @p1 .LBB2_39-.Ltmp18, $4  }
0x288: {  	v63 =	vmul.f32 v53, v2;
	[tilespmem:s2+$0x9300] =	vst v62  }
0x289: {  	[tilespmem:s2+$0x6300] =	vst v3;
	v3 =	vadd.f32 v61, v60  }
0x28a: {  	[tilespmem:s0+$0x9000] =	vst v63  }
0x28b: {  	s29 =	simm.s32 $0x1800;
	p0 =	por $0x0, $0x0;
	[tilespmem:s0+$0x6000] =	vst v3  }
0x28c: {  	s24 =	sadd.s32 $0x1, s24  }
0x28d: {  	p0 =	sne.s32 s24, $0x30  }
.Ltmp19:
0x28e: {  	_ = 	snop;
	(pc) =	sbr.rel @p0 .LBB2_38-.Ltmp19, $1  }
0x28f: {  	_ =	sdelay $0x3  }
0x290: {  	s0 =	sld [smem:$0x7E2];
	_ =	sdelay $0x1  }
0x291: {  	s24 =	simm.s32 $0x0;
	s29 =	sld [smem:$0x7E4]  }
0x292: {  	[hbm4b:s0+s24] =	stream.linear.scatter [tilespmem:s9], [sflag:$0x6], $0x3000, $0x38;
	[tilespmem:$0x18C00] =	vst v63  }
0x293: {  	_ = 	snop  }
0x294: {  	[hbm4b:s29+s24] =	stream.linear.scatter [tilespmem:s10], [sflag:$0x6], $0x3000, $0x38;
	[tilespmem:$0x18C00] =	vst v63  }
0x295: {  	_ =	swait.ge [sflag:s18], $0x3000  }
0x296: {  	[sflag:s18] =	ssyncset.done $0x0  }
0x297: {  	[sflag:s18] =	ssyncadd.s32 $0xFFFFD000  }
0x298: {  	_ =	swait.ge [sflag:s18], $0x3000  }
0x299: {  	s30 =	sld [smem:$0x7ED]  }
0x29a: {  	[sflag:s18] =	ssyncset.done $0x0  }
0x29b: {  	s31 =	sld [smem:$0x7EF];
	[sflag:s18] =	ssyncadd.s32 $0xFFFFD000  }
0x29c: {  	[tilespmem:s24], [sflag:$0x1] =	stream.linear.gather [hbm4b:s30+s24], $0x3000, $0x38;
	[tilespmem:$0x18C00] =	vst v63  }
0x29d: {  	_ = 	snop  }
0x29e: {  	[tilespmem:s8], [sflag:$0x1] =	stream.linear.gather [hbm4b:s31+s24], $0x3000, $0x38;
	[tilespmem:$0x18C00] =	vst v63  }
0x29f: {  	_ =	swait.ge [sflag:s19], $0x3000  }
0x2a0: {  	[sflag:s19] =	ssyncset.done $0x0  }
0x2a1: {  	[sflag:s19] =	ssyncadd.s32 $0xFFFFD000  }
0x2a2: {  	_ =	swait.ge [sflag:s19], $0x3000  }
0x2a3: {  	[sflag:s19] =	ssyncset.done $0x0  }
0x2a4: {  	[sflag:s19] =	ssyncadd.s32 $0xFFFFD000  }
.LBB2_42:
0x2a5: {  	s0 =	sshll.u32 s24, $0x4;
	s2 =	sshll.u32 s24, $0x6  }
0x2a6: {  	s25 =	sand.u32 $0x70, s0;
	s2 =	sand.u32 $0x3FFFFE00, s2  }
0x2a7: {  	s2 =	sor.u32 s25, s2  }
0x2a8: {  	s3 =	sadd.s32 $0x18000, s2;
	v0 =	vld [tilespmem:s2+$0x18000]  }
0x2a9: {  	s31 =	sshll.u32 s24, $0x7;
	p0 =	por $0x1, $0x1;
	v1 =	vld [tilespmem:s3+$0x80]  }
0x2aa: {  	s29 =	simm.s32 $0x0;
	s26 =	sand.u32 $0xFFFFFC00, s31;
	s28 =	sor.u32 $0x380, s0;
	v2 =	vld [tilespmem:s3+$0x100]  }
.LBB2_43:
0x2ab: {  	s0 =	sadd.s32 s26, s29  }
0x2ac: {  	s2 =	sor.u32 s25, s0  }
0x2ad: {  	v3 =	vld [tilespmem:s2+$0xC000]  }
0x2ae: {  	v4 =	vld [tilespmem:s2+$0xF000]  }
0x2af: {  	v5 =	vld [tilespmem:s2+$0xC080]  }
0x2b0: {  	v6 =	vld [tilespmem:s2+$0xF080]  }
0x2b1: {  	v7 =	vld [tilespmem:s2+$0xC100]  }
0x2b2: {  	v8 =	vld [tilespmem:s2+$0xF100]  }
0x2b3: {  	v10 =	vld [tilespmem:s2+$0xC180];
	v3 =	vmul.f32 v3, v0;
	v9 =	vmul.f32 v4, v1  }
0x2b4: {  	v11 =	vld [tilespmem:s2+$0xF180];
	v4 =	vmul.f32 v4, v2  }
0x2b5: {  	v12 =	vld [tilespmem:s2+$0xC200];
	v5 =	vmul.f32 v5, v0;
	v38 =	vmul.f32 v6, v1;
	v3 =	vadd.f32 v9, v3  }
0x2b6: {  	v13 =	vld [tilespmem:s2+$0xF200];
	v42 =	vmul.f32 v6, v2;
	[tilespmem:s2+$0xF000] =	vst v4  }
0x2b7: {  	v41 =	vld [tilespmem:s2+$0xC280];
	v39 =	vmul.f32 v7, v0;
	v40 =	vmul.f32 v8, v1;
	[tilespmem:s2+$0xC000] =	vst v3;
	v3 =	vadd.f32 v38, v5  }
0x2b8: {  	v43 =	vld [tilespmem:s2+$0xF280];
	v47 =	vmul.f32 v8, v2;
	[tilespmem:s2+$0xF080] =	vst v42  }
0x2b9: {  	v46 =	vld [tilespmem:s2+$0xC300];
	v44 =	vmul.f32 v10, v0;
	v45 =	vmul.f32 v11, v1;
	[tilespmem:s2+$0xC080] =	vst v3;
	v3 =	vadd.f32 v40, v39  }
0x2ba: {  	s0 =	sor.u32 s28, s0;
	v48 =	vld [tilespmem:s2+$0xF300];
	v52 =	vmul.f32 v11, v2;
	[tilespmem:s2+$0xF100] =	vst v47  }
0x2bb: {  	v51 =	vld [tilespmem:s0+$0xC000];
	v49 =	vmul.f32 v12, v0;
	v50 =	vmul.f32 v13, v1;
	[tilespmem:s2+$0xC100] =	vst v3;
	v3 =	vadd.f32 v45, v44  }
0x2bc: {  	v53 =	vld [tilespmem:s0+$0xF000];
	v56 =	vmul.f32 v13, v2;
	[tilespmem:s2+$0xF180] =	vst v52  }
0x2bd: {  	v54 =	vmul.f32 v41, v0;
	v55 =	vmul.f32 v43, v1;
	[tilespmem:s2+$0xC180] =	vst v3;
	v3 =	vadd.f32 v50, v49  }
0x2be: {  	v59 =	vmul.f32 v43, v2;
	[tilespmem:s2+$0xF200] =	vst v56  }
0x2bf: {  	v57 =	vmul.f32 v46, v0;
	v58 =	vmul.f32 v48, v1;
	[tilespmem:s2+$0xC200] =	vst v3;
	v3 =	vadd.f32 v55, v54  }
0x2c0: {  	p1 =	por p0, p0;
	v62 =	vmul.f32 v48, v2;
	[tilespmem:s2+$0xF280] =	vst v59  }
.Ltmp20:
0x2c1: {  	v60 =	vmul.f32 v51, v0;
	v61 =	vmul.f32 v53, v1;
	[tilespmem:s2+$0xC280] =	vst v3;
	v3 =	vadd.f32 v58, v57;
	(pc) =	sbr.rel @p1 .LBB2_43-.Ltmp20, $4  }
0x2c2: {  	v63 =	vmul.f32 v53, v2;
	[tilespmem:s2+$0xF300] =	vst v62  }
0x2c3: {  	[tilespmem:s2+$0xC300] =	vst v3;
	v3 =	vadd.f32 v61, v60  }
0x2c4: {  	[tilespmem:s0+$0xF000] =	vst v63  }
0x2c5: {  	s29 =	simm.s32 $0x1800;
	p0 =	por $0x0, $0x0;
	[tilespmem:s0+$0xC000] =	vst v3  }
0x2c6: {  	s24 =	sadd.s32 $0x1, s24  }
0x2c7: {  	p0 =	sne.s32 s24, $0x30  }
.Ltmp21:
0x2c8: {  	_ = 	snop;
	(pc) =	sbr.rel @p0 .LBB2_42-.Ltmp21, $1  }
0x2c9: {  	_ =	sdelay $0x3  }
0x2ca: {  	s0 =	sld [smem:$0x7E6];
	_ =	sdelay $0x1  }
0x2cb: {  	s24 =	simm.s32 $0x0;
	s29 =	sld [smem:$0x7E8]  }
0x2cc: {  	[hbm4b:s0+s24] =	stream.linear.scatter [tilespmem:s11], [sflag:$0x7], $0x3000, $0x38;
	[tilespmem:$0x18C00] =	vst v63  }
0x2cd: {  	_ = 	snop  }
0x2ce: {  	[hbm4b:s29+s24] =	stream.linear.scatter [tilespmem:s12], [sflag:$0x7], $0x3000, $0x38;
	[tilespmem:$0x18C00] =	vst v63  }
0x2cf: {  	_ =	swait.ge [sflag:s20], $0x3000  }
0x2d0: {  	[sflag:s20] =	ssyncset.done $0x0  }
0x2d1: {  	[sflag:s20] =	ssyncadd.s32 $0xFFFFD000  }
0x2d2: {  	_ =	swait.ge [sflag:s20], $0x3000  }
0x2d3: {  	s30 =	sld [smem:$0x7F3]  }
0x2d4: {  	[sflag:s20] =	ssyncset.done $0x0  }
0x2d5: {  	s31 =	sld [smem:$0x7F4];
	[sflag:s20] =	ssyncadd.s32 $0xFFFFD000  }
0x2d6: {  	[tilespmem:s9], [sflag:$0x2] =	stream.linear.gather [hbm4b:s30+s24], $0x3000, $0x38;
	[tilespmem:$0x18C00] =	vst v63  }
0x2d7: {  	_ = 	snop  }
0x2d8: {  	[tilespmem:s10], [sflag:$0x2] =	stream.linear.gather [hbm4b:s31+s24], $0x3000, $0x38;
	[tilespmem:$0x18C00] =	vst v63  }
0x2d9: {  	_ =	swait.ge [sflag:s13], $0x3000  }
0x2da: {  	[sflag:s13] =	ssyncset.done $0x0  }
0x2db: {  	[sflag:s13] =	ssyncadd.s32 $0xFFFFD000  }
0x2dc: {  	_ =	swait.ge [sflag:s13], $0x3000  }
0x2dd: {  	[sflag:s13] =	ssyncset.done $0x0  }
0x2de: {  	[sflag:s13] =	ssyncadd.s32 $0xFFFFD000  }
.LBB2_46:
0x2df: {  	s0 =	sshll.u32 s24, $0x4;
	s2 =	sshll.u32 s24, $0x6  }
0x2e0: {  	s25 =	sand.u32 $0x70, s0;
	s2 =	sand.u32 $0x3FFFFE00, s2  }
0x2e1: {  	s2 =	sor.u32 s25, s2  }
0x2e2: {  	s3 =	sadd.s32 $0x18000, s2;
	v0 =	vld [tilespmem:s2+$0x18000]  }
0x2e3: {  	s31 =	sshll.u32 s24, $0x7;
	p0 =	por $0x1, $0x1;
	v1 =	vld [tilespmem:s3+$0x80]  }
0x2e4: {  	s29 =	simm.s32 $0x0;
	s26 =	sand.u32 $0xFFFFFC00, s31;
	s28 =	sor.u32 $0x380, s0;
	v2 =	vld [tilespmem:s3+$0x100]  }
.LBB2_47:
0x2e5: {  	s0 =	sadd.s32 s26, s29  }
0x2e6: {  	s2 =	sor.u32 s25, s0  }
0x2e7: {  	v3 =	vld [tilespmem:s2+$0x12000]  }
0x2e8: {  	v4 =	vld [tilespmem:s2+$0x15000]  }
0x2e9: {  	v5 =	vld [tilespmem:s2+$0x12080]  }
0x2ea: {  	v6 =	vld [tilespmem:s2+$0x15080]  }
0x2eb: {  	v7 =	vld [tilespmem:s2+$0x12100]  }
0x2ec: {  	v8 =	vld [tilespmem:s2+$0x15100]  }
0x2ed: {  	v10 =	vld [tilespmem:s2+$0x12180];
	v3 =	vmul.f32 v3, v0;
	v9 =	vmul.f32 v4, v1  }
0x2ee: {  	v11 =	vld [tilespmem:s2+$0x15180];
	v4 =	vmul.f32 v4, v2  }
0x2ef: {  	v12 =	vld [tilespmem:s2+$0x12200];
	v5 =	vmul.f32 v5, v0;
	v38 =	vmul.f32 v6, v1;
	v3 =	vadd.f32 v9, v3  }
0x2f0: {  	v13 =	vld [tilespmem:s2+$0x15200];
	v42 =	vmul.f32 v6, v2;
	[tilespmem:s2+$0x15000] =	vst v4  }
0x2f1: {  	v41 =	vld [tilespmem:s2+$0x12280];
	v39 =	vmul.f32 v7, v0;
	v40 =	vmul.f32 v8, v1;
	[tilespmem:s2+$0x12000] =	vst v3;
	v3 =	vadd.f32 v38, v5  }
0x2f2: {  	v43 =	vld [tilespmem:s2+$0x15280];
	v47 =	vmul.f32 v8, v2;
	[tilespmem:s2+$0x15080] =	vst v42  }
0x2f3: {  	v46 =	vld [tilespmem:s2+$0x12300];
	v44 =	vmul.f32 v10, v0;
	v45 =	vmul.f32 v11, v1;
	[tilespmem:s2+$0x12080] =	vst v3;
	v3 =	vadd.f32 v40, v39  }
0x2f4: {  	s0 =	sor.u32 s28, s0;
	v48 =	vld [tilespmem:s2+$0x15300];
	v52 =	vmul.f32 v11, v2;
	[tilespmem:s2+$0x15100] =	vst v47  }
0x2f5: {  	v51 =	vld [tilespmem:s0+$0x12000];
	v49 =	vmul.f32 v12, v0;
	v50 =	vmul.f32 v13, v1;
	[tilespmem:s2+$0x12100] =	vst v3;
	v3 =	vadd.f32 v45, v44  }
0x2f6: {  	v53 =	vld [tilespmem:s0+$0x15000];
	v56 =	vmul.f32 v13, v2;
	[tilespmem:s2+$0x15180] =	vst v52  }
0x2f7: {  	v54 =	vmul.f32 v41, v0;
	v55 =	vmul.f32 v43, v1;
	[tilespmem:s2+$0x12180] =	vst v3;
	v3 =	vadd.f32 v50, v49  }
0x2f8: {  	v59 =	vmul.f32 v43, v2;
	[tilespmem:s2+$0x15200] =	vst v56  }
0x2f9: {  	v57 =	vmul.f32 v46, v0;
	v58 =	vmul.f32 v48, v1;
	[tilespmem:s2+$0x12200] =	vst v3;
	v3 =	vadd.f32 v55, v54  }
0x2fa: {  	p1 =	por p0, p0;
	v62 =	vmul.f32 v48, v2;
	[tilespmem:s2+$0x15280] =	vst v59  }
.Ltmp22:
0x2fb: {  	v60 =	vmul.f32 v51, v0;
	v61 =	vmul.f32 v53, v1;
	[tilespmem:s2+$0x12280] =	vst v3;
	v3 =	vadd.f32 v58, v57;
	(pc) =	sbr.rel @p1 .LBB2_47-.Ltmp22, $4  }
0x2fc: {  	v63 =	vmul.f32 v53, v2;
	[tilespmem:s2+$0x15300] =	vst v62  }
0x2fd: {  	[tilespmem:s2+$0x12300] =	vst v3;
	v3 =	vadd.f32 v61, v60  }
0x2fe: {  	[tilespmem:s0+$0x15000] =	vst v63  }
0x2ff: {  	s29 =	simm.s32 $0x1800;
	p0 =	por $0x0, $0x0;
	[tilespmem:s0+$0x12000] =	vst v3  }
0x300: {  	s24 =	sadd.s32 $0x1, s24  }
0x301: {  	p0 =	sne.s32 s24, $0x30  }
.Ltmp23:
0x302: {  	_ = 	snop;
	(pc) =	sbr.rel @p0 .LBB2_46-.Ltmp23, $1  }
0x303: {  	_ =	sdelay $0x3  }
0x304: {  	s0 =	sld [smem:$0x7EA];
	_ =	sdelay $0x1  }
0x305: {  	s24 =	simm.s32 $0x0;
	s29 =	sld [smem:$0x7EC]  }
0x306: {  	[hbm4b:s0+s24] =	stream.linear.scatter [tilespmem:s15], [sflag:$0x8], $0x3000, $0x38;
	[tilespmem:$0x18C00] =	vst v63  }
0x307: {  	_ = 	snop  }
0x308: {  	[hbm4b:s29+s24] =	stream.linear.scatter [tilespmem:s16], [sflag:$0x8], $0x3000, $0x38;
	[tilespmem:$0x18C00] =	vst v63  }
0x309: {  	_ =	swait.ge [sflag:s21], $0x3000  }
0x30a: {  	[sflag:s21] =	ssyncset.done $0x0  }
0x30b: {  	[sflag:s21] =	ssyncadd.s32 $0xFFFFD000  }
0x30c: {  	_ =	swait.ge [sflag:s21], $0x3000  }
0x30d: {  	s30 =	sld [smem:$0x7F5]  }
0x30e: {  	[sflag:s21] =	ssyncset.done $0x0  }
0x30f: {  	s31 =	sld [smem:$0x7F6];
	[sflag:s21] =	ssyncadd.s32 $0xFFFFD000  }
0x310: {  	[tilespmem:s11], [sflag:$0x3] =	stream.linear.gather [hbm4b:s30+s24], $0x3000, $0x38;
	[tilespmem:$0x18C00] =	vst v63  }
0x311: {  	_ = 	snop  }
0x312: {  	[tilespmem:s12], [sflag:$0x3] =	stream.linear.gather [hbm4b:s31+s24], $0x3000, $0x38;
	[tilespmem:$0x18C00] =	vst v63  }
0x313: {  	_ =	swait.ge [sflag:s14], $0x3000  }
0x314: {  	[sflag:s14] =	ssyncset.done $0x0  }
0x315: {  	[sflag:s14] =	ssyncadd.s32 $0xFFFFD000  }
0x316: {  	_ =	swait.ge [sflag:s14], $0x3000  }
0x317: {  	[sflag:s14] =	ssyncset.done $0x0  }
0x318: {  	[sflag:s14] =	ssyncadd.s32 $0xFFFFD000  }
.LBB2_50:
0x319: {  	s0 =	sshll.u32 s24, $0x4;
	s2 =	sshll.u32 s24, $0x6  }
0x31a: {  	s25 =	sand.u32 $0x70, s0;
	s2 =	sand.u32 $0x3FFFFE00, s2  }
0x31b: {  	s2 =	sor.u32 s25, s2  }
0x31c: {  	s3 =	sadd.s32 $0x18000, s2;
	v0 =	vld [tilespmem:s2+$0x18000]  }
0x31d: {  	s31 =	sshll.u32 s24, $0x7;
	p0 =	por $0x1, $0x1;
	v1 =	vld [tilespmem:s3+$0x80]  }
0x31e: {  	s29 =	simm.s32 $0x0;
	s26 =	sand.u32 $0xFFFFFC00, s31;
	s28 =	sor.u32 $0x380, s0;
	v2 =	vld [tilespmem:s3+$0x100]  }
.LBB2_51:
0x31f: {  	s0 =	sadd.s32 s26, s29  }
0x320: {  	s29 =	sor.u32 s25, s0  }
0x321: {  	v3 =	vld [tilespmem:s29+$0x0]  }
0x322: {  	v5 =	vld [tilespmem:s29+$0x3080]  }
0x323: {  	v7 =	vld [tilespmem:s29+$0x3100]  }
0x324: {  	v9 =	vld [tilespmem:s29+$0x3180]  }
0x325: {  	v11 =	vld [tilespmem:s29+$0x3200]  }
0x326: {  	s0 =	sor.u32 s28, s0;
	v14 =	vld [tilespmem:s29+$0x3000]  }
0x327: {  	s3 =	sor.u32 $0x100, s29;
	v55 =	vld [tilespmem:s0+$0x0]  }
0x328: {  	v6 =	vld [tilespmem:s3+$0x0]  }
0x329: {  	s2 =	sor.u32 $0x80, s29;
	v56 =	vld [tilespmem:s0+$0x3000]  }
0x32a: {  	s4 =	sor.u32 $0x180, s29;
	v4 =	vld [tilespmem:s2+$0x0]  }
0x32b: {  	s30 =	sor.u32 $0x200, s29;
	v8 =	vld [tilespmem:s4+$0x0];
	v16 =	vmul.f32 v7, v1  }
0x32c: {  	v10 =	vld [tilespmem:s30+$0x0];
	v3 =	vmul.f32 v3, v0;
	v50 =	vmul.f32 v14, v1  }
0x32d: {  	s31 =	sor.u32 $0x280, s29;
	v13 =	vld [tilespmem:s29+$0x3280];
	v54 =	vmul.f32 v14, v2;
	v6 =	vmul.f32 v6, v0  }
0x32e: {  	v12 =	vld [tilespmem:s31+$0x0];
	v61 =	vmul.f32 v55, v0;
	v62 =	vmul.f32 v56, v1;
	v3 =	vadd.f32 v50, v3  }
0x32f: {  	v15 =	vmul.f32 v5, v1;
	v4 =	vmul.f32 v4, v0;
	[tilespmem:s29+$0x3000] =	vst v54;
	v6 =	vadd.f32 v16, v6  }
0x330: {  	v44 =	vmul.f32 v9, v1;
	v8 =	vmul.f32 v8, v0;
	v63 =	vadd.f32 v62, v61;
	[tilespmem:s29+$0x0] =	vst v3  }
0x331: {  	v53 =	vld [tilespmem:s29+$0x3300];
	v45 =	vmul.f32 v11, v1;
	v10 =	vmul.f32 v10, v0;
	v4 =	vadd.f32 v15, v4;
	[tilespmem:s3+$0x0] =	vst v6;
	s3 =	sor.u32 $0x300, s29  }
0x332: {  	v46 =	vadd.f32 v44, v8;
	[tilespmem:s0+$0x0] =	vst v63;
	v52 =	vld [tilespmem:s3+$0x0]  }
0x333: {  	v48 =	vmul.f32 v13, v1;
	v47 =	vmul.f32 v12, v0;
	v49 =	vadd.f32 v45, v10;
	[tilespmem:s2+$0x0] =	vst v4  }
0x334: {  	v3 =	vmul.f32 v5, v2;
	[tilespmem:s4+$0x0] =	vst v46  }
0x335: {  	v51 =	vadd.f32 v48, v47;
	[tilespmem:s30+$0x0] =	vst v49  }
0x336: {  	v57 =	vmul.f32 v7, v2;
	[tilespmem:s29+$0x3080] =	vst v3;
	v3 =	vmul.f32 v9, v2  }
0x337: {  	v60 =	vmul.f32 v53, v1;
	[tilespmem:s31+$0x0] =	vst v51;
	v59 =	vmul.f32 v52, v0  }
0x338: {  	[tilespmem:s29+$0x3180] =	vst v3;
	v3 =	vmul.f32 v13, v2  }
0x339: {  	p1 =	por p0, p0;
	[tilespmem:s29+$0x3100] =	vst v57;
	v4 =	vadd.f32 v60, v59  }
.Ltmp24:
0x33a: {  	[tilespmem:s29+$0x3280] =	vst v3;
	v3 =	vmul.f32 v53, v2;
	(pc) =	sbr.rel @p1 .LBB2_51-.Ltmp24, $4  }
0x33b: {  	v58 =	vmul.f32 v11, v2;
	[tilespmem:s3+$0x0] =	vst v4  }
0x33c: {  	[tilespmem:s29+$0x3300] =	vst v3;
	v3 =	vmul.f32 v56, v2  }
0x33d: {  	[tilespmem:s29+$0x3200] =	vst v58  }
0x33e: {  	p0 =	por $0x0, $0x0;
	s29 =	simm.s32 $0x1800;
	[tilespmem:s0+$0x3000] =	vst v3  }
0x33f: {  	s24 =	sadd.s32 $0x1, s24  }
0x340: {  	p0 =	sne.s32 s24, $0x30  }
.Ltmp25:
0x341: {  	_ = 	snop;
	(pc) =	sbr.rel @p0 .LBB2_50-.Ltmp25, $1  }
0x342: {  	_ =	sdelay $0x3  }
0x343: {  	s0 =	sld [smem:$0x7EE];
	_ =	sdelay $0x1  }
0x344: {  	s24 =	simm.s32 $0x0;
	s29 =	sld [smem:$0x7F0]  }
0x345: {  	[hbm4b:s0+s24] =	stream.linear.scatter [tilespmem:s24], [sflag:$0x5], $0x3000, $0x38;
	[tilespmem:$0x18C00] =	vst v63  }
0x346: {  	_ = 	snop  }
0x347: {  	[hbm4b:s29+s24] =	stream.linear.scatter [tilespmem:s8], [sflag:$0x5], $0x3000, $0x38;
	[tilespmem:$0x18C00] =	vst v63  }
0x348: {  	_ =	swait.ge [sflag:s22], $0x3000  }
0x349: {  	[sflag:s22] =	ssyncset.done $0x0  }
0x34a: {  	[sflag:s22] =	ssyncadd.s32 $0xFFFFD000  }
0x34b: {  	_ =	swait.ge [sflag:s22], $0x3000  }
0x34c: {  	s30 =	sld [smem:$0x7F7]  }
0x34d: {  	[sflag:s22] =	ssyncset.done $0x0  }
0x34e: {  	s31 =	sld [smem:$0x7F8];
	[sflag:s22] =	ssyncadd.s32 $0xFFFFD000  }
0x34f: {  	[tilespmem:s15], [sflag:$0x4] =	stream.linear.gather [hbm4b:s30+s24], $0x3000, $0x38;
	[tilespmem:$0x18C00] =	vst v63  }
0x350: {  	_ = 	snop  }
0x351: {  	[tilespmem:s16], [sflag:$0x4] =	stream.linear.gather [hbm4b:s31+s24], $0x3000, $0x38;
	[tilespmem:$0x18C00] =	vst v63  }
0x352: {  	_ =	swait.ge [sflag:s17], $0x3000  }
0x353: {  	[sflag:s17] =	ssyncset.done $0x0  }
0x354: {  	[sflag:s17] =	ssyncadd.s32 $0xFFFFD000  }
0x355: {  	_ =	swait.ge [sflag:s17], $0x3000  }
0x356: {  	[sflag:s17] =	ssyncset.done $0x0  }
0x357: {  	[sflag:s17] =	ssyncadd.s32 $0xFFFFD000  }
.LBB2_54:
0x358: {  	s0 =	sshll.u32 s24, $0x4;
	s2 =	sshll.u32 s24, $0x6  }
0x359: {  	s25 =	sand.u32 $0x70, s0;
	s2 =	sand.u32 $0x3FFFFE00, s2  }
0x35a: {  	s2 =	sor.u32 s25, s2  }
0x35b: {  	s3 =	sadd.s32 $0x18000, s2;
	v0 =	vld [tilespmem:s2+$0x18000]  }
0x35c: {  	s31 =	sshll.u32 s24, $0x7;
	p0 =	por $0x1, $0x1;
	v1 =	vld [tilespmem:s3+$0x80]  }
0x35d: {  	s29 =	simm.s32 $0x0;
	s26 =	sand.u32 $0xFFFFFC00, s31;
	s28 =	sor.u32 $0x380, s0;
	v2 =	vld [tilespmem:s3+$0x100]  }
.LBB2_55:
0x35e: {  	s0 =	sadd.s32 s26, s29  }
0x35f: {  	s2 =	sor.u32 s25, s0  }
0x360: {  	v3 =	vld [tilespmem:s2+$0x6000]  }
0x361: {  	v4 =	vld [tilespmem:s2+$0x9000]  }
0x362: {  	v5 =	vld [tilespmem:s2+$0x6080]  }
0x363: {  	v6 =	vld [tilespmem:s2+$0x9080]  }
0x364: {  	v7 =	vld [tilespmem:s2+$0x6100]  }
0x365: {  	v8 =	vld [tilespmem:s2+$0x9100]  }
0x366: {  	v10 =	vld [tilespmem:s2+$0x6180];
	v3 =	vmul.f32 v3, v0;
	v9 =	vmul.f32 v4, v1  }
0x367: {  	v11 =	vld [tilespmem:s2+$0x9180];
	v4 =	vmul.f32 v4, v2  }
0x368: {  	v12 =	vld [tilespmem:s2+$0x6200];
	v5 =	vmul.f32 v5, v0;
	v38 =	vmul.f32 v6, v1;
	v3 =	vadd.f32 v9, v3  }
0x369: {  	v13 =	vld [tilespmem:s2+$0x9200];
	v42 =	vmul.f32 v6, v2;
	[tilespmem:s2+$0x9000] =	vst v4  }
0x36a: {  	v41 =	vld [tilespmem:s2+$0x6280];
	v39 =	vmul.f32 v7, v0;
	v40 =	vmul.f32 v8, v1;
	[tilespmem:s2+$0x6000] =	vst v3;
	v3 =	vadd.f32 v38, v5  }
0x36b: {  	v43 =	vld [tilespmem:s2+$0x9280];
	v47 =	vmul.f32 v8, v2;
	[tilespmem:s2+$0x9080] =	vst v42  }
0x36c: {  	v46 =	vld [tilespmem:s2+$0x6300];
	v44 =	vmul.f32 v10, v0;
	v45 =	vmul.f32 v11, v1;
	[tilespmem:s2+$0x6080] =	vst v3;
	v3 =	vadd.f32 v40, v39  }
0x36d: {  	s0 =	sor.u32 s28, s0;
	v48 =	vld [tilespmem:s2+$0x9300];
	v52 =	vmul.f32 v11, v2;
	[tilespmem:s2+$0x9100] =	vst v47  }
0x36e: {  	v51 =	vld [tilespmem:s0+$0x6000];
	v49 =	vmul.f32 v12, v0;
	v50 =	vmul.f32 v13, v1;
	[tilespmem:s2+$0x6100] =	vst v3;
	v3 =	vadd.f32 v45, v44  }
0x36f: {  	v53 =	vld [tilespmem:s0+$0x9000];
	v56 =	vmul.f32 v13, v2;
	[tilespmem:s2+$0x9180] =	vst v52  }
0x370: {  	v54 =	vmul.f32 v41, v0;
	v55 =	vmul.f32 v43, v1;
	[tilespmem:s2+$0x6180] =	vst v3;
	v3 =	vadd.f32 v50, v49  }
0x371: {  	v59 =	vmul.f32 v43, v2;
	[tilespmem:s2+$0x9200] =	vst v56  }
0x372: {  	v57 =	vmul.f32 v46, v0;
	v58 =	vmul.f32 v48, v1;
	[tilespmem:s2+$0x6200] =	vst v3;
	v3 =	vadd.f32 v55, v54  }
0x373: {  	p1 =	por p0, p0;
	v62 =	vmul.f32 v48, v2;
	[tilespmem:s2+$0x9280] =	vst v59  }
.Ltmp26:
0x374: {  	v60 =	vmul.f32 v51, v0;
	v61 =	vmul.f32 v53, v1;
	[tilespmem:s2+$0x6280] =	vst v3;
	v3 =	vadd.f32 v58, v57;
	(pc) =	sbr.rel @p1 .LBB2_55-.Ltmp26, $4  }
0x375: {  	v63 =	vmul.f32 v53, v2;
	[tilespmem:s2+$0x9300] =	vst v62  }
0x376: {  	[tilespmem:s2+$0x6300] =	vst v3;
	v3 =	vadd.f32 v61, v60  }
0x377: {  	[tilespmem:s0+$0x9000] =	vst v63  }
0x378: {  	s29 =	simm.s32 $0x1800;
	p0 =	por $0x0, $0x0;
	[tilespmem:s0+$0x6000] =	vst v3  }
0x379: {  	s24 =	sadd.s32 $0x1, s24  }
0x37a: {  	p0 =	sne.s32 s24, $0x30  }
.Ltmp27:
0x37b: {  	_ = 	snop;
	(pc) =	sbr.rel @p0 .LBB2_54-.Ltmp27, $1  }
0x37c: {  	_ =	sdelay $0x3  }
0x37d: {  	s0 =	sld [smem:$0x7F9];
	_ =	sdelay $0x1  }
0x37e: {  	s24 =	simm.s32 $0x0;
	s31 =	sld [smem:$0x7FA]  }
0x37f: {  	[hbm4b:s0+s24] =	stream.linear.scatter [tilespmem:s9], [sflag:$0x6], $0x3000, $0x38;
	[tilespmem:$0x18C00] =	vst v63  }
0x380: {  	_ = 	snop  }
0x381: {  	[hbm4b:s31+s24] =	stream.linear.scatter [tilespmem:s10], [sflag:$0x6], $0x3000, $0x38;
	[tilespmem:$0x18C00] =	vst v63  }
0x382: {  	_ =	swait.ge [sflag:s19], $0x3000  }
0x383: {  	[sflag:s19] =	ssyncset.done $0x0  }
0x384: {  	[sflag:s19] =	ssyncadd.s32 $0xFFFFD000  }
0x385: {  	_ =	swait.ge [sflag:s19], $0x3000  }
0x386: {  	[sflag:s19] =	ssyncset.done $0x0  }
0x387: {  	[sflag:s19] =	ssyncadd.s32 $0xFFFFD000  }
.LBB2_58:
0x388: {  	s0 =	sshll.u32 s24, $0x4;
	s2 =	sshll.u32 s24, $0x6  }
0x389: {  	s25 =	sand.u32 $0x70, s0;
	s2 =	sand.u32 $0x3FFFFE00, s2  }
0x38a: {  	s2 =	sor.u32 s25, s2  }
0x38b: {  	s3 =	sadd.s32 $0x18000, s2;
	v0 =	vld [tilespmem:s2+$0x18000]  }
0x38c: {  	s31 =	sshll.u32 s24, $0x7;
	p0 =	por $0x1, $0x1;
	v1 =	vld [tilespmem:s3+$0x80]  }
0x38d: {  	s29 =	simm.s32 $0x0;
	s26 =	sand.u32 $0xFFFFFC00, s31;
	s28 =	sor.u32 $0x380, s0;
	v2 =	vld [tilespmem:s3+$0x100]  }
.LBB2_59:
0x38e: {  	s0 =	sadd.s32 s26, s29  }
0x38f: {  	s2 =	sor.u32 s25, s0  }
0x390: {  	v3 =	vld [tilespmem:s2+$0xC000]  }
0x391: {  	v4 =	vld [tilespmem:s2+$0xF000]  }
0x392: {  	v5 =	vld [tilespmem:s2+$0xC080]  }
0x393: {  	v6 =	vld [tilespmem:s2+$0xF080]  }
0x394: {  	v7 =	vld [tilespmem:s2+$0xC100]  }
0x395: {  	v8 =	vld [tilespmem:s2+$0xF100]  }
0x396: {  	v10 =	vld [tilespmem:s2+$0xC180];
	v3 =	vmul.f32 v3, v0;
	v9 =	vmul.f32 v4, v1  }
0x397: {  	v11 =	vld [tilespmem:s2+$0xF180];
	v4 =	vmul.f32 v4, v2  }
0x398: {  	v12 =	vld [tilespmem:s2+$0xC200];
	v5 =	vmul.f32 v5, v0;
	v38 =	vmul.f32 v6, v1;
	v3 =	vadd.f32 v9, v3  }
0x399: {  	v13 =	vld [tilespmem:s2+$0xF200];
	v42 =	vmul.f32 v6, v2;
	[tilespmem:s2+$0xF000] =	vst v4  }
0x39a: {  	v41 =	vld [tilespmem:s2+$0xC280];
	v39 =	vmul.f32 v7, v0;
	v40 =	vmul.f32 v8, v1;
	[tilespmem:s2+$0xC000] =	vst v3;
	v3 =	vadd.f32 v38, v5  }
0x39b: {  	v43 =	vld [tilespmem:s2+$0xF280];
	v47 =	vmul.f32 v8, v2;
	[tilespmem:s2+$0xF080] =	vst v42  }
0x39c: {  	v46 =	vld [tilespmem:s2+$0xC300];
	v44 =	vmul.f32 v10, v0;
	v45 =	vmul.f32 v11, v1;
	[tilespmem:s2+$0xC080] =	vst v3;
	v3 =	vadd.f32 v40, v39  }
0x39d: {  	s0 =	sor.u32 s28, s0;
	v48 =	vld [tilespmem:s2+$0xF300];
	v52 =	vmul.f32 v11, v2;
	[tilespmem:s2+$0xF100] =	vst v47  }
0x39e: {  	v51 =	vld [tilespmem:s0+$0xC000];
	v49 =	vmul.f32 v12, v0;
	v50 =	vmul.f32 v13, v1;
	[tilespmem:s2+$0xC100] =	vst v3;
	v3 =	vadd.f32 v45, v44  }
0x39f: {  	v53 =	vld [tilespmem:s0+$0xF000];
	v56 =	vmul.f32 v13, v2;
	[tilespmem:s2+$0xF180] =	vst v52  }
0x3a0: {  	v54 =	vmul.f32 v41, v0;
	v55 =	vmul.f32 v43, v1;
	[tilespmem:s2+$0xC180] =	vst v3;
	v3 =	vadd.f32 v50, v49  }
0x3a1: {  	v59 =	vmul.f32 v43, v2;
	[tilespmem:s2+$0xF200] =	vst v56  }
0x3a2: {  	v57 =	vmul.f32 v46, v0;
	v58 =	vmul.f32 v48, v1;
	[tilespmem:s2+$0xC200] =	vst v3;
	v3 =	vadd.f32 v55, v54  }
0x3a3: {  	p1 =	por p0, p0;
	v62 =	vmul.f32 v48, v2;
	[tilespmem:s2+$0xF280] =	vst v59  }
.Ltmp28:
0x3a4: {  	v60 =	vmul.f32 v51, v0;
	v61 =	vmul.f32 v53, v1;
	[tilespmem:s2+$0xC280] =	vst v3;
	v3 =	vadd.f32 v58, v57;
	(pc) =	sbr.rel @p1 .LBB2_59-.Ltmp28, $4  }
0x3a5: {  	v63 =	vmul.f32 v53, v2;
	[tilespmem:s2+$0xF300] =	vst v62  }
0x3a6: {  	[tilespmem:s2+$0xC300] =	vst v3;
	v3 =	vadd.f32 v61, v60  }
0x3a7: {  	[tilespmem:s0+$0xF000] =	vst v63  }
0x3a8: {  	s29 =	simm.s32 $0x1800;
	p0 =	por $0x0, $0x0;
	[tilespmem:s0+$0xC000] =	vst v3  }
0x3a9: {  	s24 =	sadd.s32 $0x1, s24  }
0x3aa: {  	p0 =	sne.s32 s24, $0x30  }
.Ltmp29:
0x3ab: {  	_ = 	snop;
	(pc) =	sbr.rel @p0 .LBB2_58-.Ltmp29, $1  }
0x3ac: {  	_ =	sdelay $0x3  }
0x3ad: {  	s0 =	sld [smem:$0x7FB];
	_ =	sdelay $0x1  }
0x3ae: {  	s24 =	simm.s32 $0x0;
	s31 =	sld [smem:$0x7FC]  }
0x3af: {  	[hbm4b:s0+s24] =	stream.linear.scatter [tilespmem:s11], [sflag:$0x7], $0x3000, $0x38;
	[tilespmem:$0x18C00] =	vst v63  }
0x3b0: {  	_ = 	snop  }
0x3b1: {  	[hbm4b:s31+s24] =	stream.linear.scatter [tilespmem:s12], [sflag:$0x7], $0x3000, $0x38;
	[tilespmem:$0x18C00] =	vst v63  }
0x3b2: {  	_ =	swait.ge [sflag:s13], $0x3000  }
0x3b3: {  	[sflag:s13] =	ssyncset.done $0x0  }
0x3b4: {  	[sflag:s13] =	ssyncadd.s32 $0xFFFFD000  }
0x3b5: {  	_ =	swait.ge [sflag:s13], $0x3000  }
0x3b6: {  	[sflag:s13] =	ssyncset.done $0x0  }
0x3b7: {  	[sflag:s13] =	ssyncadd.s32 $0xFFFFD000  }
.LBB2_62:
0x3b8: {  	s0 =	sshll.u32 s24, $0x4;
	s2 =	sshll.u32 s24, $0x6  }
0x3b9: {  	s25 =	sand.u32 $0x70, s0;
	s2 =	sand.u32 $0x3FFFFE00, s2  }
0x3ba: {  	s2 =	sor.u32 s25, s2  }
0x3bb: {  	s3 =	sadd.s32 $0x18000, s2;
	v0 =	vld [tilespmem:s2+$0x18000]  }
0x3bc: {  	s31 =	sshll.u32 s24, $0x7;
	p0 =	por $0x1, $0x1;
	v1 =	vld [tilespmem:s3+$0x80]  }
0x3bd: {  	s29 =	simm.s32 $0x0;
	s26 =	sand.u32 $0xFFFFFC00, s31;
	s28 =	sor.u32 $0x380, s0;
	v2 =	vld [tilespmem:s3+$0x100]  }
.LBB2_63:
0x3be: {  	s0 =	sadd.s32 s26, s29  }
0x3bf: {  	s2 =	sor.u32 s25, s0  }
0x3c0: {  	v3 =	vld [tilespmem:s2+$0x12000]  }
0x3c1: {  	v4 =	vld [tilespmem:s2+$0x15000]  }
0x3c2: {  	v5 =	vld [tilespmem:s2+$0x12080]  }
0x3c3: {  	v6 =	vld [tilespmem:s2+$0x15080]  }
0x3c4: {  	v7 =	vld [tilespmem:s2+$0x12100]  }
0x3c5: {  	v8 =	vld [tilespmem:s2+$0x15100]  }
0x3c6: {  	v10 =	vld [tilespmem:s2+$0x12180];
	v3 =	vmul.f32 v3, v0;
	v9 =	vmul.f32 v4, v1  }
0x3c7: {  	v11 =	vld [tilespmem:s2+$0x15180];
	v4 =	vmul.f32 v4, v2  }
0x3c8: {  	v12 =	vld [tilespmem:s2+$0x12200];
	v5 =	vmul.f32 v5, v0;
	v38 =	vmul.f32 v6, v1;
	v3 =	vadd.f32 v9, v3  }
0x3c9: {  	v13 =	vld [tilespmem:s2+$0x15200];
	v42 =	vmul.f32 v6, v2;
	[tilespmem:s2+$0x15000] =	vst v4  }
0x3ca: {  	v41 =	vld [tilespmem:s2+$0x12280];
	v39 =	vmul.f32 v7, v0;
	v40 =	vmul.f32 v8, v1;
	[tilespmem:s2+$0x12000] =	vst v3;
	v3 =	vadd.f32 v38, v5  }
0x3cb: {  	v43 =	vld [tilespmem:s2+$0x15280];
	v47 =	vmul.f32 v8, v2;
	[tilespmem:s2+$0x15080] =	vst v42  }
0x3cc: {  	v46 =	vld [tilespmem:s2+$0x12300];
	v44 =	vmul.f32 v10, v0;
	v45 =	vmul.f32 v11, v1;
	[tilespmem:s2+$0x12080] =	vst v3;
	v3 =	vadd.f32 v40, v39  }
0x3cd: {  	s0 =	sor.u32 s28, s0;
	v48 =	vld [tilespmem:s2+$0x15300];
	v52 =	vmul.f32 v11, v2;
	[tilespmem:s2+$0x15100] =	vst v47  }
0x3ce: {  	v51 =	vld [tilespmem:s0+$0x12000];
	v49 =	vmul.f32 v12, v0;
	v50 =	vmul.f32 v13, v1;
	[tilespmem:s2+$0x12100] =	vst v3;
	v3 =	vadd.f32 v45, v44  }
0x3cf: {  	v53 =	vld [tilespmem:s0+$0x15000];
	v56 =	vmul.f32 v13, v2;
	[tilespmem:s2+$0x15180] =	vst v52  }
0x3d0: {  	v54 =	vmul.f32 v41, v0;
	v55 =	vmul.f32 v43, v1;
	[tilespmem:s2+$0x12180] =	vst v3;
	v3 =	vadd.f32 v50, v49  }
0x3d1: {  	v59 =	vmul.f32 v43, v2;
	[tilespmem:s2+$0x15200] =	vst v56  }
0x3d2: {  	v57 =	vmul.f32 v46, v0;
	v58 =	vmul.f32 v48, v1;
	[tilespmem:s2+$0x12200] =	vst v3;
	v3 =	vadd.f32 v55, v54  }
0x3d3: {  	p1 =	por p0, p0;
	v62 =	vmul.f32 v48, v2;
	[tilespmem:s2+$0x15280] =	vst v59  }
.Ltmp30:
0x3d4: {  	v60 =	vmul.f32 v51, v0;
	v61 =	vmul.f32 v53, v1;
	[tilespmem:s2+$0x12280] =	vst v3;
	v3 =	vadd.f32 v58, v57;
	(pc) =	sbr.rel @p1 .LBB2_63-.Ltmp30, $4  }
0x3d5: {  	v63 =	vmul.f32 v53, v2;
	[tilespmem:s2+$0x15300] =	vst v62  }
0x3d6: {  	[tilespmem:s2+$0x12300] =	vst v3;
	v3 =	vadd.f32 v61, v60  }
0x3d7: {  	[tilespmem:s0+$0x15000] =	vst v63  }
0x3d8: {  	s29 =	simm.s32 $0x1800;
	p0 =	por $0x0, $0x0;
	[tilespmem:s0+$0x12000] =	vst v3  }
0x3d9: {  	s24 =	sadd.s32 $0x1, s24  }
0x3da: {  	p0 =	sne.s32 s24, $0x30  }
.Ltmp31:
0x3db: {  	_ = 	snop;
	(pc) =	sbr.rel @p0 .LBB2_62-.Ltmp31, $1  }
0x3dc: {  	_ =	sdelay $0x3  }
0x3dd: {  	s0 =	sld [smem:$0x7FD];
	_ =	sdelay $0x2  }
0x3de: {  	[hbm4b:s0+s1] =	stream.linear.scatter [tilespmem:s15], [sflag:$0x8], $0x3000, $0x38;
	[tilespmem:$0x18C00] =	vst v63  }
0x3df: {  	_ = 	snop  }
0x3e0: {  	[hbm4b:s5+s1] =	stream.linear.scatter [tilespmem:s16], [sflag:$0x8], $0x3000, $0x38;
	[tilespmem:$0x18C00] =	vst v63  }
0x3e1: {  	_ =	swait.ge [sflag:s18], $0x3000  }
0x3e2: {  	[sflag:s18] =	ssyncset.done $0x0  }
0x3e3: {  	[sflag:s18] =	ssyncadd.s32 $0xFFFFD000  }
0x3e4: {  	_ =	swait.ge [sflag:s18], $0x3000  }
0x3e5: {  	[sflag:s18] =	ssyncset.done $0x0  }
0x3e6: {  	[sflag:s18] =	ssyncadd.s32 $0xFFFFD000  }
0x3e7: {  	_ =	swait.ge [sflag:s20], $0x3000  }
0x3e8: {  	[sflag:s20] =	ssyncset.done $0x0  }
0x3e9: {  	[sflag:s20] =	ssyncadd.s32 $0xFFFFD000  }
0x3ea: {  	_ =	swait.ge [sflag:s20], $0x3000  }
0x3eb: {  	[sflag:s20] =	ssyncset.done $0x0  }
0x3ec: {  	[sflag:s20] =	ssyncadd.s32 $0xFFFFD000  }
0x3ed: {  	_ =	swait.ge [sflag:s21], $0x3000  }
0x3ee: {  	[sflag:s21] =	ssyncset.done $0x0  }
0x3ef: {  	[sflag:s21] =	ssyncadd.s32 $0xFFFFD000  }
0x3f0: {  	_ =	swait.ge [sflag:s21], $0x3000  }
0x3f1: {  	[sflag:s21] =	ssyncset.done $0x0  }
0x3f2: {  	s23 =	sadd.s32 $0x1, s23;
	[sflag:s21] =	ssyncadd.s32 $0xFFFFD000  }
0x3f3: {  	p0 =	sne.s32 s23, s7;
	_ =	swait.ge [sflag:s22], $0x3000  }
.Ltmp32:
0x3f4: {  	[sflag:s22] =	ssyncset.done $0x0;
	(pc) =	sbr.rel @p0 .LBB2_1-.Ltmp32, $4  }
0x3f5: {  	[sflag:s22] =	ssyncadd.s32 $0xFFFFD000  }
0x3f6: {  	_ =	swait.ge [sflag:s22], $0x3000  }
0x3f7: {  	[sflag:s22] =	ssyncset.done $0x0  }
0x3f8: {  	[sflag:s22] =	ssyncadd.s32 $0xFFFFD000  }
0x3f9: {  	_ =	sfence.sel $0x180000  }
0x3fa: {  	[bflag:$0x0] =	sbarrier.arrive $0xFFFF  }
0x3fb: {  	_ =	strace $0x90000047  }
0x3fc: {  	s0 =	stileid.u32;
	[bflag:$0x2] =	sbarrier.arrive $0xFFFF  }
0x3fd: {  	p0 =	sne.s32 s0, $0x0;
	s0 =	rddreg [dreg:$0x3]  }
0x3fe: {  	s0 =	sadd.s32 @!p0 $0x100000, s0  }
0x3ff: {  	[sflag:s0] =	ssyncadd.tile.s32 @!p0 $0x1;
	_ =	shalt  }
.Lfunc_end2:
_tile_overlayer_lowered:
.L_overlay_start_2:
0x400: {  	(tag) =	ssettag $0x2  }
0x401: {  	s0 =	rddreg [dreg:$0x0];
	s2 =	stileid.u32  }
0x402: {  	s1 =	rddreg [dreg:$0x1];
	p0 =	sne.s32 s2, $0x0  }
0x403: {  	s3 =	rddreg [dreg:$0x2];
	[bflag:$0x3] =	sbarrier.arrive $0xFFFF;
	s2 =	simm.s32 @!p0 $0x1C09  }
0x404: {  	[timem:s3], [sflag:s2] =	dma.local @!p0 [hbm:s0], s1  }
0x405: {  	s0 =	simm.s32 @!p0 $0x9  }
0x406: {  	_ =	swait.ge @!p0 [sflag:s0], s1  }
0x407: {  	s1 =	ssub.s32 @!p0 $0x0, s1;
	[sflag:s0] =	ssyncset.done @!p0 $0x0  }
0x408: {  	[sflag:s0] =	ssyncadd.s32 @!p0 s1  }
0x409: {  	[bflag:$0x3] =	sbarrier.arrive $0xFFFF  }
0x40a: {  	_ =	shalt  }

</sc_bundles>
